<compile_context>
chip_gen: v7x
topology: tpu7x:2x2x1
jax: 0.10.2.dev20260603
libtpu: 0.0.44.dev20260713+nightly
codegen_flags: <defaults>
</compile_context>

<pallas_src>
import functools

import jax
import jax.numpy as jnp
from jax import lax
from jax.experimental import pallas as pl
from jax.experimental.pallas import tpu as pltpu
from jax.experimental.pallas import tpu_sc as plsc

ROWS = 128
COLS = 32768
NUM_CORES = 2
NUM_SUBCORES = 16
LANES = 16
NUM_WORKERS = NUM_CORES * NUM_SUBCORES
ROWS_PER_WORKER = ROWS // NUM_WORKERS
VREGS = COLS // LANES
UNROLL = 16
NBUF = 3


def _bcast_last(v, last_idx):
  return jnp.take(v, last_idx)


def _scan_row(buf, last_idx):
  zero = jnp.zeros((LANES,), jnp.float32)

  def body(g, carry):
    vs = [buf[pl.ds((g + u) * LANES, LANES)] for u in range(UNROLL)]
    scans = [plsc.cumsum(v) for v in vs]
    totals = [_bcast_last(s, last_idx) for s in scans]
    pt = [totals[0]]
    for u in range(1, UNROLL):
      pt.append(pt[u - 1] + totals[u])
    outs = [carry + scans[0]]
    for u in range(1, UNROLL):
      outs.append((carry + pt[u - 1]) + scans[u])
    for u in range(UNROLL):
      buf[pl.ds((g + u) * LANES, LANES)] = outs[u]
    return carry + pt[UNROLL - 1]

  plsc.parallel_loop(0, VREGS, step=UNROLL, carry=zero)(body)


def _body(x_hbm, out_hbm, b0, b1, b2, si0, si1, si2, so0, so1, so2):
  bufs = (b0, b1, b2)
  sin = (si0, si1, si2)
  sout = (so0, so1, so2)
  wid = lax.axis_index("s") * NUM_CORES + lax.axis_index("c")
  base = wid * ROWS_PER_WORKER
  last_idx = jnp.full((LANES,), LANES - 1, jnp.int32)

  ins = [
      pltpu.async_copy(x_hbm.at[base + c], bufs[c], sin[c])
      for c in range(min(NBUF, ROWS_PER_WORKER))
  ]
  outs = [None] * ROWS_PER_WORKER
  out_waited = [False] * ROWS_PER_WORKER
  for c in range(ROWS_PER_WORKER):
    s = c % NBUF
    ins[c].wait()
    _scan_row(bufs[s], last_idx)
    outs[c] = pltpu.async_copy(bufs[s], out_hbm.at[base + c], sout[s])
    nxt = c + 2
    if c >= 1 and nxt < ROWS_PER_WORKER:
      outs[c - 1].wait()
      out_waited[c - 1] = True
      ins.append(
          pltpu.async_copy(x_hbm.at[base + nxt], bufs[nxt % NBUF],
                           sin[nxt % NBUF]))
  for c in range(ROWS_PER_WORKER):
    if not out_waited[c]:
      outs[c].wait()


_cumsum_sc = functools.partial(
    pl.kernel,
    out_type=jax.ShapeDtypeStruct((ROWS, COLS), jnp.float32),
    mesh=plsc.VectorSubcoreMesh(core_axis_name="c", subcore_axis_name="s"),
    scratch_types=[
        pltpu.VMEM((COLS,), jnp.float32),
        pltpu.VMEM((COLS,), jnp.float32),
        pltpu.VMEM((COLS,), jnp.float32),
        pltpu.SemaphoreType.DMA,
        pltpu.SemaphoreType.DMA,
        pltpu.SemaphoreType.DMA,
        pltpu.SemaphoreType.DMA,
        pltpu.SemaphoreType.DMA,
        pltpu.SemaphoreType.DMA,
    ],
    compiler_params=pltpu.CompilerParams(needs_layout_passes=False),
)(_body)


def kernel(x):
  return _cumsum_sc(x)

# --- scband reference (transcript-rebuilt; emitter-appended) ---
"""Pipeline reference for scband-model-new-23656679867035 (READ-ONLY COPY).

The authoritative reference and input builder live on the scoring server;
editing this copy changes nothing except your own understanding.
"""

import jax, jax.numpy as jnp
import numpy as np

DIM = 1

def setup_inputs(seed: int = 0) -> dict:
    key = jax.random.key(seed)
    x = jax.random.normal(key, (128, 32768), dtype=jnp.float32)
    return {"x": x}

def reference(x) -> jnp.ndarray:
    # Faithful translation of the fused CUDA inclusive-scan kernel:
    # cast to float32, inclusive cumulative sum along `dim`, cast back.
    orig_dtype = x.dtype
    out = jnp.cumsum(x.astype(jnp.float32), axis=DIM)
    return out.astype(orig_dtype)

if __name__ == "__main__":
    import jax
    _d = setup_inputs()
    print(jax.jit(kernel)(*tuple(_d.values())))

</pallas_src>

<mosaic_0001>
#map = affine_map<(d0, d1) -> (0, 0)>
module attributes {stable_mosaic.version = 14 : i64} {
  func.func @_body(%arg0: i32, %arg1: i32, %arg2: memref<128x32768xf32, #tpu.memory_space<hbm>>, %arg3: memref<128x32768xf32, #tpu.memory_space<hbm>>, %arg4: memref<32768xf32, #tpu.memory_space<vmem>>, %arg5: memref<32768xf32, #tpu.memory_space<vmem>>, %arg6: memref<32768xf32, #tpu.memory_space<vmem>>, %arg7: memref<!tpu.dma_semaphore, #tpu.memory_space<semaphore_mem>>, %arg8: memref<!tpu.dma_semaphore, #tpu.memory_space<semaphore_mem>>, %arg9: memref<!tpu.dma_semaphore, #tpu.memory_space<semaphore_mem>>, %arg10: memref<!tpu.dma_semaphore, #tpu.memory_space<semaphore_mem>>, %arg11: memref<!tpu.dma_semaphore, #tpu.memory_space<semaphore_mem>>, %arg12: memref<!tpu.dma_semaphore, #tpu.memory_space<semaphore_mem>>) attributes {dimension_semantics = [#tpu.dimension_semantics<core_parallel>, #tpu.dimension_semantics<subcore_parallel>], iteration_bounds = array<i64: 2, 16>, scalar_prefetch = 0 : i64, scratch_operands = 9 : i64, tpu.core_type = #tpu.core_type<sc_vector_subcore>, window_params = [{transform_indices = #map}, {transform_indices = #map}]} {
    %mul3A = arith.constant 2 : i32
    %mul3A_0 = arith.muli %arg1, %mul3A : i32
    %add3A = arith.addi %mul3A_0, %arg0 : i32
    %mul3A_1 = arith.constant 4 : i32
    %mul3A_2 = arith.muli %add3A, %mul3A_1 : i32
    %broadcast_in_dim3A = arith.constant 15 : i32
    %broadcast_in_dim3A_3 = vector.broadcast %broadcast_in_dim3A : i32 to vector<16xi32>
    %add3A_4 = arith.constant 0 : i32
    %add3A_5 = arith.addi %mul3A_2, %add3A_4 : i32
    %dma_start3A = arith.constant 0 : i32
    %dma_start3A_6 = tpu.memref_slice %arg2[%add3A_5, %dma_start3A] : memref<128x32768xf32, #tpu.memory_space<hbm>> -> memref<1x32768xf32, #tpu.memory_space<hbm>>
    %dma_start3A_7 = tpu.memref_squeeze %dma_start3A_6 : memref<1x32768xf32, #tpu.memory_space<hbm>> -> memref<32768xf32, #tpu.memory_space<hbm>>
    %dma_start3A_8 = arith.constant 0 : i32
    %dma_start3A_9 = tpu.memref_slice %arg2[%add3A_5, %dma_start3A_8] : memref<128x32768xf32, #tpu.memory_space<hbm>> -> memref<1x32768xf32, #tpu.memory_space<hbm>>
    %dma_start3A_10 = tpu.memref_squeeze %dma_start3A_9 : memref<1x32768xf32, #tpu.memory_space<hbm>> -> memref<32768xf32, #tpu.memory_space<hbm>>
    tpu.enqueue_dma source(%dma_start3A_10 : memref<32768xf32, #tpu.memory_space<hbm>>) target(%arg4 : memref<32768xf32, #tpu.memory_space<vmem>>) target_semaphore(%arg7 : memref<!tpu.dma_semaphore, #tpu.memory_space<semaphore_mem>>)
    %add3A_11 = arith.constant 1 : i32
    %add3A_12 = arith.addi %mul3A_2, %add3A_11 : i32
    %dma_start3A_13 = arith.constant 0 : i32
    %dma_start3A_14 = tpu.memref_slice %arg2[%add3A_12, %dma_start3A_13] : memref<128x32768xf32, #tpu.memory_space<hbm>> -> memref<1x32768xf32, #tpu.memory_space<hbm>>
    %dma_start3A_15 = tpu.memref_squeeze %dma_start3A_14 : memref<1x32768xf32, #tpu.memory_space<hbm>> -> memref<32768xf32, #tpu.memory_space<hbm>>
    %dma_start3A_16 = arith.constant 0 : i32
    %dma_start3A_17 = tpu.memref_slice %arg2[%add3A_12, %dma_start3A_16] : memref<128x32768xf32, #tpu.memory_space<hbm>> -> memref<1x32768xf32, #tpu.memory_space<hbm>>
    %dma_start3A_18 = tpu.memref_squeeze %dma_start3A_17 : memref<1x32768xf32, #tpu.memory_space<hbm>> -> memref<32768xf32, #tpu.memory_space<hbm>>
    tpu.enqueue_dma source(%dma_start3A_18 : memref<32768xf32, #tpu.memory_space<hbm>>) target(%arg5 : memref<32768xf32, #tpu.memory_space<vmem>>) target_semaphore(%arg8 : memref<!tpu.dma_semaphore, #tpu.memory_space<semaphore_mem>>)
    %add3A_19 = arith.constant 2 : i32
    %add3A_20 = arith.addi %mul3A_2, %add3A_19 : i32
    %dma_start3A_21 = arith.constant 0 : i32
    %dma_start3A_22 = tpu.memref_slice %arg2[%add3A_20, %dma_start3A_21] : memref<128x32768xf32, #tpu.memory_space<hbm>> -> memref<1x32768xf32, #tpu.memory_space<hbm>>
    %dma_start3A_23 = tpu.memref_squeeze %dma_start3A_22 : memref<1x32768xf32, #tpu.memory_space<hbm>> -> memref<32768xf32, #tpu.memory_space<hbm>>
    %dma_start3A_24 = arith.constant 0 : i32
    %dma_start3A_25 = tpu.memref_slice %arg2[%add3A_20, %dma_start3A_24] : memref<128x32768xf32, #tpu.memory_space<hbm>> -> memref<1x32768xf32, #tpu.memory_space<hbm>>
    %dma_start3A_26 = tpu.memref_squeeze %dma_start3A_25 : memref<1x32768xf32, #tpu.memory_space<hbm>> -> memref<32768xf32, #tpu.memory_space<hbm>>
    tpu.enqueue_dma source(%dma_start3A_26 : memref<32768xf32, #tpu.memory_space<hbm>>) target(%arg6 : memref<32768xf32, #tpu.memory_space<vmem>>) target_semaphore(%arg9 : memref<!tpu.dma_semaphore, #tpu.memory_space<semaphore_mem>>)
    %dma_wait3A = arith.constant 0 : i32
    %dma_wait3A_27 = tpu.memref_slice %arg2[%add3A_5, %dma_wait3A] : memref<128x32768xf32, #tpu.memory_space<hbm>> -> memref<1x32768xf32, #tpu.memory_space<hbm>>
    %dma_wait3A_28 = tpu.memref_squeeze %dma_wait3A_27 : memref<1x32768xf32, #tpu.memory_space<hbm>> -> memref<32768xf32, #tpu.memory_space<hbm>>
    %dma_wait3A_29 = arith.constant 0 : i32
    %dma_wait3A_30 = tpu.memref_slice %arg2[%add3A_5, %dma_wait3A_29] : memref<128x32768xf32, #tpu.memory_space<hbm>> -> memref<1x32768xf32, #tpu.memory_space<hbm>>
    %dma_wait3A_31 = tpu.memref_squeeze %dma_wait3A_30 : memref<1x32768xf32, #tpu.memory_space<hbm>> -> memref<32768xf32, #tpu.memory_space<hbm>>
    tpu.wait_dma2 semaphore(%arg7 : memref<!tpu.dma_semaphore, #tpu.memory_space<semaphore_mem>>) src(%dma_wait3A_31 : memref<32768xf32, #tpu.memory_space<hbm>>) dst(%arg4 : memref<32768xf32, #tpu.memory_space<vmem>>)
    %broadcast_in_dim3A_32 = arith.constant 0.000000e+00 : f32
    %broadcast_in_dim3A_33 = vector.broadcast %broadcast_in_dim3A_32 : f32 to vector<16xf32>
    %parallel_loop3A = arith.constant 0 : i32
    %parallel_loop3A_34 = arith.constant 2048 : i32
    %parallel_loop3A_35 = arith.constant 16 : i32
    %parallel_loop3A_36 = scf.for %parallel_loop3A_137 = %parallel_loop3A to %parallel_loop3A_34 step %parallel_loop3A_35 iter_args(%parallel_loop3A_138 = %broadcast_in_dim3A_33) -> (vector<16xf32>)  : i32 {
      %parallel_loop3A_139 = arith.constant 0 : i32
      %parallel_loop3A_140 = arith.addi %parallel_loop3A_137, %parallel_loop3A_139 : i32
      %parallel_loop3A_141 = arith.constant 16 : i32
      %parallel_loop3A_142 = arith.muli %parallel_loop3A_140, %parallel_loop3A_141 : i32
      %parallel_loop3A_143 = arith.index_cast %parallel_loop3A_142 : i32 to index
      %parallel_loop3A_144 = tpu.vector_load %arg4[%parallel_loop3A_143] {strides = array<i32>} : memref<32768xf32, #tpu.memory_space<vmem>>, vector<16xf32>,
      %parallel_loop3A_145 = arith.constant 1 : i32
      %parallel_loop3A_146 = arith.addi %parallel_loop3A_137, %parallel_loop3A_145 : i32
      %parallel_loop3A_147 = arith.constant 16 : i32
      %parallel_loop3A_148 = arith.muli %parallel_loop3A_146, %parallel_loop3A_147 : i32
      %parallel_loop3A_149 = arith.index_cast %parallel_loop3A_148 : i32 to index
      %parallel_loop3A_150 = tpu.vector_load %arg4[%parallel_loop3A_149] {strides = array<i32>} : memref<32768xf32, #tpu.memory_space<vmem>>, vector<16xf32>,
      %parallel_loop3A_151 = arith.constant 2 : i32
      %parallel_loop3A_152 = arith.addi %parallel_loop3A_137, %parallel_loop3A_151 : i32
      %parallel_loop3A_153 = arith.constant 16 : i32
      %parallel_loop3A_154 = arith.muli %parallel_loop3A_152, %parallel_loop3A_153 : i32
      %parallel_loop3A_155 = arith.index_cast %parallel_loop3A_154 : i32 to index
      %parallel_loop3A_156 = tpu.vector_load %arg4[%parallel_loop3A_155] {strides = array<i32>} : memref<32768xf32, #tpu.memory_space<vmem>>, vector<16xf32>,
      %parallel_loop3A_157 = arith.constant 3 : i32
      %parallel_loop3A_158 = arith.addi %parallel_loop3A_137, %parallel_loop3A_157 : i32
      %parallel_loop3A_159 = arith.constant 16 : i32
      %parallel_loop3A_160 = arith.muli %parallel_loop3A_158, %parallel_loop3A_159 : i32
      %parallel_loop3A_161 = arith.index_cast %parallel_loop3A_160 : i32 to index
      %parallel_loop3A_162 = tpu.vector_load %arg4[%parallel_loop3A_161] {strides = array<i32>} : memref<32768xf32, #tpu.memory_space<vmem>>, vector<16xf32>,
      %parallel_loop3A_163 = arith.constant 4 : i32
      %parallel_loop3A_164 = arith.addi %parallel_loop3A_137, %parallel_loop3A_163 : i32
      %parallel_loop3A_165 = arith.constant 16 : i32
      %parallel_loop3A_166 = arith.muli %parallel_loop3A_164, %parallel_loop3A_165 : i32
      %parallel_loop3A_167 = arith.index_cast %parallel_loop3A_166 : i32 to index
      %parallel_loop3A_168 = tpu.vector_load %arg4[%parallel_loop3A_167] {strides = array<i32>} : memref<32768xf32, #tpu.memory_space<vmem>>, vector<16xf32>,
      %parallel_loop3A_169 = arith.constant 5 : i32
      %parallel_loop3A_170 = arith.addi %parallel_loop3A_137, %parallel_loop3A_169 : i32
      %parallel_loop3A_171 = arith.constant 16 : i32
      %parallel_loop3A_172 = arith.muli %parallel_loop3A_170, %parallel_loop3A_171 : i32
      %parallel_loop3A_173 = arith.index_cast %parallel_loop3A_172 : i32 to index
      %parallel_loop3A_174 = tpu.vector_load %arg4[%parallel_loop3A_173] {strides = array<i32>} : memref<32768xf32, #tpu.memory_space<vmem>>, vector<16xf32>,
      %parallel_loop3A_175 = arith.constant 6 : i32
      %parallel_loop3A_176 = arith.addi %parallel_loop3A_137, %parallel_loop3A_175 : i32
      %parallel_loop3A_177 = arith.constant 16 : i32
      %parallel_loop3A_178 = arith.muli %parallel_loop3A_176, %parallel_loop3A_177 : i32
      %parallel_loop3A_179 = arith.index_cast %parallel_loop3A_178 : i32 to index
      %parallel_loop3A_180 = tpu.vector_load %arg4[%parallel_loop3A_179] {strides = array<i32>} : memref<32768xf32, #tpu.memory_space<vmem>>, vector<16xf32>,
      %parallel_loop3A_181 = arith.constant 7 : i32
      %parallel_loop3A_182 = arith.addi %parallel_loop3A_137, %parallel_loop3A_181 : i32
      %parallel_loop3A_183 = arith.constant 16 : i32
      %parallel_loop3A_184 = arith.muli %parallel_loop3A_182, %parallel_loop3A_183 : i32
      %parallel_loop3A_185 = arith.index_cast %parallel_loop3A_184 : i32 to index
      %parallel_loop3A_186 = tpu.vector_load %arg4[%parallel_loop3A_185] {strides = array<i32>} : memref<32768xf32, #tpu.memory_space<vmem>>, vector<16xf32>,
      %parallel_loop3A_187 = arith.constant 8 : i32
      %parallel_loop3A_188 = arith.addi %parallel_loop3A_137, %parallel_loop3A_187 : i32
      %parallel_loop3A_189 = arith.constant 16 : i32
      %parallel_loop3A_190 = arith.muli %parallel_loop3A_188, %parallel_loop3A_189 : i32
      %parallel_loop3A_191 = arith.index_cast %parallel_loop3A_190 : i32 to index
      %parallel_loop3A_192 = tpu.vector_load %arg4[%parallel_loop3A_191] {strides = array<i32>} : memref<32768xf32, #tpu.memory_space<vmem>>, vector<16xf32>,
      %parallel_loop3A_193 = arith.constant 9 : i32
      %parallel_loop3A_194 = arith.addi %parallel_loop3A_137, %parallel_loop3A_193 : i32
      %parallel_loop3A_195 = arith.constant 16 : i32
      %parallel_loop3A_196 = arith.muli %parallel_loop3A_194, %parallel_loop3A_195 : i32
      %parallel_loop3A_197 = arith.index_cast %parallel_loop3A_196 : i32 to index
      %parallel_loop3A_198 = tpu.vector_load %arg4[%parallel_loop3A_197] {strides = array<i32>} : memref<32768xf32, #tpu.memory_space<vmem>>, vector<16xf32>,
      %parallel_loop3A_199 = arith.constant 10 : i32
      %parallel_loop3A_200 = arith.addi %parallel_loop3A_137, %parallel_loop3A_199 : i32
      %parallel_loop3A_201 = arith.constant 16 : i32
      %parallel_loop3A_202 = arith.muli %parallel_loop3A_200, %parallel_loop3A_201 : i32
      %parallel_loop3A_203 = arith.index_cast %parallel_loop3A_202 : i32 to index
      %parallel_loop3A_204 = tpu.vector_load %arg4[%parallel_loop3A_203] {strides = array<i32>} : memref<32768xf32, #tpu.memory_space<vmem>>, vector<16xf32>,
      %parallel_loop3A_205 = arith.constant 11 : i32
      %parallel_loop3A_206 = arith.addi %parallel_loop3A_137, %parallel_loop3A_205 : i32
      %parallel_loop3A_207 = arith.constant 16 : i32
      %parallel_loop3A_208 = arith.muli %parallel_loop3A_206, %parallel_loop3A_207 : i32
      %parallel_loop3A_209 = arith.index_cast %parallel_loop3A_208 : i32 to index
      %parallel_loop3A_210 = tpu.vector_load %arg4[%parallel_loop3A_209] {strides = array<i32>} : memref<32768xf32, #tpu.memory_space<vmem>>, vector<16xf32>,
      %parallel_loop3A_211 = arith.constant 12 : i32
      %parallel_loop3A_212 = arith.addi %parallel_loop3A_137, %parallel_loop3A_211 : i32
      %parallel_loop3A_213 = arith.constant 16 : i32
      %parallel_loop3A_214 = arith.muli %parallel_loop3A_212, %parallel_loop3A_213 : i32
      %parallel_loop3A_215 = arith.index_cast %parallel_loop3A_214 : i32 to index
      %parallel_loop3A_216 = tpu.vector_load %arg4[%parallel_loop3A_215] {strides = array<i32>} : memref<32768xf32, #tpu.memory_space<vmem>>, vector<16xf32>,
      %parallel_loop3A_217 = arith.constant 13 : i32
      %parallel_loop3A_218 = arith.addi %parallel_loop3A_137, %parallel_loop3A_217 : i32
      %parallel_loop3A_219 = arith.constant 16 : i32
      %parallel_loop3A_220 = arith.muli %parallel_loop3A_218, %parallel_loop3A_219 : i32
      %parallel_loop3A_221 = arith.index_cast %parallel_loop3A_220 : i32 to index
      %parallel_loop3A_222 = tpu.vector_load %arg4[%parallel_loop3A_221] {strides = array<i32>} : memref<32768xf32, #tpu.memory_space<vmem>>, vector<16xf32>,
      %parallel_loop3A_223 = arith.constant 14 : i32
      %parallel_loop3A_224 = arith.addi %parallel_loop3A_137, %parallel_loop3A_223 : i32
      %parallel_loop3A_225 = arith.constant 16 : i32
      %parallel_loop3A_226 = arith.muli %parallel_loop3A_224, %parallel_loop3A_225 : i32
      %parallel_loop3A_227 = arith.index_cast %parallel_loop3A_226 : i32 to index
      %parallel_loop3A_228 = tpu.vector_load %arg4[%parallel_loop3A_227] {strides = array<i32>} : memref<32768xf32, #tpu.memory_space<vmem>>, vector<16xf32>,
      %parallel_loop3A_229 = arith.constant 15 : i32
      %parallel_loop3A_230 = arith.addi %parallel_loop3A_137, %parallel_loop3A_229 : i32
      %parallel_loop3A_231 = arith.constant 16 : i32
      %parallel_loop3A_232 = arith.muli %parallel_loop3A_230, %parallel_loop3A_231 : i32
      %parallel_loop3A_233 = arith.index_cast %parallel_loop3A_232 : i32 to index
      %parallel_loop3A_234 = tpu.vector_load %arg4[%parallel_loop3A_233] {strides = array<i32>} : memref<32768xf32, #tpu.memory_space<vmem>>, vector<16xf32>,
      %parallel_loop3A_235 = arith.constant true
      %parallel_loop3A_236 = vector.broadcast %parallel_loop3A_235 : i1 to vector<16xi1>
      %parallel_loop3A_237 = tpu.scan <sum>, %parallel_loop3A_144 masked %parallel_loop3A_236 : vector<16xf32>, vector<16xi1> -> vector<16xf32>
      %parallel_loop3A_238 = arith.constant true
      %parallel_loop3A_239 = vector.broadcast %parallel_loop3A_238 : i1 to vector<16xi1>
      %parallel_loop3A_240 = tpu.scan <sum>, %parallel_loop3A_150 masked %parallel_loop3A_239 : vector<16xf32>, vector<16xi1> -> vector<16xf32>
      %parallel_loop3A_241 = arith.constant true
      %parallel_loop3A_242 = vector.broadcast %parallel_loop3A_241 : i1 to vector<16xi1>
      %parallel_loop3A_243 = tpu.scan <sum>, %parallel_loop3A_156 masked %parallel_loop3A_242 : vector<16xf32>, vector<16xi1> -> vector<16xf32>
      %parallel_loop3A_244 = arith.constant true
      %parallel_loop3A_245 = vector.broadcast %parallel_loop3A_244 : i1 to vector<16xi1>
      %parallel_loop3A_246 = tpu.scan <sum>, %parallel_loop3A_162 masked %parallel_loop3A_245 : vector<16xf32>, vector<16xi1> -> vector<16xf32>
      %parallel_loop3A_247 = arith.constant true
      %parallel_loop3A_248 = vector.broadcast %parallel_loop3A_247 : i1 to vector<16xi1>
      %parallel_loop3A_249 = tpu.scan <sum>, %parallel_loop3A_168 masked %parallel_loop3A_248 : vector<16xf32>, vector<16xi1> -> vector<16xf32>
      %parallel_loop3A_250 = arith.constant true
      %parallel_loop3A_251 = vector.broadcast %parallel_loop3A_250 : i1 to vector<16xi1>
      %parallel_loop3A_252 = tpu.scan <sum>, %parallel_loop3A_174 masked %parallel_loop3A_251 : vector<16xf32>, vector<16xi1> -> vector<16xf32>
      %parallel_loop3A_253 = arith.constant true
      %parallel_loop3A_254 = vector.broadcast %parallel_loop3A_253 : i1 to vector<16xi1>
      %parallel_loop3A_255 = tpu.scan <sum>, %parallel_loop3A_180 masked %parallel_loop3A_254 : vector<16xf32>, vector<16xi1> -> vector<16xf32>
      %parallel_loop3A_256 = arith.constant true
      %parallel_loop3A_257 = vector.broadcast %parallel_loop3A_256 : i1 to vector<16xi1>
      %parallel_loop3A_258 = tpu.scan <sum>, %parallel_loop3A_186 masked %parallel_loop3A_257 : vector<16xf32>, vector<16xi1> -> vector<16xf32>
      %parallel_loop3A_259 = arith.constant true
      %parallel_loop3A_260 = vector.broadcast %parallel_loop3A_259 : i1 to vector<16xi1>
      %parallel_loop3A_261 = tpu.scan <sum>, %parallel_loop3A_192 masked %parallel_loop3A_260 : vector<16xf32>, vector<16xi1> -> vector<16xf32>
      %parallel_loop3A_262 = arith.constant true
      %parallel_loop3A_263 = vector.broadcast %parallel_loop3A_262 : i1 to vector<16xi1>
      %parallel_loop3A_264 = tpu.scan <sum>, %parallel_loop3A_198 masked %parallel_loop3A_263 : vector<16xf32>, vector<16xi1> -> vector<16xf32>
      %parallel_loop3A_265 = arith.constant true
      %parallel_loop3A_266 = vector.broadcast %parallel_loop3A_265 : i1 to vector<16xi1>
      %parallel_loop3A_267 = tpu.scan <sum>, %parallel_loop3A_204 masked %parallel_loop3A_266 : vector<16xf32>, vector<16xi1> -> vector<16xf32>
      %parallel_loop3A_268 = arith.constant true
      %parallel_loop3A_269 = vector.broadcast %parallel_loop3A_268 : i1 to vector<16xi1>
      %parallel_loop3A_270 = tpu.scan <sum>, %parallel_loop3A_210 masked %parallel_loop3A_269 : vector<16xf32>, vector<16xi1> -> vector<16xf32>
      %parallel_loop3A_271 = arith.constant true
      %parallel_loop3A_272 = vector.broadcast %parallel_loop3A_271 : i1 to vector<16xi1>
      %parallel_loop3A_273 = tpu.scan <sum>, %parallel_loop3A_216 masked %parallel_loop3A_272 : vector<16xf32>, vector<16xi1> -> vector<16xf32>
      %parallel_loop3A_274 = arith.constant true
      %parallel_loop3A_275 = vector.broadcast %parallel_loop3A_274 : i1 to vector<16xi1>
      %parallel_loop3A_276 = tpu.scan <sum>, %parallel_loop3A_222 masked %parallel_loop3A_275 : vector<16xf32>, vector<16xi1> -> vector<16xf32>
      %parallel_loop3A_277 = arith.constant true
      %parallel_loop3A_278 = vector.broadcast %parallel_loop3A_277 : i1 to vector<16xi1>
      %parallel_loop3A_279 = tpu.scan <sum>, %parallel_loop3A_228 masked %parallel_loop3A_278 : vector<16xf32>, vector<16xi1> -> vector<16xf32>
      %parallel_loop3A_280 = arith.constant true
      %parallel_loop3A_281 = vector.broadcast %parallel_loop3A_280 : i1 to vector<16xi1>
      %parallel_loop3A_282 = tpu.scan <sum>, %parallel_loop3A_234 masked %parallel_loop3A_281 : vector<16xf32>, vector<16xi1> -> vector<16xf32>
      %parallel_loop3A_283 = arith.constant 0 : i32
      %parallel_loop3A_284 = vector.broadcast %parallel_loop3A_283 : i32 to vector<16xi32>
      %parallel_loop3A_285 = arith.cmpi slt, %broadcast_in_dim3A_3, %parallel_loop3A_284 : vector<16xi32>
      %parallel_loop3A_286 = arith.constant 16 : i32
      %parallel_loop3A_287 = vector.broadcast %parallel_loop3A_286 : i32 to vector<16xi32>
      %parallel_loop3A_288 = arith.addi %broadcast_in_dim3A_3, %parallel_loop3A_287 : vector<16xi32>
      %parallel_loop3A_289 = arith.select %parallel_loop3A_285, %parallel_loop3A_288, %broadcast_in_dim3A_3 : vector<16xi1>, vector<16xi32>
      %parallel_loop3A_290 = vector.shape_cast %parallel_loop3A_289 : vector<16xi32> to vector<16x1xi32>
      %parallel_loop3A_291 = vector.shape_cast %parallel_loop3A_290 : vector<16x1xi32> to vector<16xi32>
      %parallel_loop3A_292 = tpu.dynamic_gather %parallel_loop3A_237[%parallel_loop3A_291] in [0] : vector<16xf32>, vector<16xi32> -> vector<16xf32>
      %parallel_loop3A_293 = arith.constant 0 : i32
      %parallel_loop3A_294 = vector.broadcast %parallel_loop3A_293 : i32 to vector<16xi32>
      %parallel_loop3A_295 = arith.cmpi slt, %broadcast_in_dim3A_3, %parallel_loop3A_294 : vector<16xi32>
      %parallel_loop3A_296 = arith.constant 16 : i32
      %parallel_loop3A_297 = vector.broadcast %parallel_loop3A_296 : i32 to vector<16xi32>
      %parallel_loop3A_298 = arith.addi %broadcast_in_dim3A_3, %parallel_loop3A_297 : vector<16xi32>
      %parallel_loop3A_299 = arith.select %parallel_loop3A_295, %parallel_loop3A_298, %broadcast_in_dim3A_3 : vector<16xi1>, vector<16xi32>
      %parallel_loop3A_300 = vector.shape_cast %parallel_loop3A_299 : vector<16xi32> to vector<16x1xi32>
      %parallel_loop3A_301 = vector.shape_cast %parallel_loop3A_300 : vector<16x1xi32> to vector<16xi32>
      %parallel_loop3A_302 = tpu.dynamic_gather %parallel_loop3A_240[%parallel_loop3A_301] in [0] : vector<16xf32>, vector<16xi32> -> vector<16xf32>
      %parallel_loop3A_303 = arith.constant 0 : i32
      %parallel_loop3A_304 = vector.broadcast %parallel_loop3A_303 : i32 to vector<16xi32>
      %parallel_loop3A_305 = arith.cmpi slt, %broadcast_in_dim3A_3, %parallel_loop3A_304 : vector<16xi32>
      %parallel_loop3A_306 = arith.constant 16 : i32
      %parallel_loop3A_307 = vector.broadcast %parallel_loop3A_306 : i32 to vector<16xi32>
      %parallel_loop3A_308 = arith.addi %broadcast_in_dim3A_3, %parallel_loop3A_307 : vector<16xi32>
      %parallel_loop3A_309 = arith.select %parallel_loop3A_305, %parallel_loop3A_308, %broadcast_in_dim3A_3 : vector<16xi1>, vector<16xi32>
      %parallel_loop3A_310 = vector.shape_cast %parallel_loop3A_309 : vector<16xi32> to vector<16x1xi32>
      %parallel_loop3A_311 = vector.shape_cast %parallel_loop3A_310 : vector<16x1xi32> to vector<16xi32>
      %parallel_loop3A_312 = tpu.dynamic_gather %parallel_loop3A_243[%parallel_loop3A_311] in [0] : vector<16xf32>, vector<16xi32> -> vector<16xf32>
      %parallel_loop3A_313 = arith.constant 0 : i32
      %parallel_loop3A_314 = vector.broadcast %parallel_loop3A_313 : i32 to vector<16xi32>
      %parallel_loop3A_315 = arith.cmpi slt, %broadcast_in_dim3A_3, %parallel_loop3A_314 : vector<16xi32>
      %parallel_loop3A_316 = arith.constant 16 : i32
      %parallel_loop3A_317 = vector.broadcast %parallel_loop3A_316 : i32 to vector<16xi32>
      %parallel_loop3A_318 = arith.addi %broadcast_in_dim3A_3, %parallel_loop3A_317 : vector<16xi32>
      %parallel_loop3A_319 = arith.select %parallel_loop3A_315, %parallel_loop3A_318, %broadcast_in_dim3A_3 : vector<16xi1>, vector<16xi32>
      %parallel_loop3A_320 = vector.shape_cast %parallel_loop3A_319 : vector<16xi32> to vector<16x1xi32>
      %parallel_loop3A_321 = vector.shape_cast %parallel_loop3A_320 : vector<16x1xi32> to vector<16xi32>
      %parallel_loop3A_322 = tpu.dynamic_gather %parallel_loop3A_246[%parallel_loop3A_321] in [0] : vector<16xf32>, vector<16xi32> -> vector<16xf32>
      %parallel_loop3A_323 = arith.constant 0 : i32
      %parallel_loop3A_324 = vector.broadcast %parallel_loop3A_323 : i32 to vector<16xi32>
      %parallel_loop3A_325 = arith.cmpi slt, %broadcast_in_dim3A_3, %parallel_loop3A_324 : vector<16xi32>
      %parallel_loop3A_326 = arith.constant 16 : i32
      %parallel_loop3A_327 = vector.broadcast %parallel_loop3A_326 : i32 to vector<16xi32>
      %parallel_loop3A_328 = arith.addi %broadcast_in_dim3A_3, %parallel_loop3A_327 : vector<16xi32>
      %parallel_loop3A_329 = arith.select %parallel_loop3A_325, %parallel_loop3A_328, %broadcast_in_dim3A_3 : vector<16xi1>, vector<16xi32>
      %parallel_loop3A_330 = vector.shape_cast %parallel_loop3A_329 : vector<16xi32> to vector<16x1xi32>
      %parallel_loop3A_331 = vector.shape_cast %parallel_loop3A_330 : vector<16x1xi32> to vector<16xi32>
      %parallel_loop3A_332 = tpu.dynamic_gather %parallel_loop3A_249[%parallel_loop3A_331] in [0] : vector<16xf32>, vector<16xi32> -> vector<16xf32>
      %parallel_loop3A_333 = arith.constant 0 : i32
      %parallel_loop3A_334 = vector.broadcast %parallel_loop3A_333 : i32 to vector<16xi32>
      %parallel_loop3A_335 = arith.cmpi slt, %broadcast_in_dim3A_3, %parallel_loop3A_334 : vector<16xi32>
      %parallel_loop3A_336 = arith.constant 16 : i32
      %parallel_loop3A_337 = vector.broadcast %parallel_loop3A_336 : i32 to vector<16xi32>
      %parallel_loop3A_338 = arith.addi %broadcast_in_dim3A_3, %parallel_loop3A_337 : vector<16xi32>
      %parallel_loop3A_339 = arith.select %parallel_loop3A_335, %parallel_loop3A_338, %broadcast_in_dim3A_3 : vector<16xi1>, vector<16xi32>
      %parallel_loop3A_340 = vector.shape_cast %parallel_loop3A_339 : vector<16xi32> to vector<16x1xi32>
      %parallel_loop3A_341 = vector.shape_cast %parallel_loop3A_340 : vector<16x1xi32> to vector<16xi32>
      %parallel_loop3A_342 = tpu.dynamic_gather %parallel_loop3A_252[%parallel_loop3A_341] in [0] : vector<16xf32>, vector<16xi32> -> vector<16xf32>
      %parallel_loop3A_343 = arith.constant 0 : i32
      %parallel_loop3A_344 = vector.broadcast %parallel_loop3A_343 : i32 to vector<16xi32>
      %parallel_loop3A_345 = arith.cmpi slt, %broadcast_in_dim3A_3, %parallel_loop3A_344 : vector<16xi32>
      %parallel_loop3A_346 = arith.constant 16 : i32
      %parallel_loop3A_347 = vector.broadcast %parallel_loop3A_346 : i32 to vector<16xi32>
      %parallel_loop3A_348 = arith.addi %broadcast_in_dim3A_3, %parallel_loop3A_347 : vector<16xi32>
      %parallel_loop3A_349 = arith.select %parallel_loop3A_345, %parallel_loop3A_348, %broadcast_in_dim3A_3 : vector<16xi1>, vector<16xi32>
      %parallel_loop3A_350 = vector.shape_cast %parallel_loop3A_349 : vector<16xi32> to vector<16x1xi32>
      %parallel_loop3A_351 = vector.shape_cast %parallel_loop3A_350 : vector<16x1xi32> to vector<16xi32>
      %parallel_loop3A_352 = tpu.dynamic_gather %parallel_loop3A_255[%parallel_loop3A_351] in [0] : vector<16xf32>, vector<16xi32> -> vector<16xf32>
      %parallel_loop3A_353 = arith.constant 0 : i32
      %parallel_loop3A_354 = vector.broadcast %parallel_loop3A_353 : i32 to vector<16xi32>
      %parallel_loop3A_355 = arith.cmpi slt, %broadcast_in_dim3A_3, %parallel_loop3A_354 : vector<16xi32>
      %parallel_loop3A_356 = arith.constant 16 : i32
      %parallel_loop3A_357 = vector.broadcast %parallel_loop3A_356 : i32 to vector<16xi32>
      %parallel_loop3A_358 = arith.addi %broadcast_in_dim3A_3, %parallel_loop3A_357 : vector<16xi32>
      %parallel_loop3A_359 = arith.select %parallel_loop3A_355, %parallel_loop3A_358, %broadcast_in_dim3A_3 : vector<16xi1>, vector<16xi32>
      %parallel_loop3A_360 = vector.shape_cast %parallel_loop3A_359 : vector<16xi32> to vector<16x1xi32>
      %parallel_loop3A_361 = vector.shape_cast %parallel_loop3A_360 : vector<16x1xi32> to vector<16xi32>
      %parallel_loop3A_362 = tpu.dynamic_gather %parallel_loop3A_258[%parallel_loop3A_361] in [0] : vector<16xf32>, vector<16xi32> -> vector<16xf32>
      %parallel_loop3A_363 = arith.constant 0 : i32
      %parallel_loop3A_364 = vector.broadcast %parallel_loop3A_363 : i32 to vector<16xi32>
      %parallel_loop3A_365 = arith.cmpi slt, %broadcast_in_dim3A_3, %parallel_loop3A_364 : vector<16xi32>
      %parallel_loop3A_366 = arith.constant 16 : i32
      %parallel_loop3A_367 = vector.broadcast %parallel_loop3A_366 : i32 to vector<16xi32>
      %parallel_loop3A_368 = arith.addi %broadcast_in_dim3A_3, %parallel_loop3A_367 : vector<16xi32>
      %parallel_loop3A_369 = arith.select %parallel_loop3A_365, %parallel_loop3A_368, %broadcast_in_dim3A_3 : vector<16xi1>, vector<16xi32>
      %parallel_loop3A_370 = vector.shape_cast %parallel_loop3A_369 : vector<16xi32> to vector<16x1xi32>
      %parallel_loop3A_371 = vector.shape_cast %parallel_loop3A_370 : vector<16x1xi32> to vector<16xi32>
      %parallel_loop3A_372 = tpu.dynamic_gather %parallel_loop3A_261[%parallel_loop3A_371] in [0] : vector<16xf32>, vector<16xi32> -> vector<16xf32>
      %parallel_loop3A_373 = arith.constant 0 : i32
      %parallel_loop3A_374 = vector.broadcast %parallel_loop3A_373 : i32 to vector<16xi32>
      %parallel_loop3A_375 = arith.cmpi slt, %broadcast_in_dim3A_3, %parallel_loop3A_374 : vector<16xi32>
      %parallel_loop3A_376 = arith.constant 16 : i32
      %parallel_loop3A_377 = vector.broadcast %parallel_loop3A_376 : i32 to vector<16xi32>
      %parallel_loop3A_378 = arith.addi %broadcast_in_dim3A_3, %parallel_loop3A_377 : vector<16xi32>
      %parallel_loop3A_379 = arith.select %parallel_loop3A_375, %parallel_loop3A_378, %broadcast_in_dim3A_3 : vector<16xi1>, vector<16xi32>
      %parallel_loop3A_380 = vector.shape_cast %parallel_loop3A_379 : vector<16xi32> to vector<16x1xi32>
      %parallel_loop3A_381 = vector.shape_cast %parallel_loop3A_380 : vector<16x1xi32> to vector<16xi32>
      %parallel_loop3A_382 = tpu.dynamic_gather %parallel_loop3A_264[%parallel_loop3A_381] in [0] : vector<16xf32>, vector<16xi32> -> vector<16xf32>
      %parallel_loop3A_383 = arith.constant 0 : i32
      %parallel_loop3A_384 = vector.broadcast %parallel_loop3A_383 : i32 to vector<16xi32>
      %parallel_loop3A_385 = arith.cmpi slt, %broadcast_in_dim3A_3, %parallel_loop3A_384 : vector<16xi32>
      %parallel_loop3A_386 = arith.constant 16 : i32
      %parallel_loop3A_387 = vector.broadcast %parallel_loop3A_386 : i32 to vector<16xi32>
      %parallel_loop3A_388 = arith.addi %broadcast_in_dim3A_3, %parallel_loop3A_387 : vector<16xi32>
      %parallel_loop3A_389 = arith.select %parallel_loop3A_385, %parallel_loop3A_388, %broadcast_in_dim3A_3 : vector<16xi1>, vector<16xi32>
      %parallel_loop3A_390 = vector.shape_cast %parallel_loop3A_389 : vector<16xi32> to vector<16x1xi32>
      %parallel_loop3A_391 = vector.shape_cast %parallel_loop3A_390 : vector<16x1xi32> to vector<16xi32>
      %parallel_loop3A_392 = tpu.dynamic_gather %parallel_loop3A_267[%parallel_loop3A_391] in [0] : vector<16xf32>, vector<16xi32> -> vector<16xf32>
      %parallel_loop3A_393 = arith.constant 0 : i32
      %parallel_loop3A_394 = vector.broadcast %parallel_loop3A_393 : i32 to vector<16xi32>
      %parallel_loop3A_395 = arith.cmpi slt, %broadcast_in_dim3A_3, %parallel_loop3A_394 : vector<16xi32>
      %parallel_loop3A_396 = arith.constant 16 : i32
      %parallel_loop3A_397 = vector.broadcast %parallel_loop3A_396 : i32 to vector<16xi32>
      %parallel_loop3A_398 = arith.addi %broadcast_in_dim3A_3, %parallel_loop3A_397 : vector<16xi32>
      %parallel_loop3A_399 = arith.select %parallel_loop3A_395, %parallel_loop3A_398, %broadcast_in_dim3A_3 : vector<16xi1>, vector<16xi32>
      %parallel_loop3A_400 = vector.shape_cast %parallel_loop3A_399 : vector<16xi32> to vector<16x1xi32>
      %parallel_loop3A_401 = vector.shape_cast %parallel_loop3A_400 : vector<16x1xi32> to vector<16xi32>
      %parallel_loop3A_402 = tpu.dynamic_gather %parallel_loop3A_270[%parallel_loop3A_401] in [0] : vector<16xf32>, vector<16xi32> -> vector<16xf32>
      %parallel_loop3A_403 = arith.constant 0 : i32
      %parallel_loop3A_404 = vector.broadcast %parallel_loop3A_403 : i32 to vector<16xi32>
      %parallel_loop3A_405 = arith.cmpi slt, %broadcast_in_dim3A_3, %parallel_loop3A_404 : vector<16xi32>
      %parallel_loop3A_406 = arith.constant 16 : i32
      %parallel_loop3A_407 = vector.broadcast %parallel_loop3A_406 : i32 to vector<16xi32>
      %parallel_loop3A_408 = arith.addi %broadcast_in_dim3A_3, %parallel_loop3A_407 : vector<16xi32>
      %parallel_loop3A_409 = arith.select %parallel_loop3A_405, %parallel_loop3A_408, %broadcast_in_dim3A_3 : vector<16xi1>, vector<16xi32>
      %parallel_loop3A_410 = vector.shape_cast %parallel_loop3A_409 : vector<16xi32> to vector<16x1xi32>
      %parallel_loop3A_411 = vector.shape_cast %parallel_loop3A_410 : vector<16x1xi32> to vector<16xi32>
      %parallel_loop3A_412 = tpu.dynamic_gather %parallel_loop3A_273[%parallel_loop3A_411] in [0] : vector<16xf32>, vector<16xi32> -> vector<16xf32>
      %parallel_loop3A_413 = arith.constant 0 : i32
      %parallel_loop3A_414 = vector.broadcast %parallel_loop3A_413 : i32 to vector<16xi32>
      %parallel_loop3A_415 = arith.cmpi slt, %broadcast_in_dim3A_3, %parallel_loop3A_414 : vector<16xi32>
      %parallel_loop3A_416 = arith.constant 16 : i32
      %parallel_loop3A_417 = vector.broadcast %parallel_loop3A_416 : i32 to vector<16xi32>
      %parallel_loop3A_418 = arith.addi %broadcast_in_dim3A_3, %parallel_loop3A_417 : vector<16xi32>
      %parallel_loop3A_419 = arith.select %parallel_loop3A_415, %parallel_loop3A_418, %broadcast_in_dim3A_3 : vector<16xi1>, vector<16xi32>
      %parallel_loop3A_420 = vector.shape_cast %parallel_loop3A_419 : vector<16xi32> to vector<16x1xi32>
      %parallel_loop3A_421 = vector.shape_cast %parallel_loop3A_420 : vector<16x1xi32> to vector<16xi32>
      %parallel_loop3A_422 = tpu.dynamic_gather %parallel_loop3A_276[%parallel_loop3A_421] in [0] : vector<16xf32>, vector<16xi32> -> vector<16xf32>
      %parallel_loop3A_423 = arith.constant 0 : i32
      %parallel_loop3A_424 = vector.broadcast %parallel_loop3A_423 : i32 to vector<16xi32>
      %parallel_loop3A_425 = arith.cmpi slt, %broadcast_in_dim3A_3, %parallel_loop3A_424 : vector<16xi32>
      %parallel_loop3A_426 = arith.constant 16 : i32
      %parallel_loop3A_427 = vector.broadcast %parallel_loop3A_426 : i32 to vector<16xi32>
      %parallel_loop3A_428 = arith.addi %broadcast_in_dim3A_3, %parallel_loop3A_427 : vector<16xi32>
      %parallel_loop3A_429 = arith.select %parallel_loop3A_425, %parallel_loop3A_428, %broadcast_in_dim3A_3 : vector<16xi1>, vector<16xi32>
      %parallel_loop3A_430 = vector.shape_cast %parallel_loop3A_429 : vector<16xi32> to vector<16x1xi32>
      %parallel_loop3A_431 = vector.shape_cast %parallel_loop3A_430 : vector<16x1xi32> to vector<16xi32>
      %parallel_loop3A_432 = tpu.dynamic_gather %parallel_loop3A_279[%parallel_loop3A_431] in [0] : vector<16xf32>, vector<16xi32> -> vector<16xf32>
      %parallel_loop3A_433 = arith.constant 0 : i32
      %parallel_loop3A_434 = vector.broadcast %parallel_loop3A_433 : i32 to vector<16xi32>
      %parallel_loop3A_435 = arith.cmpi slt, %broadcast_in_dim3A_3, %parallel_loop3A_434 : vector<16xi32>
      %parallel_loop3A_436 = arith.constant 16 : i32
      %parallel_loop3A_437 = vector.broadcast %parallel_loop3A_436 : i32 to vector<16xi32>
      %parallel_loop3A_438 = arith.addi %broadcast_in_dim3A_3, %parallel_loop3A_437 : vector<16xi32>
      %parallel_loop3A_439 = arith.select %parallel_loop3A_435, %parallel_loop3A_438, %broadcast_in_dim3A_3 : vector<16xi1>, vector<16xi32>
      %parallel_loop3A_440 = vector.shape_cast %parallel_loop3A_439 : vector<16xi32> to vector<16x1xi32>
      %parallel_loop3A_441 = vector.shape_cast %parallel_loop3A_440 : vector<16x1xi32> to vector<16xi32>
      %parallel_loop3A_442 = tpu.dynamic_gather %parallel_loop3A_282[%parallel_loop3A_441] in [0] : vector<16xf32>, vector<16xi32> -> vector<16xf32>
      %parallel_loop3A_443 = arith.addf %parallel_loop3A_292, %parallel_loop3A_302 : vector<16xf32>
      %parallel_loop3A_444 = arith.addf %parallel_loop3A_443, %parallel_loop3A_312 : vector<16xf32>
      %parallel_loop3A_445 = arith.addf %parallel_loop3A_444, %parallel_loop3A_322 : vector<16xf32>
      %parallel_loop3A_446 = arith.addf %parallel_loop3A_445, %parallel_loop3A_332 : vector<16xf32>
      %parallel_loop3A_447 = arith.addf %parallel_loop3A_446, %parallel_loop3A_342 : vector<16xf32>
      %parallel_loop3A_448 = arith.addf %parallel_loop3A_447, %parallel_loop3A_352 : vector<16xf32>
      %parallel_loop3A_449 = arith.addf %parallel_loop3A_448, %parallel_loop3A_362 : vector<16xf32>
      %parallel_loop3A_450 = arith.addf %parallel_loop3A_449, %parallel_loop3A_372 : vector<16xf32>
      %parallel_loop3A_451 = arith.addf %parallel_loop3A_450, %parallel_loop3A_382 : vector<16xf32>
      %parallel_loop3A_452 = arith.addf %parallel_loop3A_451, %parallel_loop3A_392 : vector<16xf32>
      %parallel_loop3A_453 = arith.addf %parallel_loop3A_452, %parallel_loop3A_402 : vector<16xf32>
      %parallel_loop3A_454 = arith.addf %parallel_loop3A_453, %parallel_loop3A_412 : vector<16xf32>
      %parallel_loop3A_455 = arith.addf %parallel_loop3A_454, %parallel_loop3A_422 : vector<16xf32>
      %parallel_loop3A_456 = arith.addf %parallel_loop3A_455, %parallel_loop3A_432 : vector<16xf32>
      %parallel_loop3A_457 = arith.addf %parallel_loop3A_456, %parallel_loop3A_442 : vector<16xf32>
      %parallel_loop3A_458 = arith.addf %parallel_loop3A_138, %parallel_loop3A_237 : vector<16xf32>
      %parallel_loop3A_459 = arith.addf %parallel_loop3A_138, %parallel_loop3A_292 : vector<16xf32>
      %parallel_loop3A_460 = arith.addf %parallel_loop3A_459, %parallel_loop3A_240 : vector<16xf32>
      %parallel_loop3A_461 = arith.addf %parallel_loop3A_138, %parallel_loop3A_443 : vector<16xf32>
      %parallel_loop3A_462 = arith.addf %parallel_loop3A_461, %parallel_loop3A_243 : vector<16xf32>
      %parallel_loop3A_463 = arith.addf %parallel_loop3A_138, %parallel_loop3A_444 : vector<16xf32>
      %parallel_loop3A_464 = arith.addf %parallel_loop3A_463, %parallel_loop3A_246 : vector<16xf32>
      %parallel_loop3A_465 = arith.addf %parallel_loop3A_138, %parallel_loop3A_445 : vector<16xf32>
      %parallel_loop3A_466 = arith.addf %parallel_loop3A_465, %parallel_loop3A_249 : vector<16xf32>
      %parallel_loop3A_467 = arith.addf %parallel_loop3A_138, %parallel_loop3A_446 : vector<16xf32>
      %parallel_loop3A_468 = arith.addf %parallel_loop3A_467, %parallel_loop3A_252 : vector<16xf32>
      %parallel_loop3A_469 = arith.addf %parallel_loop3A_138, %parallel_loop3A_447 : vector<16xf32>
      %parallel_loop3A_470 = arith.addf %parallel_loop3A_469, %parallel_loop3A_255 : vector<16xf32>
      %parallel_loop3A_471 = arith.addf %parallel_loop3A_138, %parallel_loop3A_448 : vector<16xf32>
      %parallel_loop3A_472 = arith.addf %parallel_loop3A_471, %parallel_loop3A_258 : vector<16xf32>
      %parallel_loop3A_473 = arith.addf %parallel_loop3A_138, %parallel_loop3A_449 : vector<16xf32>
      %parallel_loop3A_474 = arith.addf %parallel_loop3A_473, %parallel_loop3A_261 : vector<16xf32>
      %parallel_loop3A_475 = arith.addf %parallel_loop3A_138, %parallel_loop3A_450 : vector<16xf32>
      %parallel_loop3A_476 = arith.addf %parallel_loop3A_475, %parallel_loop3A_264 : vector<16xf32>
      %parallel_loop3A_477 = arith.addf %parallel_loop3A_138, %parallel_loop3A_451 : vector<16xf32>
      %parallel_loop3A_478 = arith.addf %parallel_loop3A_477, %parallel_loop3A_267 : vector<16xf32>
      %parallel_loop3A_479 = arith.addf %parallel_loop3A_138, %parallel_loop3A_452 : vector<16xf32>
      %parallel_loop3A_480 = arith.addf %parallel_loop3A_479, %parallel_loop3A_270 : vector<16xf32>
      %parallel_loop3A_481 = arith.addf %parallel_loop3A_138, %parallel_loop3A_453 : vector<16xf32>
      %parallel_loop3A_482 = arith.addf %parallel_loop3A_481, %parallel_loop3A_273 : vector<16xf32>
      %parallel_loop3A_483 = arith.addf %parallel_loop3A_138, %parallel_loop3A_454 : vector<16xf32>
      %parallel_loop3A_484 = arith.addf %parallel_loop3A_483, %parallel_loop3A_276 : vector<16xf32>
      %parallel_loop3A_485 = arith.addf %parallel_loop3A_138, %parallel_loop3A_455 : vector<16xf32>
      %parallel_loop3A_486 = arith.addf %parallel_loop3A_485, %parallel_loop3A_279 : vector<16xf32>
      %parallel_loop3A_487 = arith.addf %parallel_loop3A_138, %parallel_loop3A_456 : vector<16xf32>
      %parallel_loop3A_488 = arith.addf %parallel_loop3A_487, %parallel_loop3A_282 : vector<16xf32>
      %parallel_loop3A_489 = arith.constant 0 : i32
      %parallel_loop3A_490 = arith.addi %parallel_loop3A_137, %parallel_loop3A_489 : i32
      %parallel_loop3A_491 = arith.constant 16 : i32
      %parallel_loop3A_492 = arith.muli %parallel_loop3A_490, %parallel_loop3A_491 : i32
      %parallel_loop3A_493 = arith.index_cast %parallel_loop3A_492 : i32 to index
      %parallel_loop3A_494 = tpu.vector_load %arg4[%parallel_loop3A_493] {strides = array<i32>} : memref<32768xf32, #tpu.memory_space<vmem>>, vector<16xf32>,
      tpu.vector_store %arg4[%parallel_loop3A_493], %parallel_loop3A_458 {strides = array<i32>} : memref<32768xf32, #tpu.memory_space<vmem>>, vector<16xf32>,
      %parallel_loop3A_495 = arith.constant 1 : i32
      %parallel_loop3A_496 = arith.addi %parallel_loop3A_137, %parallel_loop3A_495 : i32
      %parallel_loop3A_497 = arith.constant 16 : i32
      %parallel_loop3A_498 = arith.muli %parallel_loop3A_496, %parallel_loop3A_497 : i32
      %parallel_loop3A_499 = arith.index_cast %parallel_loop3A_498 : i32 to index
      %parallel_loop3A_500 = tpu.vector_load %arg4[%parallel_loop3A_499] {strides = array<i32>} : memref<32768xf32, #tpu.memory_space<vmem>>, vector<16xf32>,
      tpu.vector_store %arg4[%parallel_loop3A_499], %parallel_loop3A_460 {strides = array<i32>} : memref<32768xf32, #tpu.memory_space<vmem>>, vector<16xf32>,
      %parallel_loop3A_501 = arith.constant 2 : i32
      %parallel_loop3A_502 = arith.addi %parallel_loop3A_137, %parallel_loop3A_501 : i32
      %parallel_loop3A_503 = arith.constant 16 : i32
      %parallel_loop3A_504 = arith.muli %parallel_loop3A_502, %parallel_loop3A_503 : i32
      %parallel_loop3A_505 = arith.index_cast %parallel_loop3A_504 : i32 to index
      %parallel_loop3A_506 = tpu.vector_load %arg4[%parallel_loop3A_505] {strides = array<i32>} : memref<32768xf32, #tpu.memory_space<vmem>>, vector<16xf32>,
      tpu.vector_store %arg4[%parallel_loop3A_505], %parallel_loop3A_462 {strides = array<i32>} : memref<32768xf32, #tpu.memory_space<vmem>>, vector<16xf32>,
      %parallel_loop3A_507 = arith.constant 3 : i32
      %parallel_loop3A_508 = arith.addi %parallel_loop3A_137, %parallel_loop3A_507 : i32
      %parallel_loop3A_509 = arith.constant 16 : i32
      %parallel_loop3A_510 = arith.muli %parallel_loop3A_508, %parallel_loop3A_509 : i32
      %parallel_loop3A_511 = arith.index_cast %parallel_loop3A_510 : i32 to index
      %parallel_loop3A_512 = tpu.vector_load %arg4[%parallel_loop3A_511] {strides = array<i32>} : memref<32768xf32, #tpu.memory_space<vmem>>, vector<16xf32>,
      tpu.vector_store %arg4[%parallel_loop3A_511], %parallel_loop3A_464 {strides = array<i32>} : memref<32768xf32, #tpu.memory_space<vmem>>, vector<16xf32>,
      %parallel_loop3A_513 = arith.constant 4 : i32
      %parallel_loop3A_514 = arith.addi %parallel_loop3A_137, %parallel_loop3A_513 : i32
      %parallel_loop3A_515 = arith.constant 16 : i32
      %parallel_loop3A_516 = arith.muli %parallel_loop3A_514, %parallel_loop3A_515 : i32
      %parallel_loop3A_517 = arith.index_cast %parallel_loop3A_516 : i32 to index
      %parallel_loop3A_518 = tpu.vector_load %arg4[%parallel_loop3A_517] {strides = array<i32>} : memref<32768xf32, #tpu.memory_space<vmem>>, vector<16xf32>,
      tpu.vector_store %arg4[%parallel_loop3A_517], %parallel_loop3A_466 {strides = array<i32>} : memref<32768xf32, #tpu.memory_space<vmem>>, vector<16xf32>,
      %parallel_loop3A_519 = arith.constant 5 : i32
      %parallel_loop3A_520 = arith.addi %parallel_loop3A_137, %parallel_loop3A_519 : i32
      %parallel_loop3A_521 = arith.constant 16 : i32
      %parallel_loop3A_522 = arith.muli %parallel_loop3A_520, %parallel_loop3A_521 : i32
      %parallel_loop3A_523 = arith.index_cast %parallel_loop3A_522 : i32 to index
      %parallel_loop3A_524 = tpu.vector_load %arg4[%parallel_loop3A_523] {strides = array<i32>} : memref<32768xf32, #tpu.memory_space<vmem>>, vector<16xf32>,
      tpu.vector_store %arg4[%parallel_loop3A_523], %parallel_loop3A_468 {strides = array<i32>} : memref<32768xf32, #tpu.memory_space<vmem>>, vector<16xf32>,
      %parallel_loop3A_525 = arith.constant 6 : i32
      %parallel_loop3A_526 = arith.addi %parallel_loop3A_137, %parallel_loop3A_525 : i32
      %parallel_loop3A_527 = arith.constant 16 : i32
      %parallel_loop3A_528 = arith.muli %parallel_loop3A_526, %parallel_loop3A_527 : i32
      %parallel_loop3A_529 = arith.index_cast %parallel_loop3A_528 : i32 to index
      %parallel_loop3A_530 = tpu.vector_load %arg4[%parallel_loop3A_529] {strides = array<i32>} : memref<32768xf32, #tpu.memory_space<vmem>>, vector<16xf32>,
      tpu.vector_store %arg4[%parallel_loop3A_529], %parallel_loop3A_470 {strides = array<i32>} : memref<32768xf32, #tpu.memory_space<vmem>>, vector<16xf32>,
      %parallel_loop3A_531 = arith.constant 7 : i32
      %parallel_loop3A_532 = arith.addi %parallel_loop3A_137, %parallel_loop3A_531 : i32
      %parallel_loop3A_533 = arith.constant 16 : i32
      %parallel_loop3A_534 = arith.muli %parallel_loop3A_532, %parallel_loop3A_533 : i32
      %parallel_loop3A_535 = arith.index_cast %parallel_loop3A_534 : i32 to index
      %parallel_loop3A_536 = tpu.vector_load %arg4[%parallel_loop3A_535] {strides = array<i32>} : memref<32768xf32, #tpu.memory_space<vmem>>, vector<16xf32>,
      tpu.vector_store %arg4[%parallel_loop3A_535], %parallel_loop3A_472 {strides = array<i32>} : memref<32768xf32, #tpu.memory_space<vmem>>, vector<16xf32>,
      %parallel_loop3A_537 = arith.constant 8 : i32
      %parallel_loop3A_538 = arith.addi %parallel_loop3A_137, %parallel_loop3A_537 : i32
      %parallel_loop3A_539 = arith.constant 16 : i32
      %parallel_loop3A_540 = arith.muli %parallel_loop3A_538, %parallel_loop3A_539 : i32
      %parallel_loop3A_541 = arith.index_cast %parallel_loop3A_540 : i32 to index
      %parallel_loop3A_542 = tpu.vector_load %arg4[%parallel_loop3A_541] {strides = array<i32>} : memref<32768xf32, #tpu.memory_space<vmem>>, vector<16xf32>,
      tpu.vector_store %arg4[%parallel_loop3A_541], %parallel_loop3A_474 {strides = array<i32>} : memref<32768xf32, #tpu.memory_space<vmem>>, vector<16xf32>,
      %parallel_loop3A_543 = arith.constant 9 : i32
      %parallel_loop3A_544 = arith.addi %parallel_loop3A_137, %parallel_loop3A_543 : i32
      %parallel_loop3A_545 = arith.constant 16 : i32
      %parallel_loop3A_546 = arith.muli %parallel_loop3A_544, %parallel_loop3A_545 : i32
      %parallel_loop3A_547 = arith.index_cast %parallel_loop3A_546 : i32 to index
      %parallel_loop3A_548 = tpu.vector_load %arg4[%parallel_loop3A_547] {strides = array<i32>} : memref<32768xf32, #tpu.memory_space<vmem>>, vector<16xf32>,
      tpu.vector_store %arg4[%parallel_loop3A_547], %parallel_loop3A_476 {strides = array<i32>} : memref<32768xf32, #tpu.memory_space<vmem>>, vector<16xf32>,
      %parallel_loop3A_549 = arith.constant 10 : i32
      %parallel_loop3A_550 = arith.addi %parallel_loop3A_137, %parallel_loop3A_549 : i32
      %parallel_loop3A_551 = arith.constant 16 : i32
      %parallel_loop3A_552 = arith.muli %parallel_loop3A_550, %parallel_loop3A_551 : i32
      %parallel_loop3A_553 = arith.index_cast %parallel_loop3A_552 : i32 to index
      %parallel_loop3A_554 = tpu.vector_load %arg4[%parallel_loop3A_553] {strides = array<i32>} : memref<32768xf32, #tpu.memory_space<vmem>>, vector<16xf32>,
      tpu.vector_store %arg4[%parallel_loop3A_553], %parallel_loop3A_478 {strides = array<i32>} : memref<32768xf32, #tpu.memory_space<vmem>>, vector<16xf32>,
      %parallel_loop3A_555 = arith.constant 11 : i32
      %parallel_loop3A_556 = arith.addi %parallel_loop3A_137, %parallel_loop3A_555 : i32
      %parallel_loop3A_557 = arith.constant 16 : i32
      %parallel_loop3A_558 = arith.muli %parallel_loop3A_556, %parallel_loop3A_557 : i32
      %parallel_loop3A_559 = arith.index_cast %parallel_loop3A_558 : i32 to index
      %parallel_loop3A_560 = tpu.vector_load %arg4[%parallel_loop3A_559] {strides = array<i32>} : memref<32768xf32, #tpu.memory_space<vmem>>, vector<16xf32>,
      tpu.vector_store %arg4[%parallel_loop3A_559], %parallel_loop3A_480 {strides = array<i32>} : memref<32768xf32, #tpu.memory_space<vmem>>, vector<16xf32>,
      %parallel_loop3A_561 = arith.constant 12 : i32
      %parallel_loop3A_562 = arith.addi %parallel_loop3A_137, %parallel_loop3A_561 : i32
      %parallel_loop3A_563 = arith.constant 16 : i32
      %parallel_loop3A_564 = arith.muli %parallel_loop3A_562, %parallel_loop3A_563 : i32
      %parallel_loop3A_565 = arith.index_cast %parallel_loop3A_564 : i32 to index
      %parallel_loop3A_566 = tpu.vector_load %arg4[%parallel_loop3A_565] {strides = array<i32>} : memref<32768xf32, #tpu.memory_space<vmem>>, vector<16xf32>,
      tpu.vector_store %arg4[%parallel_loop3A_565], %parallel_loop3A_482 {strides = array<i32>} : memref<32768xf32, #tpu.memory_space<vmem>>, vector<16xf32>,
      %parallel_loop3A_567 = arith.constant 13 : i32
      %parallel_loop3A_568 = arith.addi %parallel_loop3A_137, %parallel_loop3A_567 : i32
      %parallel_loop3A_569 = arith.constant 16 : i32
      %parallel_loop3A_570 = arith.muli %parallel_loop3A_568, %parallel_loop3A_569 : i32
      %parallel_loop3A_571 = arith.index_cast %parallel_loop3A_570 : i32 to index
      %parallel_loop3A_572 = tpu.vector_load %arg4[%parallel_loop3A_571] {strides = array<i32>} : memref<32768xf32, #tpu.memory_space<vmem>>, vector<16xf32>,
      tpu.vector_store %arg4[%parallel_loop3A_571], %parallel_loop3A_484 {strides = array<i32>} : memref<32768xf32, #tpu.memory_space<vmem>>, vector<16xf32>,
      %parallel_loop3A_573 = arith.constant 14 : i32
      %parallel_loop3A_574 = arith.addi %parallel_loop3A_137, %parallel_loop3A_573 : i32
      %parallel_loop3A_575 = arith.constant 16 : i32
      %parallel_loop3A_576 = arith.muli %parallel_loop3A_574, %parallel_loop3A_575 : i32
      %parallel_loop3A_577 = arith.index_cast %parallel_loop3A_576 : i32 to index
      %parallel_loop3A_578 = tpu.vector_load %arg4[%parallel_loop3A_577] {strides = array<i32>} : memref<32768xf32, #tpu.memory_space<vmem>>, vector<16xf32>,
      tpu.vector_store %arg4[%parallel_loop3A_577], %parallel_loop3A_486 {strides = array<i32>} : memref<32768xf32, #tpu.memory_space<vmem>>, vector<16xf32>,
      %parallel_loop3A_579 = arith.constant 15 : i32
      %parallel_loop3A_580 = arith.addi %parallel_loop3A_137, %parallel_loop3A_579 : i32
      %parallel_loop3A_581 = arith.constant 16 : i32
      %parallel_loop3A_582 = arith.muli %parallel_loop3A_580, %parallel_loop3A_581 : i32
      %parallel_loop3A_583 = arith.index_cast %parallel_loop3A_582 : i32 to index
      %parallel_loop3A_584 = tpu.vector_load %arg4[%parallel_loop3A_583] {strides = array<i32>} : memref<32768xf32, #tpu.memory_space<vmem>>, vector<16xf32>,
      tpu.vector_store %arg4[%parallel_loop3A_583], %parallel_loop3A_488 {strides = array<i32>} : memref<32768xf32, #tpu.memory_space<vmem>>, vector<16xf32>,
      %parallel_loop3A_585 = arith.addf %parallel_loop3A_138, %parallel_loop3A_457 : vector<16xf32>
      scf.yield %parallel_loop3A_585 : vector<16xf32>
    } {sc.loop_unroll_factor = 1 : i64, sc.parallel_access}
    %add3A_37 = arith.constant 0 : i32
    %add3A_38 = arith.addi %mul3A_2, %add3A_37 : i32
    %dma_start3A_39 = arith.constant 0 : i32
    %dma_start3A_40 = tpu.memref_slice %arg3[%add3A_38, %dma_start3A_39] : memref<128x32768xf32, #tpu.memory_space<hbm>> -> memref<1x32768xf32, #tpu.memory_space<hbm>>
    %dma_start3A_41 = tpu.memref_squeeze %dma_start3A_40 : memref<1x32768xf32, #tpu.memory_space<hbm>> -> memref<32768xf32, #tpu.memory_space<hbm>>
    %dma_start3A_42 = arith.constant 0 : i32
    %dma_start3A_43 = tpu.memref_slice %arg3[%add3A_38, %dma_start3A_42] : memref<128x32768xf32, #tpu.memory_space<hbm>> -> memref<1x32768xf32, #tpu.memory_space<hbm>>
    %dma_start3A_44 = tpu.memref_squeeze %dma_start3A_43 : memref<1x32768xf32, #tpu.memory_space<hbm>> -> memref<32768xf32, #tpu.memory_space<hbm>>
    tpu.enqueue_dma source(%arg4 : memref<32768xf32, #tpu.memory_space<vmem>>) target(%dma_start3A_44 : memref<32768xf32, #tpu.memory_space<hbm>>) target_semaphore(%arg10 : memref<!tpu.dma_semaphore, #tpu.memory_space<semaphore_mem>>)
    %dma_wait3A_45 = arith.constant 0 : i32
    %dma_wait3A_46 = tpu.memref_slice %arg2[%add3A_12, %dma_wait3A_45] : memref<128x32768xf32, #tpu.memory_space<hbm>> -> memref<1x32768xf32, #tpu.memory_space<hbm>>
    %dma_wait3A_47 = tpu.memref_squeeze %dma_wait3A_46 : memref<1x32768xf32, #tpu.memory_space<hbm>> -> memref<32768xf32, #tpu.memory_space<hbm>>
    %dma_wait3A_48 = arith.constant 0 : i32
    %dma_wait3A_49 = tpu.memref_slice %arg2[%add3A_12, %dma_wait3A_48] : memref<128x32768xf32, #tpu.memory_space<hbm>> -> memref<1x32768xf32, #tpu.memory_space<hbm>>
    %dma_wait3A_50 = tpu.memref_squeeze %dma_wait3A_49 : memref<1x32768xf32, #tpu.memory_space<hbm>> -> memref<32768xf32, #tpu.memory_space<hbm>>
    tpu.wait_dma2 semaphore(%arg8 : memref<!tpu.dma_semaphore, #tpu.memory_space<semaphore_mem>>) src(%dma_wait3A_50 : memref<32768xf32, #tpu.memory_space<hbm>>) dst(%arg5 : memref<32768xf32, #tpu.memory_space<vmem>>)
    %broadcast_in_dim3A_51 = arith.constant 0.000000e+00 : f32
    %broadcast_in_dim3A_52 = vector.broadcast %broadcast_in_dim3A_51 : f32 to vector<16xf32>
    %parallel_loop3A_53 = arith.constant 0 : i32
    %parallel_loop3A_54 = arith.constant 2048 : i32
    %parallel_loop3A_55 = arith.constant 16 : i32
    %parallel_loop3A_56 = scf.for %parallel_loop3A_137 = %parallel_loop3A_53 to %parallel_loop3A_54 step %parallel_loop3A_55 iter_args(%parallel_loop3A_138 = %broadcast_in_dim3A_52) -> (vector<16xf32>)  : i32 {
      %parallel_loop3A_139 = arith.constant 0 : i32
      %parallel_loop3A_140 = arith.addi %parallel_loop3A_137, %parallel_loop3A_139 : i32
      %parallel_loop3A_141 = arith.constant 16 : i32
      %parallel_loop3A_142 = arith.muli %parallel_loop3A_140, %parallel_loop3A_141 : i32
      %parallel_loop3A_143 = arith.index_cast %parallel_loop3A_142 : i32 to index
      %parallel_loop3A_144 = tpu.vector_load %arg5[%parallel_loop3A_143] {strides = array<i32>} : memref<32768xf32, #tpu.memory_space<vmem>>, vector<16xf32>,
      %parallel_loop3A_145 = arith.constant 1 : i32
      %parallel_loop3A_146 = arith.addi %parallel_loop3A_137, %parallel_loop3A_145 : i32
      %parallel_loop3A_147 = arith.constant 16 : i32
      %parallel_loop3A_148 = arith.muli %parallel_loop3A_146, %parallel_loop3A_147 : i32
      %parallel_loop3A_149 = arith.index_cast %parallel_loop3A_148 : i32 to index
      %parallel_loop3A_150 = tpu.vector_load %arg5[%parallel_loop3A_149] {strides = array<i32>} : memref<32768xf32, #tpu.memory_space<vmem>>, vector<16xf32>,
      %parallel_loop3A_151 = arith.constant 2 : i32
      %parallel_loop3A_152 = arith.addi %parallel_loop3A_137, %parallel_loop3A_151 : i32
      %parallel_loop3A_153 = arith.constant 16 : i32
      %parallel_loop3A_154 = arith.muli %parallel_loop3A_152, %parallel_loop3A_153 : i32
      %parallel_loop3A_155 = arith.index_cast %parallel_loop3A_154 : i32 to index
      %parallel_loop3A_156 = tpu.vector_load %arg5[%parallel_loop3A_155] {strides = array<i32>} : memref<32768xf32, #tpu.memory_space<vmem>>, vector<16xf32>,
      %parallel_loop3A_157 = arith.constant 3 : i32
      %parallel_loop3A_158 = arith.addi %parallel_loop3A_137, %parallel_loop3A_157 : i32
      %parallel_loop3A_159 = arith.constant 16 : i32
      %parallel_loop3A_160 = arith.muli %parallel_loop3A_158, %parallel_loop3A_159 : i32
      %parallel_loop3A_161 = arith.index_cast %parallel_loop3A_160 : i32 to index
      %parallel_loop3A_162 = tpu.vector_load %arg5[%parallel_loop3A_161] {strides = array<i32>} : memref<32768xf32, #tpu.memory_space<vmem>>, vector<16xf32>,
      %parallel_loop3A_163 = arith.constant 4 : i32
      %parallel_loop3A_164 = arith.addi %parallel_loop3A_137, %parallel_loop3A_163 : i32
      %parallel_loop3A_165 = arith.constant 16 : i32
      %parallel_loop3A_166 = arith.muli %parallel_loop3A_164, %parallel_loop3A_165 : i32
      %parallel_loop3A_167 = arith.index_cast %parallel_loop3A_166 : i32 to index
      %parallel_loop3A_168 = tpu.vector_load %arg5[%parallel_loop3A_167] {strides = array<i32>} : memref<32768xf32, #tpu.memory_space<vmem>>, vector<16xf32>,
      %parallel_loop3A_169 = arith.constant 5 : i32
      %parallel_loop3A_170 = arith.addi %parallel_loop3A_137, %parallel_loop3A_169 : i32
      %parallel_loop3A_171 = arith.constant 16 : i32
      %parallel_loop3A_172 = arith.muli %parallel_loop3A_170, %parallel_loop3A_171 : i32
      %parallel_loop3A_173 = arith.index_cast %parallel_loop3A_172 : i32 to index
      %parallel_loop3A_174 = tpu.vector_load %arg5[%parallel_loop3A_173] {strides = array<i32>} : memref<32768xf32, #tpu.memory_space<vmem>>, vector<16xf32>,
      %parallel_loop3A_175 = arith.constant 6 : i32
      %parallel_loop3A_176 = arith.addi %parallel_loop3A_137, %parallel_loop3A_175 : i32
      %parallel_loop3A_177 = arith.constant 16 : i32
      %parallel_loop3A_178 = arith.muli %parallel_loop3A_176, %parallel_loop3A_177 : i32
      %parallel_loop3A_179 = arith.index_cast %parallel_loop3A_178 : i32 to index
      %parallel_loop3A_180 = tpu.vector_load %arg5[%parallel_loop3A_179] {strides = array<i32>} : memref<32768xf32, #tpu.memory_space<vmem>>, vector<16xf32>,
      %parallel_loop3A_181 = arith.constant 7 : i32
      %parallel_loop3A_182 = arith.addi %parallel_loop3A_137, %parallel_loop3A_181 : i32
      %parallel_loop3A_183 = arith.constant 16 : i32
      %parallel_loop3A_184 = arith.muli %parallel_loop3A_182, %parallel_loop3A_183 : i32
      %parallel_loop3A_185 = arith.index_cast %parallel_loop3A_184 : i32 to index
      %parallel_loop3A_186 = tpu.vector_load %arg5[%parallel_loop3A_185] {strides = array<i32>} : memref<32768xf32, #tpu.memory_space<vmem>>, vector<16xf32>,
      %parallel_loop3A_187 = arith.constant 8 : i32
      %parallel_loop3A_188 = arith.addi %parallel_loop3A_137, %parallel_loop3A_187 : i32
      %parallel_loop3A_189 = arith.constant 16 : i32
      %parallel_loop3A_190 = arith.muli %parallel_loop3A_188, %parallel_loop3A_189 : i32
      %parallel_loop3A_191 = arith.index_cast %parallel_loop3A_190 : i32 to index
      %parallel_loop3A_192 = tpu.vector_load %arg5[%parallel_loop3A_191] {strides = array<i32>} : memref<32768xf32, #tpu.memory_space<vmem>>, vector<16xf32>,
      %parallel_loop3A_193 = arith.constant 9 : i32
      %parallel_loop3A_194 = arith.addi %parallel_loop3A_137, %parallel_loop3A_193 : i32
      %parallel_loop3A_195 = arith.constant 16 : i32
      %parallel_loop3A_196 = arith.muli %parallel_loop3A_194, %parallel_loop3A_195 : i32
      %parallel_loop3A_197 = arith.index_cast %parallel_loop3A_196 : i32 to index
      %parallel_loop3A_198 = tpu.vector_load %arg5[%parallel_loop3A_197] {strides = array<i32>} : memref<32768xf32, #tpu.memory_space<vmem>>, vector<16xf32>,
      %parallel_loop3A_199 = arith.constant 10 : i32
      %parallel_loop3A_200 = arith.addi %parallel_loop3A_137, %parallel_loop3A_199 : i32
      %parallel_loop3A_201 = arith.constant 16 : i32
      %parallel_loop3A_202 = arith.muli %parallel_loop3A_200, %parallel_loop3A_201 : i32
      %parallel_loop3A_203 = arith.index_cast %parallel_loop3A_202 : i32 to index
      %parallel_loop3A_204 = tpu.vector_load %arg5[%parallel_loop3A_203] {strides = array<i32>} : memref<32768xf32, #tpu.memory_space<vmem>>, vector<16xf32>,
      %parallel_loop3A_205 = arith.constant 11 : i32
      %parallel_loop3A_206 = arith.addi %parallel_loop3A_137, %parallel_loop3A_205 : i32
      %parallel_loop3A_207 = arith.constant 16 : i32
      %parallel_loop3A_208 = arith.muli %parallel_loop3A_206, %parallel_loop3A_207 : i32
      %parallel_loop3A_209 = arith.index_cast %parallel_loop3A_208 : i32 to index
      %parallel_loop3A_210 = tpu.vector_load %arg5[%parallel_loop3A_209] {strides = array<i32>} : memref<32768xf32, #tpu.memory_space<vmem>>, vector<16xf32>,
      %parallel_loop3A_211 = arith.constant 12 : i32
      %parallel_loop3A_212 = arith.addi %parallel_loop3A_137, %parallel_loop3A_211 : i32
      %parallel_loop3A_213 = arith.constant 16 : i32
      %parallel_loop3A_214 = arith.muli %parallel_loop3A_212, %parallel_loop3A_213 : i32
      %parallel_loop3A_215 = arith.index_cast %parallel_loop3A_214 : i32 to index
      %parallel_loop3A_216 = tpu.vector_load %arg5[%parallel_loop3A_215] {strides = array<i32>} : memref<32768xf32, #tpu.memory_space<vmem>>, vector<16xf32>,
      %parallel_loop3A_217 = arith.constant 13 : i32
      %parallel_loop3A_218 = arith.addi %parallel_loop3A_137, %parallel_loop3A_217 : i32
      %parallel_loop3A_219 = arith.constant 16 : i32
      %parallel_loop3A_220 = arith.muli %parallel_loop3A_218, %parallel_loop3A_219 : i32
      %parallel_loop3A_221 = arith.index_cast %parallel_loop3A_220 : i32 to index
      %parallel_loop3A_222 = tpu.vector_load %arg5[%parallel_loop3A_221] {strides = array<i32>} : memref<32768xf32, #tpu.memory_space<vmem>>, vector<16xf32>,
      %parallel_loop3A_223 = arith.constant 14 : i32
      %parallel_loop3A_224 = arith.addi %parallel_loop3A_137, %parallel_loop3A_223 : i32
      %parallel_loop3A_225 = arith.constant 16 : i32
      %parallel_loop3A_226 = arith.muli %parallel_loop3A_224, %parallel_loop3A_225 : i32
      %parallel_loop3A_227 = arith.index_cast %parallel_loop3A_226 : i32 to index
      %parallel_loop3A_228 = tpu.vector_load %arg5[%parallel_loop3A_227] {strides = array<i32>} : memref<32768xf32, #tpu.memory_space<vmem>>, vector<16xf32>,
      %parallel_loop3A_229 = arith.constant 15 : i32
      %parallel_loop3A_230 = arith.addi %parallel_loop3A_137, %parallel_loop3A_229 : i32
      %parallel_loop3A_231 = arith.constant 16 : i32
      %parallel_loop3A_232 = arith.muli %parallel_loop3A_230, %parallel_loop3A_231 : i32
      %parallel_loop3A_233 = arith.index_cast %parallel_loop3A_232 : i32 to index
      %parallel_loop3A_234 = tpu.vector_load %arg5[%parallel_loop3A_233] {strides = array<i32>} : memref<32768xf32, #tpu.memory_space<vmem>>, vector<16xf32>,
      %parallel_loop3A_235 = arith.constant true
      %parallel_loop3A_236 = vector.broadcast %parallel_loop3A_235 : i1 to vector<16xi1>
      %parallel_loop3A_237 = tpu.scan <sum>, %parallel_loop3A_144 masked %parallel_loop3A_236 : vector<16xf32>, vector<16xi1> -> vector<16xf32>
      %parallel_loop3A_238 = arith.constant true
      %parallel_loop3A_239 = vector.broadcast %parallel_loop3A_238 : i1 to vector<16xi1>
      %parallel_loop3A_240 = tpu.scan <sum>, %parallel_loop3A_150 masked %parallel_loop3A_239 : vector<16xf32>, vector<16xi1> -> vector<16xf32>
      %parallel_loop3A_241 = arith.constant true
      %parallel_loop3A_242 = vector.broadcast %parallel_loop3A_241 : i1 to vector<16xi1>
      %parallel_loop3A_243 = tpu.scan <sum>, %parallel_loop3A_156 masked %parallel_loop3A_242 : vector<16xf32>, vector<16xi1> -> vector<16xf32>
      %parallel_loop3A_244 = arith.constant true
      %parallel_loop3A_245 = vector.broadcast %parallel_loop3A_244 : i1 to vector<16xi1>
      %parallel_loop3A_246 = tpu.scan <sum>, %parallel_loop3A_162 masked %parallel_loop3A_245 : vector<16xf32>, vector<16xi1> -> vector<16xf32>
      %parallel_loop3A_247 = arith.constant true
      %parallel_loop3A_248 = vector.broadcast %parallel_loop3A_247 : i1 to vector<16xi1>
      %parallel_loop3A_249 = tpu.scan <sum>, %parallel_loop3A_168 masked %parallel_loop3A_248 : vector<16xf32>, vector<16xi1> -> vector<16xf32>
      %parallel_loop3A_250 = arith.constant true
      %parallel_loop3A_251 = vector.broadcast %parallel_loop3A_250 : i1 to vector<16xi1>
      %parallel_loop3A_252 = tpu.scan <sum>, %parallel_loop3A_174 masked %parallel_loop3A_251 : vector<16xf32>, vector<16xi1> -> vector<16xf32>
      %parallel_loop3A_253 = arith.constant true
      %parallel_loop3A_254 = vector.broadcast %parallel_loop3A_253 : i1 to vector<16xi1>
      %parallel_loop3A_255 = tpu.scan <sum>, %parallel_loop3A_180 masked %parallel_loop3A_254 : vector<16xf32>, vector<16xi1> -> vector<16xf32>
      %parallel_loop3A_256 = arith.constant true
      %parallel_loop3A_257 = vector.broadcast %parallel_loop3A_256 : i1 to vector<16xi1>
      %parallel_loop3A_258 = tpu.scan <sum>, %parallel_loop3A_186 masked %parallel_loop3A_257 : vector<16xf32>, vector<16xi1> -> vector<16xf32>
      %parallel_loop3A_259 = arith.constant true
      %parallel_loop3A_260 = vector.broadcast %parallel_loop3A_259 : i1 to vector<16xi1>
      %parallel_loop3A_261 = tpu.scan <sum>, %parallel_loop3A_192 masked %parallel_loop3A_260 : vector<16xf32>, vector<16xi1> -> vector<16xf32>
      %parallel_loop3A_262 = arith.constant true
      %parallel_loop3A_263 = vector.broadcast %parallel_loop3A_262 : i1 to vector<16xi1>
      %parallel_loop3A_264 = tpu.scan <sum>, %parallel_loop3A_198 masked %parallel_loop3A_263 : vector<16xf32>, vector<16xi1> -> vector<16xf32>
      %parallel_loop3A_265 = arith.constant true
      %parallel_loop3A_266 = vector.broadcast %parallel_loop3A_265 : i1 to vector<16xi1>
      %parallel_loop3A_267 = tpu.scan <sum>, %parallel_loop3A_204 masked %parallel_loop3A_266 : vector<16xf32>, vector<16xi1> -> vector<16xf32>
      %parallel_loop3A_268 = arith.constant true
      %parallel_loop3A_269 = vector.broadcast %parallel_loop3A_268 : i1 to vector<16xi1>
      %parallel_loop3A_270 = tpu.scan <sum>, %parallel_loop3A_210 masked %parallel_loop3A_269 : vector<16xf32>, vector<16xi1> -> vector<16xf32>
      %parallel_loop3A_271 = arith.constant true
      %parallel_loop3A_272 = vector.broadcast %parallel_loop3A_271 : i1 to vector<16xi1>
      %parallel_loop3A_273 = tpu.scan <sum>, %parallel_loop3A_216 masked %parallel_loop3A_272 : vector<16xf32>, vector<16xi1> -> vector<16xf32>
      %parallel_loop3A_274 = arith.constant true
      %parallel_loop3A_275 = vector.broadcast %parallel_loop3A_274 : i1 to vector<16xi1>
      %parallel_loop3A_276 = tpu.scan <sum>, %parallel_loop3A_222 masked %parallel_loop3A_275 : vector<16xf32>, vector<16xi1> -> vector<16xf32>
      %parallel_loop3A_277 = arith.constant true
      %parallel_loop3A_278 = vector.broadcast %parallel_loop3A_277 : i1 to vector<16xi1>
      %parallel_loop3A_279 = tpu.scan <sum>, %parallel_loop3A_228 masked %parallel_loop3A_278 : vector<16xf32>, vector<16xi1> -> vector<16xf32>
      %parallel_loop3A_280 = arith.constant true
      %parallel_loop3A_281 = vector.broadcast %parallel_loop3A_280 : i1 to vector<16xi1>
      %parallel_loop3A_282 = tpu.scan <sum>, %parallel_loop3A_234 masked %parallel_loop3A_281 : vector<16xf32>, vector<16xi1> -> vector<16xf32>
      %parallel_loop3A_283 = arith.constant 0 : i32
      %parallel_loop3A_284 = vector.broadcast %parallel_loop3A_283 : i32 to vector<16xi32>
      %parallel_loop3A_285 = arith.cmpi slt, %broadcast_in_dim3A_3, %parallel_loop3A_284 : vector<16xi32>
      %parallel_loop3A_286 = arith.constant 16 : i32
      %parallel_loop3A_287 = vector.broadcast %parallel_loop3A_286 : i32 to vector<16xi32>
      %parallel_loop3A_288 = arith.addi %broadcast_in_dim3A_3, %parallel_loop3A_287 : vector<16xi32>
      %parallel_loop3A_289 = arith.select %parallel_loop3A_285, %parallel_loop3A_288, %broadcast_in_dim3A_3 : vector<16xi1>, vector<16xi32>
      %parallel_loop3A_290 = vector.shape_cast %parallel_loop3A_289 : vector<16xi32> to vector<16x1xi32>
      %parallel_loop3A_291 = vector.shape_cast %parallel_loop3A_290 : vector<16x1xi32> to vector<16xi32>
      %parallel_loop3A_292 = tpu.dynamic_gather %parallel_loop3A_237[%parallel_loop3A_291] in [0] : vector<16xf32>, vector<16xi32> -> vector<16xf32>
      %parallel_loop3A_293 = arith.constant 0 : i32
      %parallel_loop3A_294 = vector.broadcast %parallel_loop3A_293 : i32 to vector<16xi32>
      %parallel_loop3A_295 = arith.cmpi slt, %broadcast_in_dim3A_3, %parallel_loop3A_294 : vector<16xi32>
      %parallel_loop3A_296 = arith.constant 16 : i32
      %parallel_loop3A_297 = vector.broadcast %parallel_loop3A_296 : i32 to vector<16xi32>
      %parallel_loop3A_298 = arith.addi %broadcast_in_dim3A_3, %parallel_loop3A_297 : vector<16xi32>
      %parallel_loop3A_299 = arith.select %parallel_loop3A_295, %parallel_loop3A_298, %broadcast_in_dim3A_3 : vector<16xi1>, vector<16xi32>
      %parallel_loop3A_300 = vector.shape_cast %parallel_loop3A_299 : vector<16xi32> to vector<16x1xi32>
      %parallel_loop3A_301 = vector.shape_cast %parallel_loop3A_300 : vector<16x1xi32> to vector<16xi32>
      %parallel_loop3A_302 = tpu.dynamic_gather %parallel_loop3A_240[%parallel_loop3A_301] in [0] : vector<16xf32>, vector<16xi32> -> vector<16xf32>
      %parallel_loop3A_303 = arith.constant 0 : i32
      %parallel_loop3A_304 = vector.broadcast %parallel_loop3A_303 : i32 to vector<16xi32>
      %parallel_loop3A_305 = arith.cmpi slt, %broadcast_in_dim3A_3, %parallel_loop3A_304 : vector<16xi32>
      %parallel_loop3A_306 = arith.constant 16 : i32
      %parallel_loop3A_307 = vector.broadcast %parallel_loop3A_306 : i32 to vector<16xi32>
      %parallel_loop3A_308 = arith.addi %broadcast_in_dim3A_3, %parallel_loop3A_307 : vector<16xi32>
      %parallel_loop3A_309 = arith.select %parallel_loop3A_305, %parallel_loop3A_308, %broadcast_in_dim3A_3 : vector<16xi1>, vector<16xi32>
      %parallel_loop3A_310 = vector.shape_cast %parallel_loop3A_309 : vector<16xi32> to vector<16x1xi32>
      %parallel_loop3A_311 = vector.shape_cast %parallel_loop3A_310 : vector<16x1xi32> to vector<16xi32>
      %parallel_loop3A_312 = tpu.dynamic_gather %parallel_loop3A_243[%parallel_loop3A_311] in [0] : vector<16xf32>, vector<16xi32> -> vector<16xf32>
      %parallel_loop3A_313 = arith.constant 0 : i32
      %parallel_loop3A_314 = vector.broadcast %parallel_loop3A_313 : i32 to vector<16xi32>
      %parallel_loop3A_315 = arith.cmpi slt, %broadcast_in_dim3A_3, %parallel_loop3A_314 : vector<16xi32>
      %parallel_loop3A_316 = arith.constant 16 : i32
      %parallel_loop3A_317 = vector.broadcast %parallel_loop3A_316 : i32 to vector<16xi32>
      %parallel_loop3A_318 = arith.addi %broadcast_in_dim3A_3, %parallel_loop3A_317 : vector<16xi32>
      %parallel_loop3A_319 = arith.select %parallel_loop3A_315, %parallel_loop3A_318, %broadcast_in_dim3A_3 : vector<16xi1>, vector<16xi32>
      %parallel_loop3A_320 = vector.shape_cast %parallel_loop3A_319 : vector<16xi32> to vector<16x1xi32>
      %parallel_loop3A_321 = vector.shape_cast %parallel_loop3A_320 : vector<16x1xi32> to vector<16xi32>
      %parallel_loop3A_322 = tpu.dynamic_gather %parallel_loop3A_246[%parallel_loop3A_321] in [0] : vector<16xf32>, vector<16xi32> -> vector<16xf32>
      %parallel_loop3A_323 = arith.constant 0 : i32
      %parallel_loop3A_324 = vector.broadcast %parallel_loop3A_323 : i32 to vector<16xi32>
      %parallel_loop3A_325 = arith.cmpi slt, %broadcast_in_dim3A_3, %parallel_loop3A_324 : vector<16xi32>
      %parallel_loop3A_326 = arith.constant 16 : i32
      %parallel_loop3A_327 = vector.broadcast %parallel_loop3A_326 : i32 to vector<16xi32>
      %parallel_loop3A_328 = arith.addi %broadcast_in_dim3A_3, %parallel_loop3A_327 : vector<16xi32>
      %parallel_loop3A_329 = arith.select %parallel_loop3A_325, %parallel_loop3A_328, %broadcast_in_dim3A_3 : vector<16xi1>, vector<16xi32>
      %parallel_loop3A_330 = vector.shape_cast %parallel_loop3A_329 : vector<16xi32> to vector<16x1xi32>
      %parallel_loop3A_331 = vector.shape_cast %parallel_loop3A_330 : vector<16x1xi32> to vector<16xi32>
      %parallel_loop3A_332 = tpu.dynamic_gather %parallel_loop3A_249[%parallel_loop3A_331] in [0] : vector<16xf32>, vector<16xi32> -> vector<16xf32>
      %parallel_loop3A_333 = arith.constant 0 : i32
      %parallel_loop3A_334 = vector.broadcast %parallel_loop3A_333 : i32 to vector<16xi32>
      %parallel_loop3A_335 = arith.cmpi slt, %broadcast_in_dim3A_3, %parallel_loop3A_334 : vector<16xi32>
      %parallel_loop3A_336 = arith.constant 16 : i32
      %parallel_loop3A_337 = vector.broadcast %parallel_loop3A_336 : i32 to vector<16xi32>
      %parallel_loop3A_338 = arith.addi %broadcast_in_dim3A_3, %parallel_loop3A_337 : vector<16xi32>
      %parallel_loop3A_339 = arith.select %parallel_loop3A_335, %parallel_loop3A_338, %broadcast_in_dim3A_3 : vector<16xi1>, vector<16xi32>
      %parallel_loop3A_340 = vector.shape_cast %parallel_loop3A_339 : vector<16xi32> to vector<16x1xi32>
      %parallel_loop3A_341 = vector.shape_cast %parallel_loop3A_340 : vector<16x1xi32> to vector<16xi32>
      %parallel_loop3A_342 = tpu.dynamic_gather %parallel_loop3A_252[%parallel_loop3A_341] in [0] : vector<16xf32>, vector<16xi32> -> vector<16xf32>
      %parallel_loop3A_343 = arith.constant 0 : i32
      %parallel_loop3A_344 = vector.broadcast %parallel_loop3A_343 : i32 to vector<16xi32>
      %parallel_loop3A_345 = arith.cmpi slt, %broadcast_in_dim3A_3, %parallel_loop3A_344 : vector<16xi32>
      %parallel_loop3A_346 = arith.constant 16 : i32
      %parallel_loop3A_347 = vector.broadcast %parallel_loop3A_346 : i32 to vector<16xi32>
      %parallel_loop3A_348 = arith.addi %broadcast_in_dim3A_3, %parallel_loop3A_347 : vector<16xi32>
      %parallel_loop3A_349 = arith.select %parallel_loop3A_345, %parallel_loop3A_348, %broadcast_in_dim3A_3 : vector<16xi1>, vector<16xi32>
      %parallel_loop3A_350 = vector.shape_cast %parallel_loop3A_349 : vector<16xi32> to vector<16x1xi32>
      %parallel_loop3A_351 = vector.shape_cast %parallel_loop3A_350 : vector<16x1xi32> to vector<16xi32>
      %parallel_loop3A_352 = tpu.dynamic_gather %parallel_loop3A_255[%parallel_loop3A_351] in [0] : vector<16xf32>, vector<16xi32> -> vector<16xf32>
      %parallel_loop3A_353 = arith.constant 0 : i32
      %parallel_loop3A_354 = vector.broadcast %parallel_loop3A_353 : i32 to vector<16xi32>
      %parallel_loop3A_355 = arith.cmpi slt, %broadcast_in_dim3A_3, %parallel_loop3A_354 : vector<16xi32>
      %parallel_loop3A_356 = arith.constant 16 : i32
      %parallel_loop3A_357 = vector.broadcast %parallel_loop3A_356 : i32 to vector<16xi32>
      %parallel_loop3A_358 = arith.addi %broadcast_in_dim3A_3, %parallel_loop3A_357 : vector<16xi32>
      %parallel_loop3A_359 = arith.select %parallel_loop3A_355, %parallel_loop3A_358, %broadcast_in_dim3A_3 : vector<16xi1>, vector<16xi32>
      %parallel_loop3A_360 = vector.shape_cast %parallel_loop3A_359 : vector<16xi32> to vector<16x1xi32>
      %parallel_loop3A_361 = vector.shape_cast %parallel_loop3A_360 : vector<16x1xi32> to vector<16xi32>
      %parallel_loop3A_362 = tpu.dynamic_gather %parallel_loop3A_258[%parallel_loop3A_361] in [0] : vector<16xf32>, vector<16xi32> -> vector<16xf32>
      %parallel_loop3A_363 = arith.constant 0 : i32
      %parallel_loop3A_364 = vector.broadcast %parallel_loop3A_363 : i32 to vector<16xi32>
      %parallel_loop3A_365 = arith.cmpi slt, %broadcast_in_dim3A_3, %parallel_loop3A_364 : vector<16xi32>
      %parallel_loop3A_366 = arith.constant 16 : i32
      %parallel_loop3A_367 = vector.broadcast %parallel_loop3A_366 : i32 to vector<16xi32>
      %parallel_loop3A_368 = arith.addi %broadcast_in_dim3A_3, %parallel_loop3A_367 : vector<16xi32>
      %parallel_loop3A_369 = arith.select %parallel_loop3A_365, %parallel_loop3A_368, %broadcast_in_dim3A_3 : vector<16xi1>, vector<16xi32>
      %parallel_loop3A_370 = vector.shape_cast %parallel_loop3A_369 : vector<16xi32> to vector<16x1xi32>
      %parallel_loop3A_371 = vector.shape_cast %parallel_loop3A_370 : vector<16x1xi32> to vector<16xi32>
      %parallel_loop3A_372 = tpu.dynamic_gather %parallel_loop3A_261[%parallel_loop3A_371] in [0] : vector<16xf32>, vector<16xi32> -> vector<16xf32>
      %parallel_loop3A_373 = arith.constant 0 : i32
      %parallel_loop3A_374 = vector.broadcast %parallel_loop3A_373 : i32 to vector<16xi32>
      %parallel_loop3A_375 = arith.cmpi slt, %broadcast_in_dim3A_3, %parallel_loop3A_374 : vector<16xi32>
      %parallel_loop3A_376 = arith.constant 16 : i32
      %parallel_loop3A_377 = vector.broadcast %parallel_loop3A_376 : i32 to vector<16xi32>
      %parallel_loop3A_378 = arith.addi %broadcast_in_dim3A_3, %parallel_loop3A_377 : vector<16xi32>
      %parallel_loop3A_379 = arith.select %parallel_loop3A_375, %parallel_loop3A_378, %broadcast_in_dim3A_3 : vector<16xi1>, vector<16xi32>
      %parallel_loop3A_380 = vector.shape_cast %parallel_loop3A_379 : vector<16xi32> to vector<16x1xi32>
      %parallel_loop3A_381 = vector.shape_cast %parallel_loop3A_380 : vector<16x1xi32> to vector<16xi32>
      %parallel_loop3A_382 = tpu.dynamic_gather %parallel_loop3A_264[%parallel_loop3A_381] in [0] : vector<16xf32>, vector<16xi32> -> vector<16xf32>
      %parallel_loop3A_383 = arith.constant 0 : i32
      %parallel_loop3A_384 = vector.broadcast %parallel_loop3A_383 : i32 to vector<16xi32>
      %parallel_loop3A_385 = arith.cmpi slt, %broadcast_in_dim3A_3, %parallel_loop3A_384 : vector<16xi32>
      %parallel_loop3A_386 = arith.constant 16 : i32
      %parallel_loop3A_387 = vector.broadcast %parallel_loop3A_386 : i32 to vector<16xi32>
      %parallel_loop3A_388 = arith.addi %broadcast_in_dim3A_3, %parallel_loop3A_387 : vector<16xi32>
      %parallel_loop3A_389 = arith.select %parallel_loop3A_385, %parallel_loop3A_388, %broadcast_in_dim3A_3 : vector<16xi1>, vector<16xi32>
      %parallel_loop3A_390 = vector.shape_cast %parallel_loop3A_389 : vector<16xi32> to vector<16x1xi32>
      %parallel_loop3A_391 = vector.shape_cast %parallel_loop3A_390 : vector<16x1xi32> to vector<16xi32>
      %parallel_loop3A_392 = tpu.dynamic_gather %parallel_loop3A_267[%parallel_loop3A_391] in [0] : vector<16xf32>, vector<16xi32> -> vector<16xf32>
      %parallel_loop3A_393 = arith.constant 0 : i32
      %parallel_loop3A_394 = vector.broadcast %parallel_loop3A_393 : i32 to vector<16xi32>
      %parallel_loop3A_395 = arith.cmpi slt, %broadcast_in_dim3A_3, %parallel_loop3A_394 : vector<16xi32>
      %parallel_loop3A_396 = arith.constant 16 : i32
      %parallel_loop3A_397 = vector.broadcast %parallel_loop3A_396 : i32 to vector<16xi32>
      %parallel_loop3A_398 = arith.addi %broadcast_in_dim3A_3, %parallel_loop3A_397 : vector<16xi32>
      %parallel_loop3A_399 = arith.select %parallel_loop3A_395, %parallel_loop3A_398, %broadcast_in_dim3A_3 : vector<16xi1>, vector<16xi32>
      %parallel_loop3A_400 = vector.shape_cast %parallel_loop3A_399 : vector<16xi32> to vector<16x1xi32>
      %parallel_loop3A_401 = vector.shape_cast %parallel_loop3A_400 : vector<16x1xi32> to vector<16xi32>
      %parallel_loop3A_402 = tpu.dynamic_gather %parallel_loop3A_270[%parallel_loop3A_401] in [0] : vector<16xf32>, vector<16xi32> -> vector<16xf32>
      %parallel_loop3A_403 = arith.constant 0 : i32
      %parallel_loop3A_404 = vector.broadcast %parallel_loop3A_403 : i32 to vector<16xi32>
      %parallel_loop3A_405 = arith.cmpi slt, %broadcast_in_dim3A_3, %parallel_loop3A_404 : vector<16xi32>
      %parallel_loop3A_406 = arith.constant 16 : i32
      %parallel_loop3A_407 = vector.broadcast %parallel_loop3A_406 : i32 to vector<16xi32>
      %parallel_loop3A_408 = arith.addi %broadcast_in_dim3A_3, %parallel_loop3A_407 : vector<16xi32>
      %parallel_loop3A_409 = arith.select %parallel_loop3A_405, %parallel_loop3A_408, %broadcast_in_dim3A_3 : vector<16xi1>, vector<16xi32>
      %parallel_loop3A_410 = vector.shape_cast %parallel_loop3A_409 : vector<16xi32> to vector<16x1xi32>
      %parallel_loop3A_411 = vector.shape_cast %parallel_loop3A_410 : vector<16x1xi32> to vector<16xi32>
      %parallel_loop3A_412 = tpu.dynamic_gather %parallel_loop3A_273[%parallel_loop3A_411] in [0] : vector<16xf32>, vector<16xi32> -> vector<16xf32>
      %parallel_loop3A_413 = arith.constant 0 : i32
      %parallel_loop3A_414 = vector.broadcast %parallel_loop3A_413 : i32 to vector<16xi32>
      %parallel_loop3A_415 = arith.cmpi slt, %broadcast_in_dim3A_3, %parallel_loop3A_414 : vector<16xi32>
      %parallel_loop3A_416 = arith.constant 16 : i32
      %parallel_loop3A_417 = vector.broadcast %parallel_loop3A_416 : i32 to vector<16xi32>
      %parallel_loop3A_418 = arith.addi %broadcast_in_dim3A_3, %parallel_loop3A_417 : vector<16xi32>
      %parallel_loop3A_419 = arith.select %parallel_loop3A_415, %parallel_loop3A_418, %broadcast_in_dim3A_3 : vector<16xi1>, vector<16xi32>
      %parallel_loop3A_420 = vector.shape_cast %parallel_loop3A_419 : vector<16xi32> to vector<16x1xi32>
      %parallel_loop3A_421 = vector.shape_cast %parallel_loop3A_420 : vector<16x1xi32> to vector<16xi32>
      %parallel_loop3A_422 = tpu.dynamic_gather %parallel_loop3A_276[%parallel_loop3A_421] in [0] : vector<16xf32>, vector<16xi32> -> vector<16xf32>
      %parallel_loop3A_423 = arith.constant 0 : i32
      %parallel_loop3A_424 = vector.broadcast %parallel_loop3A_423 : i32 to vector<16xi32>
      %parallel_loop3A_425 = arith.cmpi slt, %broadcast_in_dim3A_3, %parallel_loop3A_424 : vector<16xi32>
      %parallel_loop3A_426 = arith.constant 16 : i32
      %parallel_loop3A_427 = vector.broadcast %parallel_loop3A_426 : i32 to vector<16xi32>
      %parallel_loop3A_428 = arith.addi %broadcast_in_dim3A_3, %parallel_loop3A_427 : vector<16xi32>
      %parallel_loop3A_429 = arith.select %parallel_loop3A_425, %parallel_loop3A_428, %broadcast_in_dim3A_3 : vector<16xi1>, vector<16xi32>
      %parallel_loop3A_430 = vector.shape_cast %parallel_loop3A_429 : vector<16xi32> to vector<16x1xi32>
      %parallel_loop3A_431 = vector.shape_cast %parallel_loop3A_430 : vector<16x1xi32> to vector<16xi32>
      %parallel_loop3A_432 = tpu.dynamic_gather %parallel_loop3A_279[%parallel_loop3A_431] in [0] : vector<16xf32>, vector<16xi32> -> vector<16xf32>
      %parallel_loop3A_433 = arith.constant 0 : i32
      %parallel_loop3A_434 = vector.broadcast %parallel_loop3A_433 : i32 to vector<16xi32>
      %parallel_loop3A_435 = arith.cmpi slt, %broadcast_in_dim3A_3, %parallel_loop3A_434 : vector<16xi32>
      %parallel_loop3A_436 = arith.constant 16 : i32
      %parallel_loop3A_437 = vector.broadcast %parallel_loop3A_436 : i32 to vector<16xi32>
      %parallel_loop3A_438 = arith.addi %broadcast_in_dim3A_3, %parallel_loop3A_437 : vector<16xi32>
      %parallel_loop3A_439 = arith.select %parallel_loop3A_435, %parallel_loop3A_438, %broadcast_in_dim3A_3 : vector<16xi1>, vector<16xi32>
      %parallel_loop3A_440 = vector.shape_cast %parallel_loop3A_439 : vector<16xi32> to vector<16x1xi32>
      %parallel_loop3A_441 = vector.shape_cast %parallel_loop3A_440 : vector<16x1xi32> to vector<16xi32>
      %parallel_loop3A_442 = tpu.dynamic_gather %parallel_loop3A_282[%parallel_loop3A_441] in [0] : vector<16xf32>, vector<16xi32> -> vector<16xf32>
      %parallel_loop3A_443 = arith.addf %parallel_loop3A_292, %parallel_loop3A_302 : vector<16xf32>
      %parallel_loop3A_444 = arith.addf %parallel_loop3A_443, %parallel_loop3A_312 : vector<16xf32>
      %parallel_loop3A_445 = arith.addf %parallel_loop3A_444, %parallel_loop3A_322 : vector<16xf32>
      %parallel_loop3A_446 = arith.addf %parallel_loop3A_445, %parallel_loop3A_332 : vector<16xf32>
      %parallel_loop3A_447 = arith.addf %parallel_loop3A_446, %parallel_loop3A_342 : vector<16xf32>
      %parallel_loop3A_448 = arith.addf %parallel_loop3A_447, %parallel_loop3A_352 : vector<16xf32>
      %parallel_loop3A_449 = arith.addf %parallel_loop3A_448, %parallel_loop3A_362 : vector<16xf32>
      %parallel_loop3A_450 = arith.addf %parallel_loop3A_449, %parallel_loop3A_372 : vector<16xf32>
      %parallel_loop3A_451 = arith.addf %parallel_loop3A_450, %parallel_loop3A_382 : vector<16xf32>
      %parallel_loop3A_452 = arith.addf %parallel_loop3A_451, %parallel_loop3A_392 : vector<16xf32>
      %parallel_loop3A_453 = arith.addf %parallel_loop3A_452, %parallel_loop3A_402 : vector<16xf32>
      %parallel_loop3A_454 = arith.addf %parallel_loop3A_453, %parallel_loop3A_412 : vector<16xf32>
      %parallel_loop3A_455 = arith.addf %parallel_loop3A_454, %parallel_loop3A_422 : vector<16xf32>
      %parallel_loop3A_456 = arith.addf %parallel_loop3A_455, %parallel_loop3A_432 : vector<16xf32>
      %parallel_loop3A_457 = arith.addf %parallel_loop3A_456, %parallel_loop3A_442 : vector<16xf32>
      %parallel_loop3A_458 = arith.addf %parallel_loop3A_138, %parallel_loop3A_237 : vector<16xf32>
      %parallel_loop3A_459 = arith.addf %parallel_loop3A_138, %parallel_loop3A_292 : vector<16xf32>
      %parallel_loop3A_460 = arith.addf %parallel_loop3A_459, %parallel_loop3A_240 : vector<16xf32>
      %parallel_loop3A_461 = arith.addf %parallel_loop3A_138, %parallel_loop3A_443 : vector<16xf32>
      %parallel_loop3A_462 = arith.addf %parallel_loop3A_461, %parallel_loop3A_243 : vector<16xf32>
      %parallel_loop3A_463 = arith.addf %parallel_loop3A_138, %parallel_loop3A_444 : vector<16xf32>
      %parallel_loop3A_464 = arith.addf %parallel_loop3A_463, %parallel_loop3A_246 : vector<16xf32>
      %parallel_loop3A_465 = arith.addf %parallel_loop3A_138, %parallel_loop3A_445 : vector<16xf32>
      %parallel_loop3A_466 = arith.addf %parallel_loop3A_465, %parallel_loop3A_249 : vector<16xf32>
      %parallel_loop3A_467 = arith.addf %parallel_loop3A_138, %parallel_loop3A_446 : vector<16xf32>
      %parallel_loop3A_468 = arith.addf %parallel_loop3A_467, %parallel_loop3A_252 : vector<16xf32>
      %parallel_loop3A_469 = arith.addf %parallel_loop3A_138, %parallel_loop3A_447 : vector<16xf32>
      %parallel_loop3A_470 = arith.addf %parallel_loop3A_469, %parallel_loop3A_255 : vector<16xf32>
      %parallel_loop3A_471 = arith.addf %parallel_loop3A_138, %parallel_loop3A_448 : vector<16xf32>
      %parallel_loop3A_472 = arith.addf %parallel_loop3A_471, %parallel_loop3A_258 : vector<16xf32>
      %parallel_loop3A_473 = arith.addf %parallel_loop3A_138, %parallel_loop3A_449 : vector<16xf32>
      %parallel_loop3A_474 = arith.addf %parallel_loop3A_473, %parallel_loop3A_261 : vector<16xf32>
      %parallel_loop3A_475 = arith.addf %parallel_loop3A_138, %parallel_loop3A_450 : vector<16xf32>
      %parallel_loop3A_476 = arith.addf %parallel_loop3A_475, %parallel_loop3A_264 : vector<16xf32>
      %parallel_loop3A_477 = arith.addf %parallel_loop3A_138, %parallel_loop3A_451 : vector<16xf32>
      %parallel_loop3A_478 = arith.addf %parallel_loop3A_477, %parallel_loop3A_267 : vector<16xf32>
      %parallel_loop3A_479 = arith.addf %parallel_loop3A_138, %parallel_loop3A_452 : vector<16xf32>
      %parallel_loop3A_480 = arith.addf %parallel_loop3A_479, %parallel_loop3A_270 : vector<16xf32>
      %parallel_loop3A_481 = arith.addf %parallel_loop3A_138, %parallel_loop3A_453 : vector<16xf32>
      %parallel_loop3A_482 = arith.addf %parallel_loop3A_481, %parallel_loop3A_273 : vector<16xf32>
      %parallel_loop3A_483 = arith.addf %parallel_loop3A_138, %parallel_loop3A_454 : vector<16xf32>
      %parallel_loop3A_484 = arith.addf %parallel_loop3A_483, %parallel_loop3A_276 : vector<16xf32>
      %parallel_loop3A_485 = arith.addf %parallel_loop3A_138, %parallel_loop3A_455 : vector<16xf32>
      %parallel_loop3A_486 = arith.addf %parallel_loop3A_485, %parallel_loop3A_279 : vector<16xf32>
      %parallel_loop3A_487 = arith.addf %parallel_loop3A_138, %parallel_loop3A_456 : vector<16xf32>
      %parallel_loop3A_488 = arith.addf %parallel_loop3A_487, %parallel_loop3A_282 : vector<16xf32>
      %parallel_loop3A_489 = arith.constant 0 : i32
      %parallel_loop3A_490 = arith.addi %parallel_loop3A_137, %parallel_loop3A_489 : i32
      %parallel_loop3A_491 = arith.constant 16 : i32
      %parallel_loop3A_492 = arith.muli %parallel_loop3A_490, %parallel_loop3A_491 : i32
      %parallel_loop3A_493 = arith.index_cast %parallel_loop3A_492 : i32 to index
      %parallel_loop3A_494 = tpu.vector_load %arg5[%parallel_loop3A_493] {strides = array<i32>} : memref<32768xf32, #tpu.memory_space<vmem>>, vector<16xf32>,
      tpu.vector_store %arg5[%parallel_loop3A_493], %parallel_loop3A_458 {strides = array<i32>} : memref<32768xf32, #tpu.memory_space<vmem>>, vector<16xf32>,
      %parallel_loop3A_495 = arith.constant 1 : i32
      %parallel_loop3A_496 = arith.addi %parallel_loop3A_137, %parallel_loop3A_495 : i32
      %parallel_loop3A_497 = arith.constant 16 : i32
      %parallel_loop3A_498 = arith.muli %parallel_loop3A_496, %parallel_loop3A_497 : i32
      %parallel_loop3A_499 = arith.index_cast %parallel_loop3A_498 : i32 to index
      %parallel_loop3A_500 = tpu.vector_load %arg5[%parallel_loop3A_499] {strides = array<i32>} : memref<32768xf32, #tpu.memory_space<vmem>>, vector<16xf32>,
      tpu.vector_store %arg5[%parallel_loop3A_499], %parallel_loop3A_460 {strides = array<i32>} : memref<32768xf32, #tpu.memory_space<vmem>>, vector<16xf32>,
      %parallel_loop3A_501 = arith.constant 2 : i32
      %parallel_loop3A_502 = arith.addi %parallel_loop3A_137, %parallel_loop3A_501 : i32
      %parallel_loop3A_503 = arith.constant 16 : i32
      %parallel_loop3A_504 = arith.muli %parallel_loop3A_502, %parallel_loop3A_503 : i32
      %parallel_loop3A_505 = arith.index_cast %parallel_loop3A_504 : i32 to index
      %parallel_loop3A_506 = tpu.vector_load %arg5[%parallel_loop3A_505] {strides = array<i32>} : memref<32768xf32, #tpu.memory_space<vmem>>, vector<16xf32>,
      tpu.vector_store %arg5[%parallel_loop3A_505], %parallel_loop3A_462 {strides = array<i32>} : memref<32768xf32, #tpu.memory_space<vmem>>, vector<16xf32>,
      %parallel_loop3A_507 = arith.constant 3 : i32
      %parallel_loop3A_508 = arith.addi %parallel_loop3A_137, %parallel_loop3A_507 : i32
      %parallel_loop3A_509 = arith.constant 16 : i32
      %parallel_loop3A_510 = arith.muli %parallel_loop3A_508, %parallel_loop3A_509 : i32
      %parallel_loop3A_511 = arith.index_cast %parallel_loop3A_510 : i32 to index
      %parallel_loop3A_512 = tpu.vector_load %arg5[%parallel_loop3A_511] {strides = array<i32>} : memref<32768xf32, #tpu.memory_space<vmem>>, vector<16xf32>,
      tpu.vector_store %arg5[%parallel_loop3A_511], %parallel_loop3A_464 {strides = array<i32>} : memref<32768xf32, #tpu.memory_space<vmem>>, vector<16xf32>,
      %parallel_loop3A_513 = arith.constant 4 : i32
      %parallel_loop3A_514 = arith.addi %parallel_loop3A_137, %parallel_loop3A_513 : i32
      %parallel_loop3A_515 = arith.constant 16 : i32
      %parallel_loop3A_516 = arith.muli %parallel_loop3A_514, %parallel_loop3A_515 : i32
      %parallel_loop3A_517 = arith.index_cast %parallel_loop3A_516 : i32 to index
      %parallel_loop3A_518 = tpu.vector_load %arg5[%parallel_loop3A_517] {strides = array<i32>} : memref<32768xf32, #tpu.memory_space<vmem>>, vector<16xf32>,
      tpu.vector_store %arg5[%parallel_loop3A_517], %parallel_loop3A_466 {strides = array<i32>} : memref<32768xf32, #tpu.memory_space<vmem>>, vector<16xf32>,
      %parallel_loop3A_519 = arith.constant 5 : i32
      %parallel_loop3A_520 = arith.addi %parallel_loop3A_137, %parallel_loop3A_519 : i32
      %parallel_loop3A_521 = arith.constant 16 : i32
      %parallel_loop3A_522 = arith.muli %parallel_loop3A_520, %parallel_loop3A_521 : i32
      %parallel_loop3A_523 = arith.index_cast %parallel_loop3A_522 : i32 to index
      %parallel_loop3A_524 = tpu.vector_load %arg5[%parallel_loop3A_523] {strides = array<i32>} : memref<32768xf32, #tpu.memory_space<vmem>>, vector<16xf32>,
      tpu.vector_store %arg5[%parallel_loop3A_523], %parallel_loop3A_468 {strides = array<i32>} : memref<32768xf32, #tpu.memory_space<vmem>>, vector<16xf32>,
      %parallel_loop3A_525 = arith.constant 6 : i32
      %parallel_loop3A_526 = arith.addi %parallel_loop3A_137, %parallel_loop3A_525 : i32
      %parallel_loop3A_527 = arith.constant 16 : i32
      %parallel_loop3A_528 = arith.muli %parallel_loop3A_526, %parallel_loop3A_527 : i32
      %parallel_loop3A_529 = arith.index_cast %parallel_loop3A_528 : i32 to index
      %parallel_loop3A_530 = tpu.vector_load %arg5[%parallel_loop3A_529] {strides = array<i32>} : memref<32768xf32, #tpu.memory_space<vmem>>, vector<16xf32>,
      tpu.vector_store %arg5[%parallel_loop3A_529], %parallel_loop3A_470 {strides = array<i32>} : memref<32768xf32, #tpu.memory_space<vmem>>, vector<16xf32>,
      %parallel_loop3A_531 = arith.constant 7 : i32
      %parallel_loop3A_532 = arith.addi %parallel_loop3A_137, %parallel_loop3A_531 : i32
      %parallel_loop3A_533 = arith.constant 16 : i32
      %parallel_loop3A_534 = arith.muli %parallel_loop3A_532, %parallel_loop3A_533 : i32
      %parallel_loop3A_535 = arith.index_cast %parallel_loop3A_534 : i32 to index
      %parallel_loop3A_536 = tpu.vector_load %arg5[%parallel_loop3A_535] {strides = array<i32>} : memref<32768xf32, #tpu.memory_space<vmem>>, vector<16xf32>,
      tpu.vector_store %arg5[%parallel_loop3A_535], %parallel_loop3A_472 {strides = array<i32>} : memref<32768xf32, #tpu.memory_space<vmem>>, vector<16xf32>,
      %parallel_loop3A_537 = arith.constant 8 : i32
      %parallel_loop3A_538 = arith.addi %parallel_loop3A_137, %parallel_loop3A_537 : i32
      %parallel_loop3A_539 = arith.constant 16 : i32
      %parallel_loop3A_540 = arith.muli %parallel_loop3A_538, %parallel_loop3A_539 : i32
      %parallel_loop3A_541 = arith.index_cast %parallel_loop3A_540 : i32 to index
      %parallel_loop3A_542 = tpu.vector_load %arg5[%parallel_loop3A_541] {strides = array<i32>} : memref<32768xf32, #tpu.memory_space<vmem>>, vector<16xf32>,
      tpu.vector_store %arg5[%parallel_loop3A_541], %parallel_loop3A_474 {strides = array<i32>} : memref<32768xf32, #tpu.memory_space<vmem>>, vector<16xf32>,
      %parallel_loop3A_543 = arith.constant 9 : i32
      %parallel_loop3A_544 = arith.addi %parallel_loop3A_137, %parallel_loop3A_543 : i32
      %parallel_loop3A_545 = arith.constant 16 : i32
      %parallel_loop3A_546 = arith.muli %parallel_loop3A_544, %parallel_loop3A_545 : i32
      %parallel_loop3A_547 = arith.index_cast %parallel_loop3A_546 : i32 to index
      %parallel_loop3A_548 = tpu.vector_load %arg5[%parallel_loop3A_547] {strides = array<i32>} : memref<32768xf32, #tpu.memory_space<vmem>>, vector<16xf32>,
      tpu.vector_store %arg5[%parallel_loop3A_547], %parallel_loop3A_476 {strides = array<i32>} : memref<32768xf32, #tpu.memory_space<vmem>>, vector<16xf32>,
      %parallel_loop3A_549 = arith.constant 10 : i32
      %parallel_loop3A_550 = arith.addi %parallel_loop3A_137, %parallel_loop3A_549 : i32
      %parallel_loop3A_551 = arith.constant 16 : i32
      %parallel_loop3A_552 = arith.muli %parallel_loop3A_550, %parallel_loop3A_551 : i32
      %parallel_loop3A_553 = arith.index_cast %parallel_loop3A_552 : i32 to index
      %parallel_loop3A_554 = tpu.vector_load %arg5[%parallel_loop3A_553] {strides = array<i32>} : memref<32768xf32, #tpu.memory_space<vmem>>, vector<16xf32>,
      tpu.vector_store %arg5[%parallel_loop3A_553], %parallel_loop3A_478 {strides = array<i32>} : memref<32768xf32, #tpu.memory_space<vmem>>, vector<16xf32>,
      %parallel_loop3A_555 = arith.constant 11 : i32
      %parallel_loop3A_556 = arith.addi %parallel_loop3A_137, %parallel_loop3A_555 : i32
      %parallel_loop3A_557 = arith.constant 16 : i32
      %parallel_loop3A_558 = arith.muli %parallel_loop3A_556, %parallel_loop3A_557 : i32
      %parallel_loop3A_559 = arith.index_cast %parallel_loop3A_558 : i32 to index
      %parallel_loop3A_560 = tpu.vector_load %arg5[%parallel_loop3A_559] {strides = array<i32>} : memref<32768xf32, #tpu.memory_space<vmem>>, vector<16xf32>,
      tpu.vector_store %arg5[%parallel_loop3A_559], %parallel_loop3A_480 {strides = array<i32>} : memref<32768xf32, #tpu.memory_space<vmem>>, vector<16xf32>,
      %parallel_loop3A_561 = arith.constant 12 : i32
      %parallel_loop3A_562 = arith.addi %parallel_loop3A_137, %parallel_loop3A_561 : i32
      %parallel_loop3A_563 = arith.constant 16 : i32
      %parallel_loop3A_564 = arith.muli %parallel_loop3A_562, %parallel_loop3A_563 : i32
      %parallel_loop3A_565 = arith.index_cast %parallel_loop3A_564 : i32 to index
      %parallel_loop3A_566 = tpu.vector_load %arg5[%parallel_loop3A_565] {strides = array<i32>} : memref<32768xf32, #tpu.memory_space<vmem>>, vector<16xf32>,
      tpu.vector_store %arg5[%parallel_loop3A_565], %parallel_loop3A_482 {strides = array<i32>} : memref<32768xf32, #tpu.memory_space<vmem>>, vector<16xf32>,
      %parallel_loop3A_567 = arith.constant 13 : i32
      %parallel_loop3A_568 = arith.addi %parallel_loop3A_137, %parallel_loop3A_567 : i32
      %parallel_loop3A_569 = arith.constant 16 : i32
      %parallel_loop3A_570 = arith.muli %parallel_loop3A_568, %parallel_loop3A_569 : i32
      %parallel_loop3A_571 = arith.index_cast %parallel_loop3A_570 : i32 to index
      %parallel_loop3A_572 = tpu.vector_load %arg5[%parallel_loop3A_571] {strides = array<i32>} : memref<32768xf32, #tpu.memory_space<vmem>>, vector<16xf32>,
      tpu.vector_store %arg5[%parallel_loop3A_571], %parallel_loop3A_484 {strides = array<i32>} : memref<32768xf32, #tpu.memory_space<vmem>>, vector<16xf32>,
      %parallel_loop3A_573 = arith.constant 14 : i32
      %parallel_loop3A_574 = arith.addi %parallel_loop3A_137, %parallel_loop3A_573 : i32
      %parallel_loop3A_575 = arith.constant 16 : i32
      %parallel_loop3A_576 = arith.muli %parallel_loop3A_574, %parallel_loop3A_575 : i32
      %parallel_loop3A_577 = arith.index_cast %parallel_loop3A_576 : i32 to index
      %parallel_loop3A_578 = tpu.vector_load %arg5[%parallel_loop3A_577] {strides = array<i32>} : memref<32768xf32, #tpu.memory_space<vmem>>, vector<16xf32>,
      tpu.vector_store %arg5[%parallel_loop3A_577], %parallel_loop3A_486 {strides = array<i32>} : memref<32768xf32, #tpu.memory_space<vmem>>, vector<16xf32>,
      %parallel_loop3A_579 = arith.constant 15 : i32
      %parallel_loop3A_580 = arith.addi %parallel_loop3A_137, %parallel_loop3A_579 : i32
      %parallel_loop3A_581 = arith.constant 16 : i32
      %parallel_loop3A_582 = arith.muli %parallel_loop3A_580, %parallel_loop3A_581 : i32
      %parallel_loop3A_583 = arith.index_cast %parallel_loop3A_582 : i32 to index
      %parallel_loop3A_584 = tpu.vector_load %arg5[%parallel_loop3A_583] {strides = array<i32>} : memref<32768xf32, #tpu.memory_space<vmem>>, vector<16xf32>,
      tpu.vector_store %arg5[%parallel_loop3A_583], %parallel_loop3A_488 {strides = array<i32>} : memref<32768xf32, #tpu.memory_space<vmem>>, vector<16xf32>,
      %parallel_loop3A_585 = arith.addf %parallel_loop3A_138, %parallel_loop3A_457 : vector<16xf32>
      scf.yield %parallel_loop3A_585 : vector<16xf32>
    } {sc.loop_unroll_factor = 1 : i64, sc.parallel_access}
    %add3A_57 = arith.constant 1 : i32
    %add3A_58 = arith.addi %mul3A_2, %add3A_57 : i32
    %dma_start3A_59 = arith.constant 0 : i32
    %dma_start3A_60 = tpu.memref_slice %arg3[%add3A_58, %dma_start3A_59] : memref<128x32768xf32, #tpu.memory_space<hbm>> -> memref<1x32768xf32, #tpu.memory_space<hbm>>
    %dma_start3A_61 = tpu.memref_squeeze %dma_start3A_60 : memref<1x32768xf32, #tpu.memory_space<hbm>> -> memref<32768xf32, #tpu.memory_space<hbm>>
    %dma_start3A_62 = arith.constant 0 : i32
    %dma_start3A_63 = tpu.memref_slice %arg3[%add3A_58, %dma_start3A_62] : memref<128x32768xf32, #tpu.memory_space<hbm>> -> memref<1x32768xf32, #tpu.memory_space<hbm>>
    %dma_start3A_64 = tpu.memref_squeeze %dma_start3A_63 : memref<1x32768xf32, #tpu.memory_space<hbm>> -> memref<32768xf32, #tpu.memory_space<hbm>>
    tpu.enqueue_dma source(%arg5 : memref<32768xf32, #tpu.memory_space<vmem>>) target(%dma_start3A_64 : memref<32768xf32, #tpu.memory_space<hbm>>) target_semaphore(%arg11 : memref<!tpu.dma_semaphore, #tpu.memory_space<semaphore_mem>>)
    %dma_wait3A_65 = arith.constant 0 : i32
    %dma_wait3A_66 = tpu.memref_slice %arg3[%add3A_38, %dma_wait3A_65] : memref<128x32768xf32, #tpu.memory_space<hbm>> -> memref<1x32768xf32, #tpu.memory_space<hbm>>
    %dma_wait3A_67 = tpu.memref_squeeze %dma_wait3A_66 : memref<1x32768xf32, #tpu.memory_space<hbm>> -> memref<32768xf32, #tpu.memory_space<hbm>>
    %dma_wait3A_68 = arith.constant 0 : i32
    %dma_wait3A_69 = tpu.memref_slice %arg3[%add3A_38, %dma_wait3A_68] : memref<128x32768xf32, #tpu.memory_space<hbm>> -> memref<1x32768xf32, #tpu.memory_space<hbm>>
    %dma_wait3A_70 = tpu.memref_squeeze %dma_wait3A_69 : memref<1x32768xf32, #tpu.memory_space<hbm>> -> memref<32768xf32, #tpu.memory_space<hbm>>
    tpu.wait_dma2 semaphore(%arg10 : memref<!tpu.dma_semaphore, #tpu.memory_space<semaphore_mem>>) src(%arg4 : memref<32768xf32, #tpu.memory_space<vmem>>) dst(%dma_wait3A_70 : memref<32768xf32, #tpu.memory_space<hbm>>)
    %add3A_71 = arith.constant 3 : i32
    %add3A_72 = arith.addi %mul3A_2, %add3A_71 : i32
    %dma_start3A_73 = arith.constant 0 : i32
    %dma_start3A_74 = tpu.memref_slice %arg2[%add3A_72, %dma_start3A_73] : memref<128x32768xf32, #tpu.memory_space<hbm>> -> memref<1x32768xf32, #tpu.memory_space<hbm>>
    %dma_start3A_75 = tpu.memref_squeeze %dma_start3A_74 : memref<1x32768xf32, #tpu.memory_space<hbm>> -> memref<32768xf32, #tpu.memory_space<hbm>>
    %dma_start3A_76 = arith.constant 0 : i32
    %dma_start3A_77 = tpu.memref_slice %arg2[%add3A_72, %dma_start3A_76] : memref<128x32768xf32, #tpu.memory_space<hbm>> -> memref<1x32768xf32, #tpu.memory_space<hbm>>
    %dma_start3A_78 = tpu.memref_squeeze %dma_start3A_77 : memref<1x32768xf32, #tpu.memory_space<hbm>> -> memref<32768xf32, #tpu.memory_space<hbm>>
    tpu.enqueue_dma source(%dma_start3A_78 : memref<32768xf32, #tpu.memory_space<hbm>>) target(%arg4 : memref<32768xf32, #tpu.memory_space<vmem>>) target_semaphore(%arg7 : memref<!tpu.dma_semaphore, #tpu.memory_space<semaphore_mem>>)
    %dma_wait3A_79 = arith.constant 0 : i32
    %dma_wait3A_80 = tpu.memref_slice %arg2[%add3A_20, %dma_wait3A_79] : memref<128x32768xf32, #tpu.memory_space<hbm>> -> memref<1x32768xf32, #tpu.memory_space<hbm>>
    %dma_wait3A_81 = tpu.memref_squeeze %dma_wait3A_80 : memref<1x32768xf32, #tpu.memory_space<hbm>> -> memref<32768xf32, #tpu.memory_space<hbm>>
    %dma_wait3A_82 = arith.constant 0 : i32
    %dma_wait3A_83 = tpu.memref_slice %arg2[%add3A_20, %dma_wait3A_82] : memref<128x32768xf32, #tpu.memory_space<hbm>> -> memref<1x32768xf32, #tpu.memory_space<hbm>>
    %dma_wait3A_84 = tpu.memref_squeeze %dma_wait3A_83 : memref<1x32768xf32, #tpu.memory_space<hbm>> -> memref<32768xf32, #tpu.memory_space<hbm>>
    tpu.wait_dma2 semaphore(%arg9 : memref<!tpu.dma_semaphore, #tpu.memory_space<semaphore_mem>>) src(%dma_wait3A_84 : memref<32768xf32, #tpu.memory_space<hbm>>) dst(%arg6 : memref<32768xf32, #tpu.memory_space<vmem>>)
    %broadcast_in_dim3A_85 = arith.constant 0.000000e+00 : f32
    %broadcast_in_dim3A_86 = vector.broadcast %broadcast_in_dim3A_85 : f32 to vector<16xf32>
    %parallel_loop3A_87 = arith.constant 0 : i32
    %parallel_loop3A_88 = arith.constant 2048 : i32
    %parallel_loop3A_89 = arith.constant 16 : i32
    %parallel_loop3A_90 = scf.for %parallel_loop3A_137 = %parallel_loop3A_87 to %parallel_loop3A_88 step %parallel_loop3A_89 iter_args(%parallel_loop3A_138 = %broadcast_in_dim3A_86) -> (vector<16xf32>)  : i32 {
      %parallel_loop3A_139 = arith.constant 0 : i32
      %parallel_loop3A_140 = arith.addi %parallel_loop3A_137, %parallel_loop3A_139 : i32
      %parallel_loop3A_141 = arith.constant 16 : i32
      %parallel_loop3A_142 = arith.muli %parallel_loop3A_140, %parallel_loop3A_141 : i32
      %parallel_loop3A_143 = arith.index_cast %parallel_loop3A_142 : i32 to index
      %parallel_loop3A_144 = tpu.vector_load %arg6[%parallel_loop3A_143] {strides = array<i32>} : memref<32768xf32, #tpu.memory_space<vmem>>, vector<16xf32>,
      %parallel_loop3A_145 = arith.constant 1 : i32
      %parallel_loop3A_146 = arith.addi %parallel_loop3A_137, %parallel_loop3A_145 : i32
      %parallel_loop3A_147 = arith.constant 16 : i32
      %parallel_loop3A_148 = arith.muli %parallel_loop3A_146, %parallel_loop3A_147 : i32
      %parallel_loop3A_149 = arith.index_cast %parallel_loop3A_148 : i32 to index
      %parallel_loop3A_150 = tpu.vector_load %arg6[%parallel_loop3A_149] {strides = array<i32>} : memref<32768xf32, #tpu.memory_space<vmem>>, vector<16xf32>,
      %parallel_loop3A_151 = arith.constant 2 : i32
      %parallel_loop3A_152 = arith.addi %parallel_loop3A_137, %parallel_loop3A_151 : i32
      %parallel_loop3A_153 = arith.constant 16 : i32
      %parallel_loop3A_154 = arith.muli %parallel_loop3A_152, %parallel_loop3A_153 : i32
      %parallel_loop3A_155 = arith.index_cast %parallel_loop3A_154 : i32 to index
      %parallel_loop3A_156 = tpu.vector_load %arg6[%parallel_loop3A_155] {strides = array<i32>} : memref<32768xf32, #tpu.memory_space<vmem>>, vector<16xf32>,
      %parallel_loop3A_157 = arith.constant 3 : i32
      %parallel_loop3A_158 = arith.addi %parallel_loop3A_137, %parallel_loop3A_157 : i32
      %parallel_loop3A_159 = arith.constant 16 : i32
      %parallel_loop3A_160 = arith.muli %parallel_loop3A_158, %parallel_loop3A_159 : i32
      %parallel_loop3A_161 = arith.index_cast %parallel_loop3A_160 : i32 to index
      %parallel_loop3A_162 = tpu.vector_load %arg6[%parallel_loop3A_161] {strides = array<i32>} : memref<32768xf32, #tpu.memory_space<vmem>>, vector<16xf32>,
      %parallel_loop3A_163 = arith.constant 4 : i32
      %parallel_loop3A_164 = arith.addi %parallel_loop3A_137, %parallel_loop3A_163 : i32
      %parallel_loop3A_165 = arith.constant 16 : i32
      %parallel_loop3A_166 = arith.muli %parallel_loop3A_164, %parallel_loop3A_165 : i32
      %parallel_loop3A_167 = arith.index_cast %parallel_loop3A_166 : i32 to index
      %parallel_loop3A_168 = tpu.vector_load %arg6[%parallel_loop3A_167] {strides = array<i32>} : memref<32768xf32, #tpu.memory_space<vmem>>, vector<16xf32>,
      %parallel_loop3A_169 = arith.constant 5 : i32
      %parallel_loop3A_170 = arith.addi %parallel_loop3A_137, %parallel_loop3A_169 : i32
      %parallel_loop3A_171 = arith.constant 16 : i32
      %parallel_loop3A_172 = arith.muli %parallel_loop3A_170, %parallel_loop3A_171 : i32
      %parallel_loop3A_173 = arith.index_cast %parallel_loop3A_172 : i32 to index
      %parallel_loop3A_174 = tpu.vector_load %arg6[%parallel_loop3A_173] {strides = array<i32>} : memref<32768xf32, #tpu.memory_space<vmem>>, vector<16xf32>,
      %parallel_loop3A_175 = arith.constant 6 : i32
      %parallel_loop3A_176 = arith.addi %parallel_loop3A_137, %parallel_loop3A_175 : i32
      %parallel_loop3A_177 = arith.constant 16 : i32
      %parallel_loop3A_178 = arith.muli %parallel_loop3A_176, %parallel_loop3A_177 : i32
      %parallel_loop3A_179 = arith.index_cast %parallel_loop3A_178 : i32 to index
      %parallel_loop3A_180 = tpu.vector_load %arg6[%parallel_loop3A_179] {strides = array<i32>} : memref<32768xf32, #tpu.memory_space<vmem>>, vector<16xf32>,
      %parallel_loop3A_181 = arith.constant 7 : i32
      %parallel_loop3A_182 = arith.addi %parallel_loop3A_137, %parallel_loop3A_181 : i32
      %parallel_loop3A_183 = arith.constant 16 : i32
      %parallel_loop3A_184 = arith.muli %parallel_loop3A_182, %parallel_loop3A_183 : i32
      %parallel_loop3A_185 = arith.index_cast %parallel_loop3A_184 : i32 to index
      %parallel_loop3A_186 = tpu.vector_load %arg6[%parallel_loop3A_185] {strides = array<i32>} : memref<32768xf32, #tpu.memory_space<vmem>>, vector<16xf32>,
      %parallel_loop3A_187 = arith.constant 8 : i32
      %parallel_loop3A_188 = arith.addi %parallel_loop3A_137, %parallel_loop3A_187 : i32
      %parallel_loop3A_189 = arith.constant 16 : i32
      %parallel_loop3A_190 = arith.muli %parallel_loop3A_188, %parallel_loop3A_189 : i32
      %parallel_loop3A_191 = arith.index_cast %parallel_loop3A_190 : i32 to index
      %parallel_loop3A_192 = tpu.vector_load %arg6[%parallel_loop3A_191] {strides = array<i32>} : memref<32768xf32, #tpu.memory_space<vmem>>, vector<16xf32>,
      %parallel_loop3A_193 = arith.constant 9 : i32
      %parallel_loop3A_194 = arith.addi %parallel_loop3A_137, %parallel_loop3A_193 : i32
      %parallel_loop3A_195 = arith.constant 16 : i32
      %parallel_loop3A_196 = arith.muli %parallel_loop3A_194, %parallel_loop3A_195 : i32
      %parallel_loop3A_197 = arith.index_cast %parallel_loop3A_196 : i32 to index
      %parallel_loop3A_198 = tpu.vector_load %arg6[%parallel_loop3A_197] {strides = array<i32>} : memref<32768xf32, #tpu.memory_space<vmem>>, vector<16xf32>,
      %parallel_loop3A_199 = arith.constant 10 : i32
      %parallel_loop3A_200 = arith.addi %parallel_loop3A_137, %parallel_loop3A_199 : i32
      %parallel_loop3A_201 = arith.constant 16 : i32
      %parallel_loop3A_202 = arith.muli %parallel_loop3A_200, %parallel_loop3A_201 : i32
      %parallel_loop3A_203 = arith.index_cast %parallel_loop3A_202 : i32 to index
      %parallel_loop3A_204 = tpu.vector_load %arg6[%parallel_loop3A_203] {strides = array<i32>} : memref<32768xf32, #tpu.memory_space<vmem>>, vector<16xf32>,
      %parallel_loop3A_205 = arith.constant 11 : i32
      %parallel_loop3A_206 = arith.addi %parallel_loop3A_137, %parallel_loop3A_205 : i32
      %parallel_loop3A_207 = arith.constant 16 : i32
      %parallel_loop3A_208 = arith.muli %parallel_loop3A_206, %parallel_loop3A_207 : i32
      %parallel_loop3A_209 = arith.index_cast %parallel_loop3A_208 : i32 to index
      %parallel_loop3A_210 = tpu.vector_load %arg6[%parallel_loop3A_209] {strides = array<i32>} : memref<32768xf32, #tpu.memory_space<vmem>>, vector<16xf32>,
      %parallel_loop3A_211 = arith.constant 12 : i32
      %parallel_loop3A_212 = arith.addi %parallel_loop3A_137, %parallel_loop3A_211 : i32
      %parallel_loop3A_213 = arith.constant 16 : i32
      %parallel_loop3A_214 = arith.muli %parallel_loop3A_212, %parallel_loop3A_213 : i32
      %parallel_loop3A_215 = arith.index_cast %parallel_loop3A_214 : i32 to index
      %parallel_loop3A_216 = tpu.vector_load %arg6[%parallel_loop3A_215] {strides = array<i32>} : memref<32768xf32, #tpu.memory_space<vmem>>, vector<16xf32>,
      %parallel_loop3A_217 = arith.constant 13 : i32
      %parallel_loop3A_218 = arith.addi %parallel_loop3A_137, %parallel_loop3A_217 : i32
      %parallel_loop3A_219 = arith.constant 16 : i32
      %parallel_loop3A_220 = arith.muli %parallel_loop3A_218, %parallel_loop3A_219 : i32
      %parallel_loop3A_221 = arith.index_cast %parallel_loop3A_220 : i32 to index
      %parallel_loop3A_222 = tpu.vector_load %arg6[%parallel_loop3A_221] {strides = array<i32>} : memref<32768xf32, #tpu.memory_space<vmem>>, vector<16xf32>,
      %parallel_loop3A_223 = arith.constant 14 : i32
      %parallel_loop3A_224 = arith.addi %parallel_loop3A_137, %parallel_loop3A_223 : i32
      %parallel_loop3A_225 = arith.constant 16 : i32
      %parallel_loop3A_226 = arith.muli %parallel_loop3A_224, %parallel_loop3A_225 : i32
      %parallel_loop3A_227 = arith.index_cast %parallel_loop3A_226 : i32 to index
      %parallel_loop3A_228 = tpu.vector_load %arg6[%parallel_loop3A_227] {strides = array<i32>} : memref<32768xf32, #tpu.memory_space<vmem>>, vector<16xf32>,
      %parallel_loop3A_229 = arith.constant 15 : i32
      %parallel_loop3A_230 = arith.addi %parallel_loop3A_137, %parallel_loop3A_229 : i32
      %parallel_loop3A_231 = arith.constant 16 : i32
      %parallel_loop3A_232 = arith.muli %parallel_loop3A_230, %parallel_loop3A_231 : i32
      %parallel_loop3A_233 = arith.index_cast %parallel_loop3A_232 : i32 to index
      %parallel_loop3A_234 = tpu.vector_load %arg6[%parallel_loop3A_233] {strides = array<i32>} : memref<32768xf32, #tpu.memory_space<vmem>>, vector<16xf32>,
      %parallel_loop3A_235 = arith.constant true
      %parallel_loop3A_236 = vector.broadcast %parallel_loop3A_235 : i1 to vector<16xi1>
      %parallel_loop3A_237 = tpu.scan <sum>, %parallel_loop3A_144 masked %parallel_loop3A_236 : vector<16xf32>, vector<16xi1> -> vector<16xf32>
      %parallel_loop3A_238 = arith.constant true
      %parallel_loop3A_239 = vector.broadcast %parallel_loop3A_238 : i1 to vector<16xi1>
      %parallel_loop3A_240 = tpu.scan <sum>, %parallel_loop3A_150 masked %parallel_loop3A_239 : vector<16xf32>, vector<16xi1> -> vector<16xf32>
      %parallel_loop3A_241 = arith.constant true
      %parallel_loop3A_242 = vector.broadcast %parallel_loop3A_241 : i1 to vector<16xi1>
      %parallel_loop3A_243 = tpu.scan <sum>, %parallel_loop3A_156 masked %parallel_loop3A_242 : vector<16xf32>, vector<16xi1> -> vector<16xf32>
      %parallel_loop3A_244 = arith.constant true
      %parallel_loop3A_245 = vector.broadcast %parallel_loop3A_244 : i1 to vector<16xi1>
      %parallel_loop3A_246 = tpu.scan <sum>, %parallel_loop3A_162 masked %parallel_loop3A_245 : vector<16xf32>, vector<16xi1> -> vector<16xf32>
      %parallel_loop3A_247 = arith.constant true
      %parallel_loop3A_248 = vector.broadcast %parallel_loop3A_247 : i1 to vector<16xi1>
      %parallel_loop3A_249 = tpu.scan <sum>, %parallel_loop3A_168 masked %parallel_loop3A_248 : vector<16xf32>, vector<16xi1> -> vector<16xf32>
      %parallel_loop3A_250 = arith.constant true
      %parallel_loop3A_251 = vector.broadcast %parallel_loop3A_250 : i1 to vector<16xi1>
      %parallel_loop3A_252 = tpu.scan <sum>, %parallel_loop3A_174 masked %parallel_loop3A_251 : vector<16xf32>, vector<16xi1> -> vector<16xf32>
      %parallel_loop3A_253 = arith.constant true
      %parallel_loop3A_254 = vector.broadcast %parallel_loop3A_253 : i1 to vector<16xi1>
      %parallel_loop3A_255 = tpu.scan <sum>, %parallel_loop3A_180 masked %parallel_loop3A_254 : vector<16xf32>, vector<16xi1> -> vector<16xf32>
      %parallel_loop3A_256 = arith.constant true
      %parallel_loop3A_257 = vector.broadcast %parallel_loop3A_256 : i1 to vector<16xi1>
      %parallel_loop3A_258 = tpu.scan <sum>, %parallel_loop3A_186 masked %parallel_loop3A_257 : vector<16xf32>, vector<16xi1> -> vector<16xf32>
      %parallel_loop3A_259 = arith.constant true
      %parallel_loop3A_260 = vector.broadcast %parallel_loop3A_259 : i1 to vector<16xi1>
      %parallel_loop3A_261 = tpu.scan <sum>, %parallel_loop3A_192 masked %parallel_loop3A_260 : vector<16xf32>, vector<16xi1> -> vector<16xf32>
      %parallel_loop3A_262 = arith.constant true
      %parallel_loop3A_263 = vector.broadcast %parallel_loop3A_262 : i1 to vector<16xi1>
      %parallel_loop3A_264 = tpu.scan <sum>, %parallel_loop3A_198 masked %parallel_loop3A_263 : vector<16xf32>, vector<16xi1> -> vector<16xf32>
      %parallel_loop3A_265 = arith.constant true
      %parallel_loop3A_266 = vector.broadcast %parallel_loop3A_265 : i1 to vector<16xi1>
      %parallel_loop3A_267 = tpu.scan <sum>, %parallel_loop3A_204 masked %parallel_loop3A_266 : vector<16xf32>, vector<16xi1> -> vector<16xf32>
      %parallel_loop3A_268 = arith.constant true
      %parallel_loop3A_269 = vector.broadcast %parallel_loop3A_268 : i1 to vector<16xi1>
      %parallel_loop3A_270 = tpu.scan <sum>, %parallel_loop3A_210 masked %parallel_loop3A_269 : vector<16xf32>, vector<16xi1> -> vector<16xf32>
      %parallel_loop3A_271 = arith.constant true
      %parallel_loop3A_272 = vector.broadcast %parallel_loop3A_271 : i1 to vector<16xi1>
      %parallel_loop3A_273 = tpu.scan <sum>, %parallel_loop3A_216 masked %parallel_loop3A_272 : vector<16xf32>, vector<16xi1> -> vector<16xf32>
      %parallel_loop3A_274 = arith.constant true
      %parallel_loop3A_275 = vector.broadcast %parallel_loop3A_274 : i1 to vector<16xi1>
      %parallel_loop3A_276 = tpu.scan <sum>, %parallel_loop3A_222 masked %parallel_loop3A_275 : vector<16xf32>, vector<16xi1> -> vector<16xf32>
      %parallel_loop3A_277 = arith.constant true
      %parallel_loop3A_278 = vector.broadcast %parallel_loop3A_277 : i1 to vector<16xi1>
      %parallel_loop3A_279 = tpu.scan <sum>, %parallel_loop3A_228 masked %parallel_loop3A_278 : vector<16xf32>, vector<16xi1> -> vector<16xf32>
      %parallel_loop3A_280 = arith.constant true
      %parallel_loop3A_281 = vector.broadcast %parallel_loop3A_280 : i1 to vector<16xi1>
      %parallel_loop3A_282 = tpu.scan <sum>, %parallel_loop3A_234 masked %parallel_loop3A_281 : vector<16xf32>, vector<16xi1> -> vector<16xf32>
      %parallel_loop3A_283 = arith.constant 0 : i32
      %parallel_loop3A_284 = vector.broadcast %parallel_loop3A_283 : i32 to vector<16xi32>
      %parallel_loop3A_285 = arith.cmpi slt, %broadcast_in_dim3A_3, %parallel_loop3A_284 : vector<16xi32>
      %parallel_loop3A_286 = arith.constant 16 : i32
      %parallel_loop3A_287 = vector.broadcast %parallel_loop3A_286 : i32 to vector<16xi32>
      %parallel_loop3A_288 = arith.addi %broadcast_in_dim3A_3, %parallel_loop3A_287 : vector<16xi32>
      %parallel_loop3A_289 = arith.select %parallel_loop3A_285, %parallel_loop3A_288, %broadcast_in_dim3A_3 : vector<16xi1>, vector<16xi32>
      %parallel_loop3A_290 = vector.shape_cast %parallel_loop3A_289 : vector<16xi32> to vector<16x1xi32>
      %parallel_loop3A_291 = vector.shape_cast %parallel_loop3A_290 : vector<16x1xi32> to vector<16xi32>
      %parallel_loop3A_292 = tpu.dynamic_gather %parallel_loop3A_237[%parallel_loop3A_291] in [0] : vector<16xf32>, vector<16xi32> -> vector<16xf32>
      %parallel_loop3A_293 = arith.constant 0 : i32
      %parallel_loop3A_294 = vector.broadcast %parallel_loop3A_293 : i32 to vector<16xi32>
      %parallel_loop3A_295 = arith.cmpi slt, %broadcast_in_dim3A_3, %parallel_loop3A_294 : vector<16xi32>
      %parallel_loop3A_296 = arith.constant 16 : i32
      %parallel_loop3A_297 = vector.broadcast %parallel_loop3A_296 : i32 to vector<16xi32>
      %parallel_loop3A_298 = arith.addi %broadcast_in_dim3A_3, %parallel_loop3A_297 : vector<16xi32>
      %parallel_loop3A_299 = arith.select %parallel_loop3A_295, %parallel_loop3A_298, %broadcast_in_dim3A_3 : vector<16xi1>, vector<16xi32>
      %parallel_loop3A_300 = vector.shape_cast %parallel_loop3A_299 : vector<16xi32> to vector<16x1xi32>
      %parallel_loop3A_301 = vector.shape_cast %parallel_loop3A_300 : vector<16x1xi32> to vector<16xi32>
      %parallel_loop3A_302 = tpu.dynamic_gather %parallel_loop3A_240[%parallel_loop3A_301] in [0] : vector<16xf32>, vector<16xi32> -> vector<16xf32>
      %parallel_loop3A_303 = arith.constant 0 : i32
      %parallel_loop3A_304 = vector.broadcast %parallel_loop3A_303 : i32 to vector<16xi32>
      %parallel_loop3A_305 = arith.cmpi slt, %broadcast_in_dim3A_3, %parallel_loop3A_304 : vector<16xi32>
      %parallel_loop3A_306 = arith.constant 16 : i32
      %parallel_loop3A_307 = vector.broadcast %parallel_loop3A_306 : i32 to vector<16xi32>
      %parallel_loop3A_308 = arith.addi %broadcast_in_dim3A_3, %parallel_loop3A_307 : vector<16xi32>
      %parallel_loop3A_309 = arith.select %parallel_loop3A_305, %parallel_loop3A_308, %broadcast_in_dim3A_3 : vector<16xi1>, vector<16xi32>
      %parallel_loop3A_310 = vector.shape_cast %parallel_loop3A_309 : vector<16xi32> to vector<16x1xi32>
      %parallel_loop3A_311 = vector.shape_cast %parallel_loop3A_310 : vector<16x1xi32> to vector<16xi32>
      %parallel_loop3A_312 = tpu.dynamic_gather %parallel_loop3A_243[%parallel_loop3A_311] in [0] : vector<16xf32>, vector<16xi32> -> vector<16xf32>
      %parallel_loop3A_313 = arith.constant 0 : i32
      %parallel_loop3A_314 = vector.broadcast %parallel_loop3A_313 : i32 to vector<16xi32>
      %parallel_loop3A_315 = arith.cmpi slt, %broadcast_in_dim3A_3, %parallel_loop3A_314 : vector<16xi32>
      %parallel_loop3A_316 = arith.constant 16 : i32
      %parallel_loop3A_317 = vector.broadcast %parallel_loop3A_316 : i32 to vector<16xi32>
      %parallel_loop3A_318 = arith.addi %broadcast_in_dim3A_3, %parallel_loop3A_317 : vector<16xi32>
      %parallel_loop3A_319 = arith.select %parallel_loop3A_315, %parallel_loop3A_318, %broadcast_in_dim3A_3 : vector<16xi1>, vector<16xi32>
      %parallel_loop3A_320 = vector.shape_cast %parallel_loop3A_319 : vector<16xi32> to vector<16x1xi32>
      %parallel_loop3A_321 = vector.shape_cast %parallel_loop3A_320 : vector<16x1xi32> to vector<16xi32>
      %parallel_loop3A_322 = tpu.dynamic_gather %parallel_loop3A_246[%parallel_loop3A_321] in [0] : vector<16xf32>, vector<16xi32> -> vector<16xf32>
      %parallel_loop3A_323 = arith.constant 0 : i32
      %parallel_loop3A_324 = vector.broadcast %parallel_loop3A_323 : i32 to vector<16xi32>
      %parallel_loop3A_325 = arith.cmpi slt, %broadcast_in_dim3A_3, %parallel_loop3A_324 : vector<16xi32>
      %parallel_loop3A_326 = arith.constant 16 : i32
      %parallel_loop3A_327 = vector.broadcast %parallel_loop3A_326 : i32 to vector<16xi32>
      %parallel_loop3A_328 = arith.addi %broadcast_in_dim3A_3, %parallel_loop3A_327 : vector<16xi32>
      %parallel_loop3A_329 = arith.select %parallel_loop3A_325, %parallel_loop3A_328, %broadcast_in_dim3A_3 : vector<16xi1>, vector<16xi32>
      %parallel_loop3A_330 = vector.shape_cast %parallel_loop3A_329 : vector<16xi32> to vector<16x1xi32>
      %parallel_loop3A_331 = vector.shape_cast %parallel_loop3A_330 : vector<16x1xi32> to vector<16xi32>
      %parallel_loop3A_332 = tpu.dynamic_gather %parallel_loop3A_249[%parallel_loop3A_331] in [0] : vector<16xf32>, vector<16xi32> -> vector<16xf32>
      %parallel_loop3A_333 = arith.constant 0 : i32
      %parallel_loop3A_334 = vector.broadcast %parallel_loop3A_333 : i32 to vector<16xi32>
      %parallel_loop3A_335 = arith.cmpi slt, %broadcast_in_dim3A_3, %parallel_loop3A_334 : vector<16xi32>
      %parallel_loop3A_336 = arith.constant 16 : i32
      %parallel_loop3A_337 = vector.broadcast %parallel_loop3A_336 : i32 to vector<16xi32>
      %parallel_loop3A_338 = arith.addi %broadcast_in_dim3A_3, %parallel_loop3A_337 : vector<16xi32>
      %parallel_loop3A_339 = arith.select %parallel_loop3A_335, %parallel_loop3A_338, %broadcast_in_dim3A_3 : vector<16xi1>, vector<16xi32>
      %parallel_loop3A_340 = vector.shape_cast %parallel_loop3A_339 : vector<16xi32> to vector<16x1xi32>
      %parallel_loop3A_341 = vector.shape_cast %parallel_loop3A_340 : vector<16x1xi32> to vector<16xi32>
      %parallel_loop3A_342 = tpu.dynamic_gather %parallel_loop3A_252[%parallel_loop3A_341] in [0] : vector<16xf32>, vector<16xi32> -> vector<16xf32>
      %parallel_loop3A_343 = arith.constant 0 : i32
      %parallel_loop3A_344 = vector.broadcast %parallel_loop3A_343 : i32 to vector<16xi32>
      %parallel_loop3A_345 = arith.cmpi slt, %broadcast_in_dim3A_3, %parallel_loop3A_344 : vector<16xi32>
      %parallel_loop3A_346 = arith.constant 16 : i32
      %parallel_loop3A_347 = vector.broadcast %parallel_loop3A_346 : i32 to vector<16xi32>
      %parallel_loop3A_348 = arith.addi %broadcast_in_dim3A_3, %parallel_loop3A_347 : vector<16xi32>
      %parallel_loop3A_349 = arith.select %parallel_loop3A_345, %parallel_loop3A_348, %broadcast_in_dim3A_3 : vector<16xi1>, vector<16xi32>
      %parallel_loop3A_350 = vector.shape_cast %parallel_loop3A_349 : vector<16xi32> to vector<16x1xi32>
      %parallel_loop3A_351 = vector.shape_cast %parallel_loop3A_350 : vector<16x1xi32> to vector<16xi32>
      %parallel_loop3A_352 = tpu.dynamic_gather %parallel_loop3A_255[%parallel_loop3A_351] in [0] : vector<16xf32>, vector<16xi32> -> vector<16xf32>
      %parallel_loop3A_353 = arith.constant 0 : i32
      %parallel_loop3A_354 = vector.broadcast %parallel_loop3A_353 : i32 to vector<16xi32>
      %parallel_loop3A_355 = arith.cmpi slt, %broadcast_in_dim3A_3, %parallel_loop3A_354 : vector<16xi32>
      %parallel_loop3A_356 = arith.constant 16 : i32
      %parallel_loop3A_357 = vector.broadcast %parallel_loop3A_356 : i32 to vector<16xi32>
      %parallel_loop3A_358 = arith.addi %broadcast_in_dim3A_3, %parallel_loop3A_357 : vector<16xi32>
      %parallel_loop3A_359 = arith.select %parallel_loop3A_355, %parallel_loop3A_358, %broadcast_in_dim3A_3 : vector<16xi1>, vector<16xi32>
      %parallel_loop3A_360 = vector.shape_cast %parallel_loop3A_359 : vector<16xi32> to vector<16x1xi32>
      %parallel_loop3A_361 = vector.shape_cast %parallel_loop3A_360 : vector<16x1xi32> to vector<16xi32>
      %parallel_loop3A_362 = tpu.dynamic_gather %parallel_loop3A_258[%parallel_loop3A_361] in [0] : vector<16xf32>, vector<16xi32> -> vector<16xf32>
      %parallel_loop3A_363 = arith.constant 0 : i32
      %parallel_loop3A_364 = vector.broadcast %parallel_loop3A_363 : i32 to vector<16xi32>
      %parallel_loop3A_365 = arith.cmpi slt, %broadcast_in_dim3A_3, %parallel_loop3A_364 : vector<16xi32>
      %parallel_loop3A_366 = arith.constant 16 : i32
      %parallel_loop3A_367 = vector.broadcast %parallel_loop3A_366 : i32 to vector<16xi32>
      %parallel_loop3A_368 = arith.addi %broadcast_in_dim3A_3, %parallel_loop3A_367 : vector<16xi32>
      %parallel_loop3A_369 = arith.select %parallel_loop3A_365, %parallel_loop3A_368, %broadcast_in_dim3A_3 : vector<16xi1>, vector<16xi32>
      %parallel_loop3A_370 = vector.shape_cast %parallel_loop3A_369 : vector<16xi32> to vector<16x1xi32>
      %parallel_loop3A_371 = vector.shape_cast %parallel_loop3A_370 : vector<16x1xi32> to vector<16xi32>
      %parallel_loop3A_372 = tpu.dynamic_gather %parallel_loop3A_261[%parallel_loop3A_371] in [0] : vector<16xf32>, vector<16xi32> -> vector<16xf32>
      %parallel_loop3A_373 = arith.constant 0 : i32
      %parallel_loop3A_374 = vector.broadcast %parallel_loop3A_373 : i32 to vector<16xi32>
      %parallel_loop3A_375 = arith.cmpi slt, %broadcast_in_dim3A_3, %parallel_loop3A_374 : vector<16xi32>
      %parallel_loop3A_376 = arith.constant 16 : i32
      %parallel_loop3A_377 = vector.broadcast %parallel_loop3A_376 : i32 to vector<16xi32>
      %parallel_loop3A_378 = arith.addi %broadcast_in_dim3A_3, %parallel_loop3A_377 : vector<16xi32>
      %parallel_loop3A_379 = arith.select %parallel_loop3A_375, %parallel_loop3A_378, %broadcast_in_dim3A_3 : vector<16xi1>, vector<16xi32>
      %parallel_loop3A_380 = vector.shape_cast %parallel_loop3A_379 : vector<16xi32> to vector<16x1xi32>
      %parallel_loop3A_381 = vector.shape_cast %parallel_loop3A_380 : vector<16x1xi32> to vector<16xi32>
      %parallel_loop3A_382 = tpu.dynamic_gather %parallel_loop3A_264[%parallel_loop3A_381] in [0] : vector<16xf32>, vector<16xi32> -> vector<16xf32>
      %parallel_loop3A_383 = arith.constant 0 : i32
      %parallel_loop3A_384 = vector.broadcast %parallel_loop3A_383 : i32 to vector<16xi32>
      %parallel_loop3A_385 = arith.cmpi slt, %broadcast_in_dim3A_3, %parallel_loop3A_384 : vector<16xi32>
      %parallel_loop3A_386 = arith.constant 16 : i32
      %parallel_loop3A_387 = vector.broadcast %parallel_loop3A_386 : i32 to vector<16xi32>
      %parallel_loop3A_388 = arith.addi %broadcast_in_dim3A_3, %parallel_loop3A_387 : vector<16xi32>
      %parallel_loop3A_389 = arith.select %parallel_loop3A_385, %parallel_loop3A_388, %broadcast_in_dim3A_3 : vector<16xi1>, vector<16xi32>
      %parallel_loop3A_390 = vector.shape_cast %parallel_loop3A_389 : vector<16xi32> to vector<16x1xi32>
      %parallel_loop3A_391 = vector.shape_cast %parallel_loop3A_390 : vector<16x1xi32> to vector<16xi32>
      %parallel_loop3A_392 = tpu.dynamic_gather %parallel_loop3A_267[%parallel_loop3A_391] in [0] : vector<16xf32>, vector<16xi32> -> vector<16xf32>
      %parallel_loop3A_393 = arith.constant 0 : i32
      %parallel_loop3A_394 = vector.broadcast %parallel_loop3A_393 : i32 to vector<16xi32>
      %parallel_loop3A_395 = arith.cmpi slt, %broadcast_in_dim3A_3, %parallel_loop3A_394 : vector<16xi32>
      %parallel_loop3A_396 = arith.constant 16 : i32
      %parallel_loop3A_397 = vector.broadcast %parallel_loop3A_396 : i32 to vector<16xi32>
      %parallel_loop3A_398 = arith.addi %broadcast_in_dim3A_3, %parallel_loop3A_397 : vector<16xi32>
      %parallel_loop3A_399 = arith.select %parallel_loop3A_395, %parallel_loop3A_398, %broadcast_in_dim3A_3 : vector<16xi1>, vector<16xi32>
      %parallel_loop3A_400 = vector.shape_cast %parallel_loop3A_399 : vector<16xi32> to vector<16x1xi32>
      %parallel_loop3A_401 = vector.shape_cast %parallel_loop3A_400 : vector<16x1xi32> to vector<16xi32>
      %parallel_loop3A_402 = tpu.dynamic_gather %parallel_loop3A_270[%parallel_loop3A_401] in [0] : vector<16xf32>, vector<16xi32> -> vector<16xf32>
      %parallel_loop3A_403 = arith.constant 0 : i32
      %parallel_loop3A_404 = vector.broadcast %parallel_loop3A_403 : i32 to vector<16xi32>
      %parallel_loop3A_405 = arith.cmpi slt, %broadcast_in_dim3A_3, %parallel_loop3A_404 : vector<16xi32>
      %parallel_loop3A_406 = arith.constant 16 : i32
      %parallel_loop3A_407 = vector.broadcast %parallel_loop3A_406 : i32 to vector<16xi32>
      %parallel_loop3A_408 = arith.addi %broadcast_in_dim3A_3, %parallel_loop3A_407 : vector<16xi32>
      %parallel_loop3A_409 = arith.select %parallel_loop3A_405, %parallel_loop3A_408, %broadcast_in_dim3A_3 : vector<16xi1>, vector<16xi32>
      %parallel_loop3A_410 = vector.shape_cast %parallel_loop3A_409 : vector<16xi32> to vector<16x1xi32>
      %parallel_loop3A_411 = vector.shape_cast %parallel_loop3A_410 : vector<16x1xi32> to vector<16xi32>
      %parallel_loop3A_412 = tpu.dynamic_gather %parallel_loop3A_273[%parallel_loop3A_411] in [0] : vector<16xf32>, vector<16xi32> -> vector<16xf32>
      %parallel_loop3A_413 = arith.constant 0 : i32
      %parallel_loop3A_414 = vector.broadcast %parallel_loop3A_413 : i32 to vector<16xi32>
      %parallel_loop3A_415 = arith.cmpi slt, %broadcast_in_dim3A_3, %parallel_loop3A_414 : vector<16xi32>
      %parallel_loop3A_416 = arith.constant 16 : i32
      %parallel_loop3A_417 = vector.broadcast %parallel_loop3A_416 : i32 to vector<16xi32>
      %parallel_loop3A_418 = arith.addi %broadcast_in_dim3A_3, %parallel_loop3A_417 : vector<16xi32>
      %parallel_loop3A_419 = arith.select %parallel_loop3A_415, %parallel_loop3A_418, %broadcast_in_dim3A_3 : vector<16xi1>, vector<16xi32>
      %parallel_loop3A_420 = vector.shape_cast %parallel_loop3A_419 : vector<16xi32> to vector<16x1xi32>
      %parallel_loop3A_421 = vector.shape_cast %parallel_loop3A_420 : vector<16x1xi32> to vector<16xi32>
      %parallel_loop3A_422 = tpu.dynamic_gather %parallel_loop3A_276[%parallel_loop3A_421] in [0] : vector<16xf32>, vector<16xi32> -> vector<16xf32>
      %parallel_loop3A_423 = arith.constant 0 : i32
      %parallel_loop3A_424 = vector.broadcast %parallel_loop3A_423 : i32 to vector<16xi32>
      %parallel_loop3A_425 = arith.cmpi slt, %broadcast_in_dim3A_3, %parallel_loop3A_424 : vector<16xi32>
      %parallel_loop3A_426 = arith.constant 16 : i32
      %parallel_loop3A_427 = vector.broadcast %parallel_loop3A_426 : i32 to vector<16xi32>
      %parallel_loop3A_428 = arith.addi %broadcast_in_dim3A_3, %parallel_loop3A_427 : vector<16xi32>
      %parallel_loop3A_429 = arith.select %parallel_loop3A_425, %parallel_loop3A_428, %broadcast_in_dim3A_3 : vector<16xi1>, vector<16xi32>
      %parallel_loop3A_430 = vector.shape_cast %parallel_loop3A_429 : vector<16xi32> to vector<16x1xi32>
      %parallel_loop3A_431 = vector.shape_cast %parallel_loop3A_430 : vector<16x1xi32> to vector<16xi32>
      %parallel_loop3A_432 = tpu.dynamic_gather %parallel_loop3A_279[%parallel_loop3A_431] in [0] : vector<16xf32>, vector<16xi32> -> vector<16xf32>
      %parallel_loop3A_433 = arith.constant 0 : i32
      %parallel_loop3A_434 = vector.broadcast %parallel_loop3A_433 : i32 to vector<16xi32>
      %parallel_loop3A_435 = arith.cmpi slt, %broadcast_in_dim3A_3, %parallel_loop3A_434 : vector<16xi32>
      %parallel_loop3A_436 = arith.constant 16 : i32
      %parallel_loop3A_437 = vector.broadcast %parallel_loop3A_436 : i32 to vector<16xi32>
      %parallel_loop3A_438 = arith.addi %broadcast_in_dim3A_3, %parallel_loop3A_437 : vector<16xi32>
      %parallel_loop3A_439 = arith.select %parallel_loop3A_435, %parallel_loop3A_438, %broadcast_in_dim3A_3 : vector<16xi1>, vector<16xi32>
      %parallel_loop3A_440 = vector.shape_cast %parallel_loop3A_439 : vector<16xi32> to vector<16x1xi32>
      %parallel_loop3A_441 = vector.shape_cast %parallel_loop3A_440 : vector<16x1xi32> to vector<16xi32>
      %parallel_loop3A_442 = tpu.dynamic_gather %parallel_loop3A_282[%parallel_loop3A_441] in [0] : vector<16xf32>, vector<16xi32> -> vector<16xf32>
      %parallel_loop3A_443 = arith.addf %parallel_loop3A_292, %parallel_loop3A_302 : vector<16xf32>
      %parallel_loop3A_444 = arith.addf %parallel_loop3A_443, %parallel_loop3A_312 : vector<16xf32>
      %parallel_loop3A_445 = arith.addf %parallel_loop3A_444, %parallel_loop3A_322 : vector<16xf32>
      %parallel_loop3A_446 = arith.addf %parallel_loop3A_445, %parallel_loop3A_332 : vector<16xf32>
      %parallel_loop3A_447 = arith.addf %parallel_loop3A_446, %parallel_loop3A_342 : vector<16xf32>
      %parallel_loop3A_448 = arith.addf %parallel_loop3A_447, %parallel_loop3A_352 : vector<16xf32>
      %parallel_loop3A_449 = arith.addf %parallel_loop3A_448, %parallel_loop3A_362 : vector<16xf32>
      %parallel_loop3A_450 = arith.addf %parallel_loop3A_449, %parallel_loop3A_372 : vector<16xf32>
      %parallel_loop3A_451 = arith.addf %parallel_loop3A_450, %parallel_loop3A_382 : vector<16xf32>
      %parallel_loop3A_452 = arith.addf %parallel_loop3A_451, %parallel_loop3A_392 : vector<16xf32>
      %parallel_loop3A_453 = arith.addf %parallel_loop3A_452, %parallel_loop3A_402 : vector<16xf32>
      %parallel_loop3A_454 = arith.addf %parallel_loop3A_453, %parallel_loop3A_412 : vector<16xf32>
      %parallel_loop3A_455 = arith.addf %parallel_loop3A_454, %parallel_loop3A_422 : vector<16xf32>
      %parallel_loop3A_456 = arith.addf %parallel_loop3A_455, %parallel_loop3A_432 : vector<16xf32>
      %parallel_loop3A_457 = arith.addf %parallel_loop3A_456, %parallel_loop3A_442 : vector<16xf32>
      %parallel_loop3A_458 = arith.addf %parallel_loop3A_138, %parallel_loop3A_237 : vector<16xf32>
      %parallel_loop3A_459 = arith.addf %parallel_loop3A_138, %parallel_loop3A_292 : vector<16xf32>
      %parallel_loop3A_460 = arith.addf %parallel_loop3A_459, %parallel_loop3A_240 : vector<16xf32>
      %parallel_loop3A_461 = arith.addf %parallel_loop3A_138, %parallel_loop3A_443 : vector<16xf32>
      %parallel_loop3A_462 = arith.addf %parallel_loop3A_461, %parallel_loop3A_243 : vector<16xf32>
      %parallel_loop3A_463 = arith.addf %parallel_loop3A_138, %parallel_loop3A_444 : vector<16xf32>
      %parallel_loop3A_464 = arith.addf %parallel_loop3A_463, %parallel_loop3A_246 : vector<16xf32>
      %parallel_loop3A_465 = arith.addf %parallel_loop3A_138, %parallel_loop3A_445 : vector<16xf32>
      %parallel_loop3A_466 = arith.addf %parallel_loop3A_465, %parallel_loop3A_249 : vector<16xf32>
      %parallel_loop3A_467 = arith.addf %parallel_loop3A_138, %parallel_loop3A_446 : vector<16xf32>
      %parallel_loop3A_468 = arith.addf %parallel_loop3A_467, %parallel_loop3A_252 : vector<16xf32>
      %parallel_loop3A_469 = arith.addf %parallel_loop3A_138, %parallel_loop3A_447 : vector<16xf32>
      %parallel_loop3A_470 = arith.addf %parallel_loop3A_469, %parallel_loop3A_255 : vector<16xf32>
      %parallel_loop3A_471 = arith.addf %parallel_loop3A_138, %parallel_loop3A_448 : vector<16xf32>
      %parallel_loop3A_472 = arith.addf %parallel_loop3A_471, %parallel_loop3A_258 : vector<16xf32>
      %parallel_loop3A_473 = arith.addf %parallel_loop3A_138, %parallel_loop3A_449 : vector<16xf32>
      %parallel_loop3A_474 = arith.addf %parallel_loop3A_473, %parallel_loop3A_261 : vector<16xf32>
      %parallel_loop3A_475 = arith.addf %parallel_loop3A_138, %parallel_loop3A_450 : vector<16xf32>
      %parallel_loop3A_476 = arith.addf %parallel_loop3A_475, %parallel_loop3A_264 : vector<16xf32>
      %parallel_loop3A_477 = arith.addf %parallel_loop3A_138, %parallel_loop3A_451 : vector<16xf32>
      %parallel_loop3A_478 = arith.addf %parallel_loop3A_477, %parallel_loop3A_267 : vector<16xf32>
      %parallel_loop3A_479 = arith.addf %parallel_loop3A_138, %parallel_loop3A_452 : vector<16xf32>
      %parallel_loop3A_480 = arith.addf %parallel_loop3A_479, %parallel_loop3A_270 : vector<16xf32>
      %parallel_loop3A_481 = arith.addf %parallel_loop3A_138, %parallel_loop3A_453 : vector<16xf32>
      %parallel_loop3A_482 = arith.addf %parallel_loop3A_481, %parallel_loop3A_273 : vector<16xf32>
      %parallel_loop3A_483 = arith.addf %parallel_loop3A_138, %parallel_loop3A_454 : vector<16xf32>
      %parallel_loop3A_484 = arith.addf %parallel_loop3A_483, %parallel_loop3A_276 : vector<16xf32>
      %parallel_loop3A_485 = arith.addf %parallel_loop3A_138, %parallel_loop3A_455 : vector<16xf32>
      %parallel_loop3A_486 = arith.addf %parallel_loop3A_485, %parallel_loop3A_279 : vector<16xf32>
      %parallel_loop3A_487 = arith.addf %parallel_loop3A_138, %parallel_loop3A_456 : vector<16xf32>
      %parallel_loop3A_488 = arith.addf %parallel_loop3A_487, %parallel_loop3A_282 : vector<16xf32>
      %parallel_loop3A_489 = arith.constant 0 : i32
      %parallel_loop3A_490 = arith.addi %parallel_loop3A_137, %parallel_loop3A_489 : i32
      %parallel_loop3A_491 = arith.constant 16 : i32
      %parallel_loop3A_492 = arith.muli %parallel_loop3A_490, %parallel_loop3A_491 : i32
      %parallel_loop3A_493 = arith.index_cast %parallel_loop3A_492 : i32 to index
      %parallel_loop3A_494 = tpu.vector_load %arg6[%parallel_loop3A_493] {strides = array<i32>} : memref<32768xf32, #tpu.memory_space<vmem>>, vector<16xf32>,
      tpu.vector_store %arg6[%parallel_loop3A_493], %parallel_loop3A_458 {strides = array<i32>} : memref<32768xf32, #tpu.memory_space<vmem>>, vector<16xf32>,
      %parallel_loop3A_495 = arith.constant 1 : i32
      %parallel_loop3A_496 = arith.addi %parallel_loop3A_137, %parallel_loop3A_495 : i32
      %parallel_loop3A_497 = arith.constant 16 : i32
      %parallel_loop3A_498 = arith.muli %parallel_loop3A_496, %parallel_loop3A_497 : i32
      %parallel_loop3A_499 = arith.index_cast %parallel_loop3A_498 : i32 to index
      %parallel_loop3A_500 = tpu.vector_load %arg6[%parallel_loop3A_499] {strides = array<i32>} : memref<32768xf32, #tpu.memory_space<vmem>>, vector<16xf32>,
      tpu.vector_store %arg6[%parallel_loop3A_499], %parallel_loop3A_460 {strides = array<i32>} : memref<32768xf32, #tpu.memory_space<vmem>>, vector<16xf32>,
      %parallel_loop3A_501 = arith.constant 2 : i32
      %parallel_loop3A_502 = arith.addi %parallel_loop3A_137, %parallel_loop3A_501 : i32
      %parallel_loop3A_503 = arith.constant 16 : i32
      %parallel_loop3A_504 = arith.muli %parallel_loop3A_502, %parallel_loop3A_503 : i32
      %parallel_loop3A_505 = arith.index_cast %parallel_loop3A_504 : i32 to index
      %parallel_loop3A_506 = tpu.vector_load %arg6[%parallel_loop3A_505] {strides = array<i32>} : memref<32768xf32, #tpu.memory_space<vmem>>, vector<16xf32>,
      tpu.vector_store %arg6[%parallel_loop3A_505], %parallel_loop3A_462 {strides = array<i32>} : memref<32768xf32, #tpu.memory_space<vmem>>, vector<16xf32>,
      %parallel_loop3A_507 = arith.constant 3 : i32
      %parallel_loop3A_508 = arith.addi %parallel_loop3A_137, %parallel_loop3A_507 : i32
      %parallel_loop3A_509 = arith.constant 16 : i32
      %parallel_loop3A_510 = arith.muli %parallel_loop3A_508, %parallel_loop3A_509 : i32
      %parallel_loop3A_511 = arith.index_cast %parallel_loop3A_510 : i32 to index
      %parallel_loop3A_512 = tpu.vector_load %arg6[%parallel_loop3A_511] {strides = array<i32>} : memref<32768xf32, #tpu.memory_space<vmem>>, vector<16xf32>,
      tpu.vector_store %arg6[%parallel_loop3A_511], %parallel_loop3A_464 {strides = array<i32>} : memref<32768xf32, #tpu.memory_space<vmem>>, vector<16xf32>,
      %parallel_loop3A_513 = arith.constant 4 : i32
      %parallel_loop3A_514 = arith.addi %parallel_loop3A_137, %parallel_loop3A_513 : i32
      %parallel_loop3A_515 = arith.constant 16 : i32
      %parallel_loop3A_516 = arith.muli %parallel_loop3A_514, %parallel_loop3A_515 : i32
      %parallel_loop3A_517 = arith.index_cast %parallel_loop3A_516 : i32 to index
      %parallel_loop3A_518 = tpu.vector_load %arg6[%parallel_loop3A_517] {strides = array<i32>} : memref<32768xf32, #tpu.memory_space<vmem>>, vector<16xf32>,
      tpu.vector_store %arg6[%parallel_loop3A_517], %parallel_loop3A_466 {strides = array<i32>} : memref<32768xf32, #tpu.memory_space<vmem>>, vector<16xf32>,
      %parallel_loop3A_519 = arith.constant 5 : i32
      %parallel_loop3A_520 = arith.addi %parallel_loop3A_137, %parallel_loop3A_519 : i32
      %parallel_loop3A_521 = arith.constant 16 : i32
      %parallel_loop3A_522 = arith.muli %parallel_loop3A_520, %parallel_loop3A_521 : i32
      %parallel_loop3A_523 = arith.index_cast %parallel_loop3A_522 : i32 to index
      %parallel_loop3A_524 = tpu.vector_load %arg6[%parallel_loop3A_523] {strides = array<i32>} : memref<32768xf32, #tpu.memory_space<vmem>>, vector<16xf32>,
      tpu.vector_store %arg6[%parallel_loop3A_523], %parallel_loop3A_468 {strides = array<i32>} : memref<32768xf32, #tpu.memory_space<vmem>>, vector<16xf32>,
      %parallel_loop3A_525 = arith.constant 6 : i32
      %parallel_loop3A_526 = arith.addi %parallel_loop3A_137, %parallel_loop3A_525 : i32
      %parallel_loop3A_527 = arith.constant 16 : i32
      %parallel_loop3A_528 = arith.muli %parallel_loop3A_526, %parallel_loop3A_527 : i32
      %parallel_loop3A_529 = arith.index_cast %parallel_loop3A_528 : i32 to index
      %parallel_loop3A_530 = tpu.vector_load %arg6[%parallel_loop3A_529] {strides = array<i32>} : memref<32768xf32, #tpu.memory_space<vmem>>, vector<16xf32>,
      tpu.vector_store %arg6[%parallel_loop3A_529], %parallel_loop3A_470 {strides = array<i32>} : memref<32768xf32, #tpu.memory_space<vmem>>, vector<16xf32>,
      %parallel_loop3A_531 = arith.constant 7 : i32
      %parallel_loop3A_532 = arith.addi %parallel_loop3A_137, %parallel_loop3A_531 : i32
      %parallel_loop3A_533 = arith.constant 16 : i32
      %parallel_loop3A_534 = arith.muli %parallel_loop3A_532, %parallel_loop3A_533 : i32
      %parallel_loop3A_535 = arith.index_cast %parallel_loop3A_534 : i32 to index
      %parallel_loop3A_536 = tpu.vector_load %arg6[%parallel_loop3A_535] {strides = array<i32>} : memref<32768xf32, #tpu.memory_space<vmem>>, vector<16xf32>,
      tpu.vector_store %arg6[%parallel_loop3A_535], %parallel_loop3A_472 {strides = array<i32>} : memref<32768xf32, #tpu.memory_space<vmem>>, vector<16xf32>,
      %parallel_loop3A_537 = arith.constant 8 : i32
      %parallel_loop3A_538 = arith.addi %parallel_loop3A_137, %parallel_loop3A_537 : i32
      %parallel_loop3A_539 = arith.constant 16 : i32
      %parallel_loop3A_540 = arith.muli %parallel_loop3A_538, %parallel_loop3A_539 : i32
      %parallel_loop3A_541 = arith.index_cast %parallel_loop3A_540 : i32 to index
      %parallel_loop3A_542 = tpu.vector_load %arg6[%parallel_loop3A_541] {strides = array<i32>} : memref<32768xf32, #tpu.memory_space<vmem>>, vector<16xf32>,
      tpu.vector_store %arg6[%parallel_loop3A_541], %parallel_loop3A_474 {strides = array<i32>} : memref<32768xf32, #tpu.memory_space<vmem>>, vector<16xf32>,
      %parallel_loop3A_543 = arith.constant 9 : i32
      %parallel_loop3A_544 = arith.addi %parallel_loop3A_137, %parallel_loop3A_543 : i32
      %parallel_loop3A_545 = arith.constant 16 : i32
      %parallel_loop3A_546 = arith.muli %parallel_loop3A_544, %parallel_loop3A_545 : i32
      %parallel_loop3A_547 = arith.index_cast %parallel_loop3A_546 : i32 to index
      %parallel_loop3A_548 = tpu.vector_load %arg6[%parallel_loop3A_547] {strides = array<i32>} : memref<32768xf32, #tpu.memory_space<vmem>>, vector<16xf32>,
      tpu.vector_store %arg6[%parallel_loop3A_547], %parallel_loop3A_476 {strides = array<i32>} : memref<32768xf32, #tpu.memory_space<vmem>>, vector<16xf32>,
      %parallel_loop3A_549 = arith.constant 10 : i32
      %parallel_loop3A_550 = arith.addi %parallel_loop3A_137, %parallel_loop3A_549 : i32
      %parallel_loop3A_551 = arith.constant 16 : i32
      %parallel_loop3A_552 = arith.muli %parallel_loop3A_550, %parallel_loop3A_551 : i32
      %parallel_loop3A_553 = arith.index_cast %parallel_loop3A_552 : i32 to index
      %parallel_loop3A_554 = tpu.vector_load %arg6[%parallel_loop3A_553] {strides = array<i32>} : memref<32768xf32, #tpu.memory_space<vmem>>, vector<16xf32>,
      tpu.vector_store %arg6[%parallel_loop3A_553], %parallel_loop3A_478 {strides = array<i32>} : memref<32768xf32, #tpu.memory_space<vmem>>, vector<16xf32>,
      %parallel_loop3A_555 = arith.constant 11 : i32
      %parallel_loop3A_556 = arith.addi %parallel_loop3A_137, %parallel_loop3A_555 : i32
      %parallel_loop3A_557 = arith.constant 16 : i32
      %parallel_loop3A_558 = arith.muli %parallel_loop3A_556, %parallel_loop3A_557 : i32
      %parallel_loop3A_559 = arith.index_cast %parallel_loop3A_558 : i32 to index
      %parallel_loop3A_560 = tpu.vector_load %arg6[%parallel_loop3A_559] {strides = array<i32>} : memref<32768xf32, #tpu.memory_space<vmem>>, vector<16xf32>,
      tpu.vector_store %arg6[%parallel_loop3A_559], %parallel_loop3A_480 {strides = array<i32>} : memref<32768xf32, #tpu.memory_space<vmem>>, vector<16xf32>,
      %parallel_loop3A_561 = arith.constant 12 : i32
      %parallel_loop3A_562 = arith.addi %parallel_loop3A_137, %parallel_loop3A_561 : i32
      %parallel_loop3A_563 = arith.constant 16 : i32
      %parallel_loop3A_564 = arith.muli %parallel_loop3A_562, %parallel_loop3A_563 : i32
      %parallel_loop3A_565 = arith.index_cast %parallel_loop3A_564 : i32 to index
      %parallel_loop3A_566 = tpu.vector_load %arg6[%parallel_loop3A_565] {strides = array<i32>} : memref<32768xf32, #tpu.memory_space<vmem>>, vector<16xf32>,
      tpu.vector_store %arg6[%parallel_loop3A_565], %parallel_loop3A_482 {strides = array<i32>} : memref<32768xf32, #tpu.memory_space<vmem>>, vector<16xf32>,
      %parallel_loop3A_567 = arith.constant 13 : i32
      %parallel_loop3A_568 = arith.addi %parallel_loop3A_137, %parallel_loop3A_567 : i32
      %parallel_loop3A_569 = arith.constant 16 : i32
      %parallel_loop3A_570 = arith.muli %parallel_loop3A_568, %parallel_loop3A_569 : i32
      %parallel_loop3A_571 = arith.index_cast %parallel_loop3A_570 : i32 to index
      %parallel_loop3A_572 = tpu.vector_load %arg6[%parallel_loop3A_571] {strides = array<i32>} : memref<32768xf32, #tpu.memory_space<vmem>>, vector<16xf32>,
      tpu.vector_store %arg6[%parallel_loop3A_571], %parallel_loop3A_484 {strides = array<i32>} : memref<32768xf32, #tpu.memory_space<vmem>>, vector<16xf32>,
      %parallel_loop3A_573 = arith.constant 14 : i32
      %parallel_loop3A_574 = arith.addi %parallel_loop3A_137, %parallel_loop3A_573 : i32
      %parallel_loop3A_575 = arith.constant 16 : i32
      %parallel_loop3A_576 = arith.muli %parallel_loop3A_574, %parallel_loop3A_575 : i32
      %parallel_loop3A_577 = arith.index_cast %parallel_loop3A_576 : i32 to index
      %parallel_loop3A_578 = tpu.vector_load %arg6[%parallel_loop3A_577] {strides = array<i32>} : memref<32768xf32, #tpu.memory_space<vmem>>, vector<16xf32>,
      tpu.vector_store %arg6[%parallel_loop3A_577], %parallel_loop3A_486 {strides = array<i32>} : memref<32768xf32, #tpu.memory_space<vmem>>, vector<16xf32>,
      %parallel_loop3A_579 = arith.constant 15 : i32
      %parallel_loop3A_580 = arith.addi %parallel_loop3A_137, %parallel_loop3A_579 : i32
      %parallel_loop3A_581 = arith.constant 16 : i32
      %parallel_loop3A_582 = arith.muli %parallel_loop3A_580, %parallel_loop3A_581 : i32
      %parallel_loop3A_583 = arith.index_cast %parallel_loop3A_582 : i32 to index
      %parallel_loop3A_584 = tpu.vector_load %arg6[%parallel_loop3A_583] {strides = array<i32>} : memref<32768xf32, #tpu.memory_space<vmem>>, vector<16xf32>,
      tpu.vector_store %arg6[%parallel_loop3A_583], %parallel_loop3A_488 {strides = array<i32>} : memref<32768xf32, #tpu.memory_space<vmem>>, vector<16xf32>,
      %parallel_loop3A_585 = arith.addf %parallel_loop3A_138, %parallel_loop3A_457 : vector<16xf32>
      scf.yield %parallel_loop3A_585 : vector<16xf32>
    } {sc.loop_unroll_factor = 1 : i64, sc.parallel_access}
    %add3A_91 = arith.constant 2 : i32
    %add3A_92 = arith.addi %mul3A_2, %add3A_91 : i32
    %dma_start3A_93 = arith.constant 0 : i32
    %dma_start3A_94 = tpu.memref_slice %arg3[%add3A_92, %dma_start3A_93] : memref<128x32768xf32, #tpu.memory_space<hbm>> -> memref<1x32768xf32, #tpu.memory_space<hbm>>
    %dma_start3A_95 = tpu.memref_squeeze %dma_start3A_94 : memref<1x32768xf32, #tpu.memory_space<hbm>> -> memref<32768xf32, #tpu.memory_space<hbm>>
    %dma_start3A_96 = arith.constant 0 : i32
    %dma_start3A_97 = tpu.memref_slice %arg3[%add3A_92, %dma_start3A_96] : memref<128x32768xf32, #tpu.memory_space<hbm>> -> memref<1x32768xf32, #tpu.memory_space<hbm>>
    %dma_start3A_98 = tpu.memref_squeeze %dma_start3A_97 : memref<1x32768xf32, #tpu.memory_space<hbm>> -> memref<32768xf32, #tpu.memory_space<hbm>>
    tpu.enqueue_dma source(%arg6 : memref<32768xf32, #tpu.memory_space<vmem>>) target(%dma_start3A_98 : memref<32768xf32, #tpu.memory_space<hbm>>) target_semaphore(%arg12 : memref<!tpu.dma_semaphore, #tpu.memory_space<semaphore_mem>>)
    %dma_wait3A_99 = arith.constant 0 : i32
    %dma_wait3A_100 = tpu.memref_slice %arg2[%add3A_72, %dma_wait3A_99] : memref<128x32768xf32, #tpu.memory_space<hbm>> -> memref<1x32768xf32, #tpu.memory_space<hbm>>
    %dma_wait3A_101 = tpu.memref_squeeze %dma_wait3A_100 : memref<1x32768xf32, #tpu.memory_space<hbm>> -> memref<32768xf32, #tpu.memory_space<hbm>>
    %dma_wait3A_102 = arith.constant 0 : i32
    %dma_wait3A_103 = tpu.memref_slice %arg2[%add3A_72, %dma_wait3A_102] : memref<128x32768xf32, #tpu.memory_space<hbm>> -> memref<1x32768xf32, #tpu.memory_space<hbm>>
    %dma_wait3A_104 = tpu.memref_squeeze %dma_wait3A_103 : memref<1x32768xf32, #tpu.memory_space<hbm>> -> memref<32768xf32, #tpu.memory_space<hbm>>
    tpu.wait_dma2 semaphore(%arg7 : memref<!tpu.dma_semaphore, #tpu.memory_space<semaphore_mem>>) src(%dma_wait3A_104 : memref<32768xf32, #tpu.memory_space<hbm>>) dst(%arg4 : memref<32768xf32, #tpu.memory_space<vmem>>)
    %broadcast_in_dim3A_105 = arith.constant 0.000000e+00 : f32
    %broadcast_in_dim3A_106 = vector.broadcast %broadcast_in_dim3A_105 : f32 to vector<16xf32>
    %parallel_loop3A_107 = arith.constant 0 : i32
    %parallel_loop3A_108 = arith.constant 2048 : i32
    %parallel_loop3A_109 = arith.constant 16 : i32
    %parallel_loop3A_110 = scf.for %parallel_loop3A_137 = %parallel_loop3A_107 to %parallel_loop3A_108 step %parallel_loop3A_109 iter_args(%parallel_loop3A_138 = %broadcast_in_dim3A_106) -> (vector<16xf32>)  : i32 {
      %parallel_loop3A_139 = arith.constant 0 : i32
      %parallel_loop3A_140 = arith.addi %parallel_loop3A_137, %parallel_loop3A_139 : i32
      %parallel_loop3A_141 = arith.constant 16 : i32
      %parallel_loop3A_142 = arith.muli %parallel_loop3A_140, %parallel_loop3A_141 : i32
      %parallel_loop3A_143 = arith.index_cast %parallel_loop3A_142 : i32 to index
      %parallel_loop3A_144 = tpu.vector_load %arg4[%parallel_loop3A_143] {strides = array<i32>} : memref<32768xf32, #tpu.memory_space<vmem>>, vector<16xf32>,
      %parallel_loop3A_145 = arith.constant 1 : i32
      %parallel_loop3A_146 = arith.addi %parallel_loop3A_137, %parallel_loop3A_145 : i32
      %parallel_loop3A_147 = arith.constant 16 : i32
      %parallel_loop3A_148 = arith.muli %parallel_loop3A_146, %parallel_loop3A_147 : i32
      %parallel_loop3A_149 = arith.index_cast %parallel_loop3A_148 : i32 to index
      %parallel_loop3A_150 = tpu.vector_load %arg4[%parallel_loop3A_149] {strides = array<i32>} : memref<32768xf32, #tpu.memory_space<vmem>>, vector<16xf32>,
      %parallel_loop3A_151 = arith.constant 2 : i32
      %parallel_loop3A_152 = arith.addi %parallel_loop3A_137, %parallel_loop3A_151 : i32
      %parallel_loop3A_153 = arith.constant 16 : i32
      %parallel_loop3A_154 = arith.muli %parallel_loop3A_152, %parallel_loop3A_153 : i32
      %parallel_loop3A_155 = arith.index_cast %parallel_loop3A_154 : i32 to index
      %parallel_loop3A_156 = tpu.vector_load %arg4[%parallel_loop3A_155] {strides = array<i32>} : memref<32768xf32, #tpu.memory_space<vmem>>, vector<16xf32>,
      %parallel_loop3A_157 = arith.constant 3 : i32
      %parallel_loop3A_158 = arith.addi %parallel_loop3A_137, %parallel_loop3A_157 : i32
      %parallel_loop3A_159 = arith.constant 16 : i32
      %parallel_loop3A_160 = arith.muli %parallel_loop3A_158, %parallel_loop3A_159 : i32
      %parallel_loop3A_161 = arith.index_cast %parallel_loop3A_160 : i32 to index
      %parallel_loop3A_162 = tpu.vector_load %arg4[%parallel_loop3A_161] {strides = array<i32>} : memref<32768xf32, #tpu.memory_space<vmem>>, vector<16xf32>,
      %parallel_loop3A_163 = arith.constant 4 : i32
      %parallel_loop3A_164 = arith.addi %parallel_loop3A_137, %parallel_loop3A_163 : i32
      %parallel_loop3A_165 = arith.constant 16 : i32
      %parallel_loop3A_166 = arith.muli %parallel_loop3A_164, %parallel_loop3A_165 : i32
      %parallel_loop3A_167 = arith.index_cast %parallel_loop3A_166 : i32 to index
      %parallel_loop3A_168 = tpu.vector_load %arg4[%parallel_loop3A_167] {strides = array<i32>} : memref<32768xf32, #tpu.memory_space<vmem>>, vector<16xf32>,
      %parallel_loop3A_169 = arith.constant 5 : i32
      %parallel_loop3A_170 = arith.addi %parallel_loop3A_137, %parallel_loop3A_169 : i32
      %parallel_loop3A_171 = arith.constant 16 : i32
      %parallel_loop3A_172 = arith.muli %parallel_loop3A_170, %parallel_loop3A_171 : i32
      %parallel_loop3A_173 = arith.index_cast %parallel_loop3A_172 : i32 to index
      %parallel_loop3A_174 = tpu.vector_load %arg4[%parallel_loop3A_173] {strides = array<i32>} : memref<32768xf32, #tpu.memory_space<vmem>>, vector<16xf32>,
      %parallel_loop3A_175 = arith.constant 6 : i32
      %parallel_loop3A_176 = arith.addi %parallel_loop3A_137, %parallel_loop3A_175 : i32
      %parallel_loop3A_177 = arith.constant 16 : i32
      %parallel_loop3A_178 = arith.muli %parallel_loop3A_176, %parallel_loop3A_177 : i32
      %parallel_loop3A_179 = arith.index_cast %parallel_loop3A_178 : i32 to index
      %parallel_loop3A_180 = tpu.vector_load %arg4[%parallel_loop3A_179] {strides = array<i32>} : memref<32768xf32, #tpu.memory_space<vmem>>, vector<16xf32>,
      %parallel_loop3A_181 = arith.constant 7 : i32
      %parallel_loop3A_182 = arith.addi %parallel_loop3A_137, %parallel_loop3A_181 : i32
      %parallel_loop3A_183 = arith.constant 16 : i32
      %parallel_loop3A_184 = arith.muli %parallel_loop3A_182, %parallel_loop3A_183 : i32
      %parallel_loop3A_185 = arith.index_cast %parallel_loop3A_184 : i32 to index
      %parallel_loop3A_186 = tpu.vector_load %arg4[%parallel_loop3A_185] {strides = array<i32>} : memref<32768xf32, #tpu.memory_space<vmem>>, vector<16xf32>,
      %parallel_loop3A_187 = arith.constant 8 : i32
      %parallel_loop3A_188 = arith.addi %parallel_loop3A_137, %parallel_loop3A_187 : i32
      %parallel_loop3A_189 = arith.constant 16 : i32
      %parallel_loop3A_190 = arith.muli %parallel_loop3A_188, %parallel_loop3A_189 : i32
      %parallel_loop3A_191 = arith.index_cast %parallel_loop3A_190 : i32 to index
      %parallel_loop3A_192 = tpu.vector_load %arg4[%parallel_loop3A_191] {strides = array<i32>} : memref<32768xf32, #tpu.memory_space<vmem>>, vector<16xf32>,
      %parallel_loop3A_193 = arith.constant 9 : i32
      %parallel_loop3A_194 = arith.addi %parallel_loop3A_137, %parallel_loop3A_193 : i32
      %parallel_loop3A_195 = arith.constant 16 : i32
      %parallel_loop3A_196 = arith.muli %parallel_loop3A_194, %parallel_loop3A_195 : i32
      %parallel_loop3A_197 = arith.index_cast %parallel_loop3A_196 : i32 to index
      %parallel_loop3A_198 = tpu.vector_load %arg4[%parallel_loop3A_197] {strides = array<i32>} : memref<32768xf32, #tpu.memory_space<vmem>>, vector<16xf32>,
      %parallel_loop3A_199 = arith.constant 10 : i32
      %parallel_loop3A_200 = arith.addi %parallel_loop3A_137, %parallel_loop3A_199 : i32
      %parallel_loop3A_201 = arith.constant 16 : i32
      %parallel_loop3A_202 = arith.muli %parallel_loop3A_200, %parallel_loop3A_201 : i32
      %parallel_loop3A_203 = arith.index_cast %parallel_loop3A_202 : i32 to index
      %parallel_loop3A_204 = tpu.vector_load %arg4[%parallel_loop3A_203] {strides = array<i32>} : memref<32768xf32, #tpu.memory_space<vmem>>, vector<16xf32>,
      %parallel_loop3A_205 = arith.constant 11 : i32
      %parallel_loop3A_206 = arith.addi %parallel_loop3A_137, %parallel_loop3A_205 : i32
      %parallel_loop3A_207 = arith.constant 16 : i32
      %parallel_loop3A_208 = arith.muli %parallel_loop3A_206, %parallel_loop3A_207 : i32
      %parallel_loop3A_209 = arith.index_cast %parallel_loop3A_208 : i32 to index
      %parallel_loop3A_210 = tpu.vector_load %arg4[%parallel_loop3A_209] {strides = array<i32>} : memref<32768xf32, #tpu.memory_space<vmem>>, vector<16xf32>,
      %parallel_loop3A_211 = arith.constant 12 : i32
      %parallel_loop3A_212 = arith.addi %parallel_loop3A_137, %parallel_loop3A_211 : i32
      %parallel_loop3A_213 = arith.constant 16 : i32
      %parallel_loop3A_214 = arith.muli %parallel_loop3A_212, %parallel_loop3A_213 : i32
      %parallel_loop3A_215 = arith.index_cast %parallel_loop3A_214 : i32 to index
      %parallel_loop3A_216 = tpu.vector_load %arg4[%parallel_loop3A_215] {strides = array<i32>} : memref<32768xf32, #tpu.memory_space<vmem>>, vector<16xf32>,
      %parallel_loop3A_217 = arith.constant 13 : i32
      %parallel_loop3A_218 = arith.addi %parallel_loop3A_137, %parallel_loop3A_217 : i32
      %parallel_loop3A_219 = arith.constant 16 : i32
      %parallel_loop3A_220 = arith.muli %parallel_loop3A_218, %parallel_loop3A_219 : i32
      %parallel_loop3A_221 = arith.index_cast %parallel_loop3A_220 : i32 to index
      %parallel_loop3A_222 = tpu.vector_load %arg4[%parallel_loop3A_221] {strides = array<i32>} : memref<32768xf32, #tpu.memory_space<vmem>>, vector<16xf32>,
      %parallel_loop3A_223 = arith.constant 14 : i32
      %parallel_loop3A_224 = arith.addi %parallel_loop3A_137, %parallel_loop3A_223 : i32
      %parallel_loop3A_225 = arith.constant 16 : i32
      %parallel_loop3A_226 = arith.muli %parallel_loop3A_224, %parallel_loop3A_225 : i32
      %parallel_loop3A_227 = arith.index_cast %parallel_loop3A_226 : i32 to index
      %parallel_loop3A_228 = tpu.vector_load %arg4[%parallel_loop3A_227] {strides = array<i32>} : memref<32768xf32, #tpu.memory_space<vmem>>, vector<16xf32>,
      %parallel_loop3A_229 = arith.constant 15 : i32
      %parallel_loop3A_230 = arith.addi %parallel_loop3A_137, %parallel_loop3A_229 : i32
      %parallel_loop3A_231 = arith.constant 16 : i32
      %parallel_loop3A_232 = arith.muli %parallel_loop3A_230, %parallel_loop3A_231 : i32
      %parallel_loop3A_233 = arith.index_cast %parallel_loop3A_232 : i32 to index
      %parallel_loop3A_234 = tpu.vector_load %arg4[%parallel_loop3A_233] {strides = array<i32>} : memref<32768xf32, #tpu.memory_space<vmem>>, vector<16xf32>,
      %parallel_loop3A_235 = arith.constant true
      %parallel_loop3A_236 = vector.broadcast %parallel_loop3A_235 : i1 to vector<16xi1>
      %parallel_loop3A_237 = tpu.scan <sum>, %parallel_loop3A_144 masked %parallel_loop3A_236 : vector<16xf32>, vector<16xi1> -> vector<16xf32>
      %parallel_loop3A_238 = arith.constant true
      %parallel_loop3A_239 = vector.broadcast %parallel_loop3A_238 : i1 to vector<16xi1>
      %parallel_loop3A_240 = tpu.scan <sum>, %parallel_loop3A_150 masked %parallel_loop3A_239 : vector<16xf32>, vector<16xi1> -> vector<16xf32>
      %parallel_loop3A_241 = arith.constant true
      %parallel_loop3A_242 = vector.broadcast %parallel_loop3A_241 : i1 to vector<16xi1>
      %parallel_loop3A_243 = tpu.scan <sum>, %parallel_loop3A_156 masked %parallel_loop3A_242 : vector<16xf32>, vector<16xi1> -> vector<16xf32>
      %parallel_loop3A_244 = arith.constant true
      %parallel_loop3A_245 = vector.broadcast %parallel_loop3A_244 : i1 to vector<16xi1>
      %parallel_loop3A_246 = tpu.scan <sum>, %parallel_loop3A_162 masked %parallel_loop3A_245 : vector<16xf32>, vector<16xi1> -> vector<16xf32>
      %parallel_loop3A_247 = arith.constant true
      %parallel_loop3A_248 = vector.broadcast %parallel_loop3A_247 : i1 to vector<16xi1>
      %parallel_loop3A_249 = tpu.scan <sum>, %parallel_loop3A_168 masked %parallel_loop3A_248 : vector<16xf32>, vector<16xi1> -> vector<16xf32>
      %parallel_loop3A_250 = arith.constant true
      %parallel_loop3A_251 = vector.broadcast %parallel_loop3A_250 : i1 to vector<16xi1>
      %parallel_loop3A_252 = tpu.scan <sum>, %parallel_loop3A_174 masked %parallel_loop3A_251 : vector<16xf32>, vector<16xi1> -> vector<16xf32>
      %parallel_loop3A_253 = arith.constant true
      %parallel_loop3A_254 = vector.broadcast %parallel_loop3A_253 : i1 to vector<16xi1>
      %parallel_loop3A_255 = tpu.scan <sum>, %parallel_loop3A_180 masked %parallel_loop3A_254 : vector<16xf32>, vector<16xi1> -> vector<16xf32>
      %parallel_loop3A_256 = arith.constant true
      %parallel_loop3A_257 = vector.broadcast %parallel_loop3A_256 : i1 to vector<16xi1>
      %parallel_loop3A_258 = tpu.scan <sum>, %parallel_loop3A_186 masked %parallel_loop3A_257 : vector<16xf32>, vector<16xi1> -> vector<16xf32>
      %parallel_loop3A_259 = arith.constant true
      %parallel_loop3A_260 = vector.broadcast %parallel_loop3A_259 : i1 to vector<16xi1>
      %parallel_loop3A_261 = tpu.scan <sum>, %parallel_loop3A_192 masked %parallel_loop3A_260 : vector<16xf32>, vector<16xi1> -> vector<16xf32>
      %parallel_loop3A_262 = arith.constant true
      %parallel_loop3A_263 = vector.broadcast %parallel_loop3A_262 : i1 to vector<16xi1>
      %parallel_loop3A_264 = tpu.scan <sum>, %parallel_loop3A_198 masked %parallel_loop3A_263 : vector<16xf32>, vector<16xi1> -> vector<16xf32>
      %parallel_loop3A_265 = arith.constant true
      %parallel_loop3A_266 = vector.broadcast %parallel_loop3A_265 : i1 to vector<16xi1>
      %parallel_loop3A_267 = tpu.scan <sum>, %parallel_loop3A_204 masked %parallel_loop3A_266 : vector<16xf32>, vector<16xi1> -> vector<16xf32>
      %parallel_loop3A_268 = arith.constant true
      %parallel_loop3A_269 = vector.broadcast %parallel_loop3A_268 : i1 to vector<16xi1>
      %parallel_loop3A_270 = tpu.scan <sum>, %parallel_loop3A_210 masked %parallel_loop3A_269 : vector<16xf32>, vector<16xi1> -> vector<16xf32>
      %parallel_loop3A_271 = arith.constant true
      %parallel_loop3A_272 = vector.broadcast %parallel_loop3A_271 : i1 to vector<16xi1>
      %parallel_loop3A_273 = tpu.scan <sum>, %parallel_loop3A_216 masked %parallel_loop3A_272 : vector<16xf32>, vector<16xi1> -> vector<16xf32>
      %parallel_loop3A_274 = arith.constant true
      %parallel_loop3A_275 = vector.broadcast %parallel_loop3A_274 : i1 to vector<16xi1>
      %parallel_loop3A_276 = tpu.scan <sum>, %parallel_loop3A_222 masked %parallel_loop3A_275 : vector<16xf32>, vector<16xi1> -> vector<16xf32>
      %parallel_loop3A_277 = arith.constant true
      %parallel_loop3A_278 = vector.broadcast %parallel_loop3A_277 : i1 to vector<16xi1>
      %parallel_loop3A_279 = tpu.scan <sum>, %parallel_loop3A_228 masked %parallel_loop3A_278 : vector<16xf32>, vector<16xi1> -> vector<16xf32>
      %parallel_loop3A_280 = arith.constant true
      %parallel_loop3A_281 = vector.broadcast %parallel_loop3A_280 : i1 to vector<16xi1>
      %parallel_loop3A_282 = tpu.scan <sum>, %parallel_loop3A_234 masked %parallel_loop3A_281 : vector<16xf32>, vector<16xi1> -> vector<16xf32>
      %parallel_loop3A_283 = arith.constant 0 : i32
      %parallel_loop3A_284 = vector.broadcast %parallel_loop3A_283 : i32 to vector<16xi32>
      %parallel_loop3A_285 = arith.cmpi slt, %broadcast_in_dim3A_3, %parallel_loop3A_284 : vector<16xi32>
      %parallel_loop3A_286 = arith.constant 16 : i32
      %parallel_loop3A_287 = vector.broadcast %parallel_loop3A_286 : i32 to vector<16xi32>
      %parallel_loop3A_288 = arith.addi %broadcast_in_dim3A_3, %parallel_loop3A_287 : vector<16xi32>
      %parallel_loop3A_289 = arith.select %parallel_loop3A_285, %parallel_loop3A_288, %broadcast_in_dim3A_3 : vector<16xi1>, vector<16xi32>
      %parallel_loop3A_290 = vector.shape_cast %parallel_loop3A_289 : vector<16xi32> to vector<16x1xi32>
      %parallel_loop3A_291 = vector.shape_cast %parallel_loop3A_290 : vector<16x1xi32> to vector<16xi32>
      %parallel_loop3A_292 = tpu.dynamic_gather %parallel_loop3A_237[%parallel_loop3A_291] in [0] : vector<16xf32>, vector<16xi32> -> vector<16xf32>
      %parallel_loop3A_293 = arith.constant 0 : i32
      %parallel_loop3A_294 = vector.broadcast %parallel_loop3A_293 : i32 to vector<16xi32>
      %parallel_loop3A_295 = arith.cmpi slt, %broadcast_in_dim3A_3, %parallel_loop3A_294 : vector<16xi32>
      %parallel_loop3A_296 = arith.constant 16 : i32
      %parallel_loop3A_297 = vector.broadcast %parallel_loop3A_296 : i32 to vector<16xi32>
      %parallel_loop3A_298 = arith.addi %broadcast_in_dim3A_3, %parallel_loop3A_297 : vector<16xi32>
      %parallel_loop3A_299 = arith.select %parallel_loop3A_295, %parallel_loop3A_298, %broadcast_in_dim3A_3 : vector<16xi1>, vector<16xi32>
      %parallel_loop3A_300 = vector.shape_cast %parallel_loop3A_299 : vector<16xi32> to vector<16x1xi32>
      %parallel_loop3A_301 = vector.shape_cast %parallel_loop3A_300 : vector<16x1xi32> to vector<16xi32>
      %parallel_loop3A_302 = tpu.dynamic_gather %parallel_loop3A_240[%parallel_loop3A_301] in [0] : vector<16xf32>, vector<16xi32> -> vector<16xf32>
      %parallel_loop3A_303 = arith.constant 0 : i32
      %parallel_loop3A_304 = vector.broadcast %parallel_loop3A_303 : i32 to vector<16xi32>
      %parallel_loop3A_305 = arith.cmpi slt, %broadcast_in_dim3A_3, %parallel_loop3A_304 : vector<16xi32>
      %parallel_loop3A_306 = arith.constant 16 : i32
      %parallel_loop3A_307 = vector.broadcast %parallel_loop3A_306 : i32 to vector<16xi32>
      %parallel_loop3A_308 = arith.addi %broadcast_in_dim3A_3, %parallel_loop3A_307 : vector<16xi32>
      %parallel_loop3A_309 = arith.select %parallel_loop3A_305, %parallel_loop3A_308, %broadcast_in_dim3A_3 : vector<16xi1>, vector<16xi32>
      %parallel_loop3A_310 = vector.shape_cast %parallel_loop3A_309 : vector<16xi32> to vector<16x1xi32>
      %parallel_loop3A_311 = vector.shape_cast %parallel_loop3A_310 : vector<16x1xi32> to vector<16xi32>
      %parallel_loop3A_312 = tpu.dynamic_gather %parallel_loop3A_243[%parallel_loop3A_311] in [0] : vector<16xf32>, vector<16xi32> -> vector<16xf32>
      %parallel_loop3A_313 = arith.constant 0 : i32
      %parallel_loop3A_314 = vector.broadcast %parallel_loop3A_313 : i32 to vector<16xi32>
      %parallel_loop3A_315 = arith.cmpi slt, %broadcast_in_dim3A_3, %parallel_loop3A_314 : vector<16xi32>
      %parallel_loop3A_316 = arith.constant 16 : i32
      %parallel_loop3A_317 = vector.broadcast %parallel_loop3A_316 : i32 to vector<16xi32>
      %parallel_loop3A_318 = arith.addi %broadcast_in_dim3A_3, %parallel_loop3A_317 : vector<16xi32>
      %parallel_loop3A_319 = arith.select %parallel_loop3A_315, %parallel_loop3A_318, %broadcast_in_dim3A_3 : vector<16xi1>, vector<16xi32>
      %parallel_loop3A_320 = vector.shape_cast %parallel_loop3A_319 : vector<16xi32> to vector<16x1xi32>
      %parallel_loop3A_321 = vector.shape_cast %parallel_loop3A_320 : vector<16x1xi32> to vector<16xi32>
      %parallel_loop3A_322 = tpu.dynamic_gather %parallel_loop3A_246[%parallel_loop3A_321] in [0] : vector<16xf32>, vector<16xi32> -> vector<16xf32>
      %parallel_loop3A_323 = arith.constant 0 : i32
      %parallel_loop3A_324 = vector.broadcast %parallel_loop3A_323 : i32 to vector<16xi32>
      %parallel_loop3A_325 = arith.cmpi slt, %broadcast_in_dim3A_3, %parallel_loop3A_324 : vector<16xi32>
      %parallel_loop3A_326 = arith.constant 16 : i32
      %parallel_loop3A_327 = vector.broadcast %parallel_loop3A_326 : i32 to vector<16xi32>
      %parallel_loop3A_328 = arith.addi %broadcast_in_dim3A_3, %parallel_loop3A_327 : vector<16xi32>
      %parallel_loop3A_329 = arith.select %parallel_loop3A_325, %parallel_loop3A_328, %broadcast_in_dim3A_3 : vector<16xi1>, vector<16xi32>
      %parallel_loop3A_330 = vector.shape_cast %parallel_loop3A_329 : vector<16xi32> to vector<16x1xi32>
      %parallel_loop3A_331 = vector.shape_cast %parallel_loop3A_330 : vector<16x1xi32> to vector<16xi32>
      %parallel_loop3A_332 = tpu.dynamic_gather %parallel_loop3A_249[%parallel_loop3A_331] in [0] : vector<16xf32>, vector<16xi32> -> vector<16xf32>
      %parallel_loop3A_333 = arith.constant 0 : i32
      %parallel_loop3A_334 = vector.broadcast %parallel_loop3A_333 : i32 to vector<16xi32>
      %parallel_loop3A_335 = arith.cmpi slt, %broadcast_in_dim3A_3, %parallel_loop3A_334 : vector<16xi32>
      %parallel_loop3A_336 = arith.constant 16 : i32
      %parallel_loop3A_337 = vector.broadcast %parallel_loop3A_336 : i32 to vector<16xi32>
      %parallel_loop3A_338 = arith.addi %broadcast_in_dim3A_3, %parallel_loop3A_337 : vector<16xi32>
      %parallel_loop3A_339 = arith.select %parallel_loop3A_335, %parallel_loop3A_338, %broadcast_in_dim3A_3 : vector<16xi1>, vector<16xi32>
      %parallel_loop3A_340 = vector.shape_cast %parallel_loop3A_339 : vector<16xi32> to vector<16x1xi32>
      %parallel_loop3A_341 = vector.shape_cast %parallel_loop3A_340 : vector<16x1xi32> to vector<16xi32>
      %parallel_loop3A_342 = tpu.dynamic_gather %parallel_loop3A_252[%parallel_loop3A_341] in [0] : vector<16xf32>, vector<16xi32> -> vector<16xf32>
      %parallel_loop3A_343 = arith.constant 0 : i32
      %parallel_loop3A_344 = vector.broadcast %parallel_loop3A_343 : i32 to vector<16xi32>
      %parallel_loop3A_345 = arith.cmpi slt, %broadcast_in_dim3A_3, %parallel_loop3A_344 : vector<16xi32>
      %parallel_loop3A_346 = arith.constant 16 : i32
      %parallel_loop3A_347 = vector.broadcast %parallel_loop3A_346 : i32 to vector<16xi32>
      %parallel_loop3A_348 = arith.addi %broadcast_in_dim3A_3, %parallel_loop3A_347 : vector<16xi32>
      %parallel_loop3A_349 = arith.select %parallel_loop3A_345, %parallel_loop3A_348, %broadcast_in_dim3A_3 : vector<16xi1>, vector<16xi32>
      %parallel_loop3A_350 = vector.shape_cast %parallel_loop3A_349 : vector<16xi32> to vector<16x1xi32>
      %parallel_loop3A_351 = vector.shape_cast %parallel_loop3A_350 : vector<16x1xi32> to vector<16xi32>
      %parallel_loop3A_352 = tpu.dynamic_gather %parallel_loop3A_255[%parallel_loop3A_351] in [0] : vector<16xf32>, vector<16xi32> -> vector<16xf32>
      %parallel_loop3A_353 = arith.constant 0 : i32
      %parallel_loop3A_354 = vector.broadcast %parallel_loop3A_353 : i32 to vector<16xi32>
      %parallel_loop3A_355 = arith.cmpi slt, %broadcast_in_dim3A_3, %parallel_loop3A_354 : vector<16xi32>
      %parallel_loop3A_356 = arith.constant 16 : i32
      %parallel_loop3A_357 = vector.broadcast %parallel_loop3A_356 : i32 to vector<16xi32>
      %parallel_loop3A_358 = arith.addi %broadcast_in_dim3A_3, %parallel_loop3A_357 : vector<16xi32>
      %parallel_loop3A_359 = arith.select %parallel_loop3A_355, %parallel_loop3A_358, %broadcast_in_dim3A_3 : vector<16xi1>, vector<16xi32>
      %parallel_loop3A_360 = vector.shape_cast %parallel_loop3A_359 : vector<16xi32> to vector<16x1xi32>
      %parallel_loop3A_361 = vector.shape_cast %parallel_loop3A_360 : vector<16x1xi32> to vector<16xi32>
      %parallel_loop3A_362 = tpu.dynamic_gather %parallel_loop3A_258[%parallel_loop3A_361] in [0] : vector<16xf32>, vector<16xi32> -> vector<16xf32>
      %parallel_loop3A_363 = arith.constant 0 : i32
      %parallel_loop3A_364 = vector.broadcast %parallel_loop3A_363 : i32 to vector<16xi32>
      %parallel_loop3A_365 = arith.cmpi slt, %broadcast_in_dim3A_3, %parallel_loop3A_364 : vector<16xi32>
      %parallel_loop3A_366 = arith.constant 16 : i32
      %parallel_loop3A_367 = vector.broadcast %parallel_loop3A_366 : i32 to vector<16xi32>
      %parallel_loop3A_368 = arith.addi %broadcast_in_dim3A_3, %parallel_loop3A_367 : vector<16xi32>
      %parallel_loop3A_369 = arith.select %parallel_loop3A_365, %parallel_loop3A_368, %broadcast_in_dim3A_3 : vector<16xi1>, vector<16xi32>
      %parallel_loop3A_370 = vector.shape_cast %parallel_loop3A_369 : vector<16xi32> to vector<16x1xi32>
      %parallel_loop3A_371 = vector.shape_cast %parallel_loop3A_370 : vector<16x1xi32> to vector<16xi32>
      %parallel_loop3A_372 = tpu.dynamic_gather %parallel_loop3A_261[%parallel_loop3A_371] in [0] : vector<16xf32>, vector<16xi32> -> vector<16xf32>
      %parallel_loop3A_373 = arith.constant 0 : i32
      %parallel_loop3A_374 = vector.broadcast %parallel_loop3A_373 : i32 to vector<16xi32>
      %parallel_loop3A_375 = arith.cmpi slt, %broadcast_in_dim3A_3, %parallel_loop3A_374 : vector<16xi32>
      %parallel_loop3A_376 = arith.constant 16 : i32
      %parallel_loop3A_377 = vector.broadcast %parallel_loop3A_376 : i32 to vector<16xi32>
      %parallel_loop3A_378 = arith.addi %broadcast_in_dim3A_3, %parallel_loop3A_377 : vector<16xi32>
      %parallel_loop3A_379 = arith.select %parallel_loop3A_375, %parallel_loop3A_378, %broadcast_in_dim3A_3 : vector<16xi1>, vector<16xi32>
      %parallel_loop3A_380 = vector.shape_cast %parallel_loop3A_379 : vector<16xi32> to vector<16x1xi32>
      %parallel_loop3A_381 = vector.shape_cast %parallel_loop3A_380 : vector<16x1xi32> to vector<16xi32>
      %parallel_loop3A_382 = tpu.dynamic_gather %parallel_loop3A_264[%parallel_loop3A_381] in [0] : vector<16xf32>, vector<16xi32> -> vector<16xf32>
      %parallel_loop3A_383 = arith.constant 0 : i32
      %parallel_loop3A_384 = vector.broadcast %parallel_loop3A_383 : i32 to vector<16xi32>
      %parallel_loop3A_385 = arith.cmpi slt, %broadcast_in_dim3A_3, %parallel_loop3A_384 : vector<16xi32>
      %parallel_loop3A_386 = arith.constant 16 : i32
      %parallel_loop3A_387 = vector.broadcast %parallel_loop3A_386 : i32 to vector<16xi32>
      %parallel_loop3A_388 = arith.addi %broadcast_in_dim3A_3, %parallel_loop3A_387 : vector<16xi32>
      %parallel_loop3A_389 = arith.select %parallel_loop3A_385, %parallel_loop3A_388, %broadcast_in_dim3A_3 : vector<16xi1>, vector<16xi32>
      %parallel_loop3A_390 = vector.shape_cast %parallel_loop3A_389 : vector<16xi32> to vector<16x1xi32>
      %parallel_loop3A_391 = vector.shape_cast %parallel_loop3A_390 : vector<16x1xi32> to vector<16xi32>
      %parallel_loop3A_392 = tpu.dynamic_gather %parallel_loop3A_267[%parallel_loop3A_391] in [0] : vector<16xf32>, vector<16xi32> -> vector<16xf32>
      %parallel_loop3A_393 = arith.constant 0 : i32
      %parallel_loop3A_394 = vector.broadcast %parallel_loop3A_393 : i32 to vector<16xi32>
      %parallel_loop3A_395 = arith.cmpi slt, %broadcast_in_dim3A_3, %parallel_loop3A_394 : vector<16xi32>
      %parallel_loop3A_396 = arith.constant 16 : i32
      %parallel_loop3A_397 = vector.broadcast %parallel_loop3A_396 : i32 to vector<16xi32>
      %parallel_loop3A_398 = arith.addi %broadcast_in_dim3A_3, %parallel_loop3A_397 : vector<16xi32>
      %parallel_loop3A_399 = arith.select %parallel_loop3A_395, %parallel_loop3A_398, %broadcast_in_dim3A_3 : vector<16xi1>, vector<16xi32>
      %parallel_loop3A_400 = vector.shape_cast %parallel_loop3A_399 : vector<16xi32> to vector<16x1xi32>
      %parallel_loop3A_401 = vector.shape_cast %parallel_loop3A_400 : vector<16x1xi32> to vector<16xi32>
      %parallel_loop3A_402 = tpu.dynamic_gather %parallel_loop3A_270[%parallel_loop3A_401] in [0] : vector<16xf32>, vector<16xi32> -> vector<16xf32>
      %parallel_loop3A_403 = arith.constant 0 : i32
      %parallel_loop3A_404 = vector.broadcast %parallel_loop3A_403 : i32 to vector<16xi32>
      %parallel_loop3A_405 = arith.cmpi slt, %broadcast_in_dim3A_3, %parallel_loop3A_404 : vector<16xi32>
      %parallel_loop3A_406 = arith.constant 16 : i32
      %parallel_loop3A_407 = vector.broadcast %parallel_loop3A_406 : i32 to vector<16xi32>
      %parallel_loop3A_408 = arith.addi %broadcast_in_dim3A_3, %parallel_loop3A_407 : vector<16xi32>
      %parallel_loop3A_409 = arith.select %parallel_loop3A_405, %parallel_loop3A_408, %broadcast_in_dim3A_3 : vector<16xi1>, vector<16xi32>
      %parallel_loop3A_410 = vector.shape_cast %parallel_loop3A_409 : vector<16xi32> to vector<16x1xi32>
      %parallel_loop3A_411 = vector.shape_cast %parallel_loop3A_410 : vector<16x1xi32> to vector<16xi32>
      %parallel_loop3A_412 = tpu.dynamic_gather %parallel_loop3A_273[%parallel_loop3A_411] in [0] : vector<16xf32>, vector<16xi32> -> vector<16xf32>
      %parallel_loop3A_413 = arith.constant 0 : i32
      %parallel_loop3A_414 = vector.broadcast %parallel_loop3A_413 : i32 to vector<16xi32>
      %parallel_loop3A_415 = arith.cmpi slt, %broadcast_in_dim3A_3, %parallel_loop3A_414 : vector<16xi32>
      %parallel_loop3A_416 = arith.constant 16 : i32
      %parallel_loop3A_417 = vector.broadcast %parallel_loop3A_416 : i32 to vector<16xi32>
      %parallel_loop3A_418 = arith.addi %broadcast_in_dim3A_3, %parallel_loop3A_417 : vector<16xi32>
      %parallel_loop3A_419 = arith.select %parallel_loop3A_415, %parallel_loop3A_418, %broadcast_in_dim3A_3 : vector<16xi1>, vector<16xi32>
      %parallel_loop3A_420 = vector.shape_cast %parallel_loop3A_419 : vector<16xi32> to vector<16x1xi32>
      %parallel_loop3A_421 = vector.shape_cast %parallel_loop3A_420 : vector<16x1xi32> to vector<16xi32>
      %parallel_loop3A_422 = tpu.dynamic_gather %parallel_loop3A_276[%parallel_loop3A_421] in [0] : vector<16xf32>, vector<16xi32> -> vector<16xf32>
      %parallel_loop3A_423 = arith.constant 0 : i32
      %parallel_loop3A_424 = vector.broadcast %parallel_loop3A_423 : i32 to vector<16xi32>
      %parallel_loop3A_425 = arith.cmpi slt, %broadcast_in_dim3A_3, %parallel_loop3A_424 : vector<16xi32>
      %parallel_loop3A_426 = arith.constant 16 : i32
      %parallel_loop3A_427 = vector.broadcast %parallel_loop3A_426 : i32 to vector<16xi32>
      %parallel_loop3A_428 = arith.addi %broadcast_in_dim3A_3, %parallel_loop3A_427 : vector<16xi32>
      %parallel_loop3A_429 = arith.select %parallel_loop3A_425, %parallel_loop3A_428, %broadcast_in_dim3A_3 : vector<16xi1>, vector<16xi32>
      %parallel_loop3A_430 = vector.shape_cast %parallel_loop3A_429 : vector<16xi32> to vector<16x1xi32>
      %parallel_loop3A_431 = vector.shape_cast %parallel_loop3A_430 : vector<16x1xi32> to vector<16xi32>
      %parallel_loop3A_432 = tpu.dynamic_gather %parallel_loop3A_279[%parallel_loop3A_431] in [0] : vector<16xf32>, vector<16xi32> -> vector<16xf32>
      %parallel_loop3A_433 = arith.constant 0 : i32
      %parallel_loop3A_434 = vector.broadcast %parallel_loop3A_433 : i32 to vector<16xi32>
      %parallel_loop3A_435 = arith.cmpi slt, %broadcast_in_dim3A_3, %parallel_loop3A_434 : vector<16xi32>
      %parallel_loop3A_436 = arith.constant 16 : i32
      %parallel_loop3A_437 = vector.broadcast %parallel_loop3A_436 : i32 to vector<16xi32>
      %parallel_loop3A_438 = arith.addi %broadcast_in_dim3A_3, %parallel_loop3A_437 : vector<16xi32>
      %parallel_loop3A_439 = arith.select %parallel_loop3A_435, %parallel_loop3A_438, %broadcast_in_dim3A_3 : vector<16xi1>, vector<16xi32>
      %parallel_loop3A_440 = vector.shape_cast %parallel_loop3A_439 : vector<16xi32> to vector<16x1xi32>
      %parallel_loop3A_441 = vector.shape_cast %parallel_loop3A_440 : vector<16x1xi32> to vector<16xi32>
      %parallel_loop3A_442 = tpu.dynamic_gather %parallel_loop3A_282[%parallel_loop3A_441] in [0] : vector<16xf32>, vector<16xi32> -> vector<16xf32>
      %parallel_loop3A_443 = arith.addf %parallel_loop3A_292, %parallel_loop3A_302 : vector<16xf32>
      %parallel_loop3A_444 = arith.addf %parallel_loop3A_443, %parallel_loop3A_312 : vector<16xf32>
      %parallel_loop3A_445 = arith.addf %parallel_loop3A_444, %parallel_loop3A_322 : vector<16xf32>
      %parallel_loop3A_446 = arith.addf %parallel_loop3A_445, %parallel_loop3A_332 : vector<16xf32>
      %parallel_loop3A_447 = arith.addf %parallel_loop3A_446, %parallel_loop3A_342 : vector<16xf32>
      %parallel_loop3A_448 = arith.addf %parallel_loop3A_447, %parallel_loop3A_352 : vector<16xf32>
      %parallel_loop3A_449 = arith.addf %parallel_loop3A_448, %parallel_loop3A_362 : vector<16xf32>
      %parallel_loop3A_450 = arith.addf %parallel_loop3A_449, %parallel_loop3A_372 : vector<16xf32>
      %parallel_loop3A_451 = arith.addf %parallel_loop3A_450, %parallel_loop3A_382 : vector<16xf32>
      %parallel_loop3A_452 = arith.addf %parallel_loop3A_451, %parallel_loop3A_392 : vector<16xf32>
      %parallel_loop3A_453 = arith.addf %parallel_loop3A_452, %parallel_loop3A_402 : vector<16xf32>
      %parallel_loop3A_454 = arith.addf %parallel_loop3A_453, %parallel_loop3A_412 : vector<16xf32>
      %parallel_loop3A_455 = arith.addf %parallel_loop3A_454, %parallel_loop3A_422 : vector<16xf32>
      %parallel_loop3A_456 = arith.addf %parallel_loop3A_455, %parallel_loop3A_432 : vector<16xf32>
      %parallel_loop3A_457 = arith.addf %parallel_loop3A_456, %parallel_loop3A_442 : vector<16xf32>
      %parallel_loop3A_458 = arith.addf %parallel_loop3A_138, %parallel_loop3A_237 : vector<16xf32>
      %parallel_loop3A_459 = arith.addf %parallel_loop3A_138, %parallel_loop3A_292 : vector<16xf32>
      %parallel_loop3A_460 = arith.addf %parallel_loop3A_459, %parallel_loop3A_240 : vector<16xf32>
      %parallel_loop3A_461 = arith.addf %parallel_loop3A_138, %parallel_loop3A_443 : vector<16xf32>
      %parallel_loop3A_462 = arith.addf %parallel_loop3A_461, %parallel_loop3A_243 : vector<16xf32>
      %parallel_loop3A_463 = arith.addf %parallel_loop3A_138, %parallel_loop3A_444 : vector<16xf32>
      %parallel_loop3A_464 = arith.addf %parallel_loop3A_463, %parallel_loop3A_246 : vector<16xf32>
      %parallel_loop3A_465 = arith.addf %parallel_loop3A_138, %parallel_loop3A_445 : vector<16xf32>
      %parallel_loop3A_466 = arith.addf %parallel_loop3A_465, %parallel_loop3A_249 : vector<16xf32>
      %parallel_loop3A_467 = arith.addf %parallel_loop3A_138, %parallel_loop3A_446 : vector<16xf32>
      %parallel_loop3A_468 = arith.addf %parallel_loop3A_467, %parallel_loop3A_252 : vector<16xf32>
      %parallel_loop3A_469 = arith.addf %parallel_loop3A_138, %parallel_loop3A_447 : vector<16xf32>
      %parallel_loop3A_470 = arith.addf %parallel_loop3A_469, %parallel_loop3A_255 : vector<16xf32>
      %parallel_loop3A_471 = arith.addf %parallel_loop3A_138, %parallel_loop3A_448 : vector<16xf32>
      %parallel_loop3A_472 = arith.addf %parallel_loop3A_471, %parallel_loop3A_258 : vector<16xf32>
      %parallel_loop3A_473 = arith.addf %parallel_loop3A_138, %parallel_loop3A_449 : vector<16xf32>
      %parallel_loop3A_474 = arith.addf %parallel_loop3A_473, %parallel_loop3A_261 : vector<16xf32>
      %parallel_loop3A_475 = arith.addf %parallel_loop3A_138, %parallel_loop3A_450 : vector<16xf32>
      %parallel_loop3A_476 = arith.addf %parallel_loop3A_475, %parallel_loop3A_264 : vector<16xf32>
      %parallel_loop3A_477 = arith.addf %parallel_loop3A_138, %parallel_loop3A_451 : vector<16xf32>
      %parallel_loop3A_478 = arith.addf %parallel_loop3A_477, %parallel_loop3A_267 : vector<16xf32>
      %parallel_loop3A_479 = arith.addf %parallel_loop3A_138, %parallel_loop3A_452 : vector<16xf32>
      %parallel_loop3A_480 = arith.addf %parallel_loop3A_479, %parallel_loop3A_270 : vector<16xf32>
      %parallel_loop3A_481 = arith.addf %parallel_loop3A_138, %parallel_loop3A_453 : vector<16xf32>
      %parallel_loop3A_482 = arith.addf %parallel_loop3A_481, %parallel_loop3A_273 : vector<16xf32>
      %parallel_loop3A_483 = arith.addf %parallel_loop3A_138, %parallel_loop3A_454 : vector<16xf32>
      %parallel_loop3A_484 = arith.addf %parallel_loop3A_483, %parallel_loop3A_276 : vector<16xf32>
      %parallel_loop3A_485 = arith.addf %parallel_loop3A_138, %parallel_loop3A_455 : vector<16xf32>
      %parallel_loop3A_486 = arith.addf %parallel_loop3A_485, %parallel_loop3A_279 : vector<16xf32>
      %parallel_loop3A_487 = arith.addf %parallel_loop3A_138, %parallel_loop3A_456 : vector<16xf32>
      %parallel_loop3A_488 = arith.addf %parallel_loop3A_487, %parallel_loop3A_282 : vector<16xf32>
      %parallel_loop3A_489 = arith.constant 0 : i32
      %parallel_loop3A_490 = arith.addi %parallel_loop3A_137, %parallel_loop3A_489 : i32
      %parallel_loop3A_491 = arith.constant 16 : i32
      %parallel_loop3A_492 = arith.muli %parallel_loop3A_490, %parallel_loop3A_491 : i32
      %parallel_loop3A_493 = arith.index_cast %parallel_loop3A_492 : i32 to index
      %parallel_loop3A_494 = tpu.vector_load %arg4[%parallel_loop3A_493] {strides = array<i32>} : memref<32768xf32, #tpu.memory_space<vmem>>, vector<16xf32>,
      tpu.vector_store %arg4[%parallel_loop3A_493], %parallel_loop3A_458 {strides = array<i32>} : memref<32768xf32, #tpu.memory_space<vmem>>, vector<16xf32>,
      %parallel_loop3A_495 = arith.constant 1 : i32
      %parallel_loop3A_496 = arith.addi %parallel_loop3A_137, %parallel_loop3A_495 : i32
      %parallel_loop3A_497 = arith.constant 16 : i32
      %parallel_loop3A_498 = arith.muli %parallel_loop3A_496, %parallel_loop3A_497 : i32
      %parallel_loop3A_499 = arith.index_cast %parallel_loop3A_498 : i32 to index
      %parallel_loop3A_500 = tpu.vector_load %arg4[%parallel_loop3A_499] {strides = array<i32>} : memref<32768xf32, #tpu.memory_space<vmem>>, vector<16xf32>,
      tpu.vector_store %arg4[%parallel_loop3A_499], %parallel_loop3A_460 {strides = array<i32>} : memref<32768xf32, #tpu.memory_space<vmem>>, vector<16xf32>,
      %parallel_loop3A_501 = arith.constant 2 : i32
      %parallel_loop3A_502 = arith.addi %parallel_loop3A_137, %parallel_loop3A_501 : i32
      %parallel_loop3A_503 = arith.constant 16 : i32
      %parallel_loop3A_504 = arith.muli %parallel_loop3A_502, %parallel_loop3A_503 : i32
      %parallel_loop3A_505 = arith.index_cast %parallel_loop3A_504 : i32 to index
      %parallel_loop3A_506 = tpu.vector_load %arg4[%parallel_loop3A_505] {strides = array<i32>} : memref<32768xf32, #tpu.memory_space<vmem>>, vector<16xf32>,
      tpu.vector_store %arg4[%parallel_loop3A_505], %parallel_loop3A_462 {strides = array<i32>} : memref<32768xf32, #tpu.memory_space<vmem>>, vector<16xf32>,
      %parallel_loop3A_507 = arith.constant 3 : i32
      %parallel_loop3A_508 = arith.addi %parallel_loop3A_137, %parallel_loop3A_507 : i32
      %parallel_loop3A_509 = arith.constant 16 : i32
      %parallel_loop3A_510 = arith.muli %parallel_loop3A_508, %parallel_loop3A_509 : i32
      %parallel_loop3A_511 = arith.index_cast %parallel_loop3A_510 : i32 to index
      %parallel_loop3A_512 = tpu.vector_load %arg4[%parallel_loop3A_511] {strides = array<i32>} : memref<32768xf32, #tpu.memory_space<vmem>>, vector<16xf32>,
      tpu.vector_store %arg4[%parallel_loop3A_511], %parallel_loop3A_464 {strides = array<i32>} : memref<32768xf32, #tpu.memory_space<vmem>>, vector<16xf32>,
      %parallel_loop3A_513 = arith.constant 4 : i32
      %parallel_loop3A_514 = arith.addi %parallel_loop3A_137, %parallel_loop3A_513 : i32
      %parallel_loop3A_515 = arith.constant 16 : i32
      %parallel_loop3A_516 = arith.muli %parallel_loop3A_514, %parallel_loop3A_515 : i32
      %parallel_loop3A_517 = arith.index_cast %parallel_loop3A_516 : i32 to index
      %parallel_loop3A_518 = tpu.vector_load %arg4[%parallel_loop3A_517] {strides = array<i32>} : memref<32768xf32, #tpu.memory_space<vmem>>, vector<16xf32>,
      tpu.vector_store %arg4[%parallel_loop3A_517], %parallel_loop3A_466 {strides = array<i32>} : memref<32768xf32, #tpu.memory_space<vmem>>, vector<16xf32>,
      %parallel_loop3A_519 = arith.constant 5 : i32
      %parallel_loop3A_520 = arith.addi %parallel_loop3A_137, %parallel_loop3A_519 : i32
      %parallel_loop3A_521 = arith.constant 16 : i32
      %parallel_loop3A_522 = arith.muli %parallel_loop3A_520, %parallel_loop3A_521 : i32
      %parallel_loop3A_523 = arith.index_cast %parallel_loop3A_522 : i32 to index
      %parallel_loop3A_524 = tpu.vector_load %arg4[%parallel_loop3A_523] {strides = array<i32>} : memref<32768xf32, #tpu.memory_space<vmem>>, vector<16xf32>,
      tpu.vector_store %arg4[%parallel_loop3A_523], %parallel_loop3A_468 {strides = array<i32>} : memref<32768xf32, #tpu.memory_space<vmem>>, vector<16xf32>,
      %parallel_loop3A_525 = arith.constant 6 : i32
      %parallel_loop3A_526 = arith.addi %parallel_loop3A_137, %parallel_loop3A_525 : i32
      %parallel_loop3A_527 = arith.constant 16 : i32
      %parallel_loop3A_528 = arith.muli %parallel_loop3A_526, %parallel_loop3A_527 : i32
      %parallel_loop3A_529 = arith.index_cast %parallel_loop3A_528 : i32 to index
      %parallel_loop3A_530 = tpu.vector_load %arg4[%parallel_loop3A_529] {strides = array<i32>} : memref<32768xf32, #tpu.memory_space<vmem>>, vector<16xf32>,
      tpu.vector_store %arg4[%parallel_loop3A_529], %parallel_loop3A_470 {strides = array<i32>} : memref<32768xf32, #tpu.memory_space<vmem>>, vector<16xf32>,
      %parallel_loop3A_531 = arith.constant 7 : i32
      %parallel_loop3A_532 = arith.addi %parallel_loop3A_137, %parallel_loop3A_531 : i32
      %parallel_loop3A_533 = arith.constant 16 : i32
      %parallel_loop3A_534 = arith.muli %parallel_loop3A_532, %parallel_loop3A_533 : i32
      %parallel_loop3A_535 = arith.index_cast %parallel_loop3A_534 : i32 to index
      %parallel_loop3A_536 = tpu.vector_load %arg4[%parallel_loop3A_535] {strides = array<i32>} : memref<32768xf32, #tpu.memory_space<vmem>>, vector<16xf32>,
      tpu.vector_store %arg4[%parallel_loop3A_535], %parallel_loop3A_472 {strides = array<i32>} : memref<32768xf32, #tpu.memory_space<vmem>>, vector<16xf32>,
      %parallel_loop3A_537 = arith.constant 8 : i32
      %parallel_loop3A_538 = arith.addi %parallel_loop3A_137, %parallel_loop3A_537 : i32
      %parallel_loop3A_539 = arith.constant 16 : i32
      %parallel_loop3A_540 = arith.muli %parallel_loop3A_538, %parallel_loop3A_539 : i32
      %parallel_loop3A_541 = arith.index_cast %parallel_loop3A_540 : i32 to index
      %parallel_loop3A_542 = tpu.vector_load %arg4[%parallel_loop3A_541] {strides = array<i32>} : memref<32768xf32, #tpu.memory_space<vmem>>, vector<16xf32>,
      tpu.vector_store %arg4[%parallel_loop3A_541], %parallel_loop3A_474 {strides = array<i32>} : memref<32768xf32, #tpu.memory_space<vmem>>, vector<16xf32>,
      %parallel_loop3A_543 = arith.constant 9 : i32
      %parallel_loop3A_544 = arith.addi %parallel_loop3A_137, %parallel_loop3A_543 : i32
      %parallel_loop3A_545 = arith.constant 16 : i32
      %parallel_loop3A_546 = arith.muli %parallel_loop3A_544, %parallel_loop3A_545 : i32
      %parallel_loop3A_547 = arith.index_cast %parallel_loop3A_546 : i32 to index
      %parallel_loop3A_548 = tpu.vector_load %arg4[%parallel_loop3A_547] {strides = array<i32>} : memref<32768xf32, #tpu.memory_space<vmem>>, vector<16xf32>,
      tpu.vector_store %arg4[%parallel_loop3A_547], %parallel_loop3A_476 {strides = array<i32>} : memref<32768xf32, #tpu.memory_space<vmem>>, vector<16xf32>,
      %parallel_loop3A_549 = arith.constant 10 : i32
      %parallel_loop3A_550 = arith.addi %parallel_loop3A_137, %parallel_loop3A_549 : i32
      %parallel_loop3A_551 = arith.constant 16 : i32
      %parallel_loop3A_552 = arith.muli %parallel_loop3A_550, %parallel_loop3A_551 : i32
      %parallel_loop3A_553 = arith.index_cast %parallel_loop3A_552 : i32 to index
      %parallel_loop3A_554 = tpu.vector_load %arg4[%parallel_loop3A_553] {strides = array<i32>} : memref<32768xf32, #tpu.memory_space<vmem>>, vector<16xf32>,
      tpu.vector_store %arg4[%parallel_loop3A_553], %parallel_loop3A_478 {strides = array<i32>} : memref<32768xf32, #tpu.memory_space<vmem>>, vector<16xf32>,
      %parallel_loop3A_555 = arith.constant 11 : i32
      %parallel_loop3A_556 = arith.addi %parallel_loop3A_137, %parallel_loop3A_555 : i32
      %parallel_loop3A_557 = arith.constant 16 : i32
      %parallel_loop3A_558 = arith.muli %parallel_loop3A_556, %parallel_loop3A_557 : i32
      %parallel_loop3A_559 = arith.index_cast %parallel_loop3A_558 : i32 to index
      %parallel_loop3A_560 = tpu.vector_load %arg4[%parallel_loop3A_559] {strides = array<i32>} : memref<32768xf32, #tpu.memory_space<vmem>>, vector<16xf32>,
      tpu.vector_store %arg4[%parallel_loop3A_559], %parallel_loop3A_480 {strides = array<i32>} : memref<32768xf32, #tpu.memory_space<vmem>>, vector<16xf32>,
      %parallel_loop3A_561 = arith.constant 12 : i32
      %parallel_loop3A_562 = arith.addi %parallel_loop3A_137, %parallel_loop3A_561 : i32
      %parallel_loop3A_563 = arith.constant 16 : i32
      %parallel_loop3A_564 = arith.muli %parallel_loop3A_562, %parallel_loop3A_563 : i32
      %parallel_loop3A_565 = arith.index_cast %parallel_loop3A_564 : i32 to index
      %parallel_loop3A_566 = tpu.vector_load %arg4[%parallel_loop3A_565] {strides = array<i32>} : memref<32768xf32, #tpu.memory_space<vmem>>, vector<16xf32>,
      tpu.vector_store %arg4[%parallel_loop3A_565], %parallel_loop3A_482 {strides = array<i32>} : memref<32768xf32, #tpu.memory_space<vmem>>, vector<16xf32>,
      %parallel_loop3A_567 = arith.constant 13 : i32
      %parallel_loop3A_568 = arith.addi %parallel_loop3A_137, %parallel_loop3A_567 : i32
      %parallel_loop3A_569 = arith.constant 16 : i32
      %parallel_loop3A_570 = arith.muli %parallel_loop3A_568, %parallel_loop3A_569 : i32
      %parallel_loop3A_571 = arith.index_cast %parallel_loop3A_570 : i32 to index
      %parallel_loop3A_572 = tpu.vector_load %arg4[%parallel_loop3A_571] {strides = array<i32>} : memref<32768xf32, #tpu.memory_space<vmem>>, vector<16xf32>,
      tpu.vector_store %arg4[%parallel_loop3A_571], %parallel_loop3A_484 {strides = array<i32>} : memref<32768xf32, #tpu.memory_space<vmem>>, vector<16xf32>,
      %parallel_loop3A_573 = arith.constant 14 : i32
      %parallel_loop3A_574 = arith.addi %parallel_loop3A_137, %parallel_loop3A_573 : i32
      %parallel_loop3A_575 = arith.constant 16 : i32
      %parallel_loop3A_576 = arith.muli %parallel_loop3A_574, %parallel_loop3A_575 : i32
      %parallel_loop3A_577 = arith.index_cast %parallel_loop3A_576 : i32 to index
      %parallel_loop3A_578 = tpu.vector_load %arg4[%parallel_loop3A_577] {strides = array<i32>} : memref<32768xf32, #tpu.memory_space<vmem>>, vector<16xf32>,
      tpu.vector_store %arg4[%parallel_loop3A_577], %parallel_loop3A_486 {strides = array<i32>} : memref<32768xf32, #tpu.memory_space<vmem>>, vector<16xf32>,
      %parallel_loop3A_579 = arith.constant 15 : i32
      %parallel_loop3A_580 = arith.addi %parallel_loop3A_137, %parallel_loop3A_579 : i32
      %parallel_loop3A_581 = arith.constant 16 : i32
      %parallel_loop3A_582 = arith.muli %parallel_loop3A_580, %parallel_loop3A_581 : i32
      %parallel_loop3A_583 = arith.index_cast %parallel_loop3A_582 : i32 to index
      %parallel_loop3A_584 = tpu.vector_load %arg4[%parallel_loop3A_583] {strides = array<i32>} : memref<32768xf32, #tpu.memory_space<vmem>>, vector<16xf32>,
      tpu.vector_store %arg4[%parallel_loop3A_583], %parallel_loop3A_488 {strides = array<i32>} : memref<32768xf32, #tpu.memory_space<vmem>>, vector<16xf32>,
      %parallel_loop3A_585 = arith.addf %parallel_loop3A_138, %parallel_loop3A_457 : vector<16xf32>
      scf.yield %parallel_loop3A_585 : vector<16xf32>
    } {sc.loop_unroll_factor = 1 : i64, sc.parallel_access}
    %add3A_111 = arith.constant 3 : i32
    %add3A_112 = arith.addi %mul3A_2, %add3A_111 : i32
    %dma_start3A_113 = arith.constant 0 : i32
    %dma_start3A_114 = tpu.memref_slice %arg3[%add3A_112, %dma_start3A_113] : memref<128x32768xf32, #tpu.memory_space<hbm>> -> memref<1x32768xf32, #tpu.memory_space<hbm>>
    %dma_start3A_115 = tpu.memref_squeeze %dma_start3A_114 : memref<1x32768xf32, #tpu.memory_space<hbm>> -> memref<32768xf32, #tpu.memory_space<hbm>>
    %dma_start3A_116 = arith.constant 0 : i32
    %dma_start3A_117 = tpu.memref_slice %arg3[%add3A_112, %dma_start3A_116] : memref<128x32768xf32, #tpu.memory_space<hbm>> -> memref<1x32768xf32, #tpu.memory_space<hbm>>
    %dma_start3A_118 = tpu.memref_squeeze %dma_start3A_117 : memref<1x32768xf32, #tpu.memory_space<hbm>> -> memref<32768xf32, #tpu.memory_space<hbm>>
    tpu.enqueue_dma source(%arg4 : memref<32768xf32, #tpu.memory_space<vmem>>) target(%dma_start3A_118 : memref<32768xf32, #tpu.memory_space<hbm>>) target_semaphore(%arg10 : memref<!tpu.dma_semaphore, #tpu.memory_space<semaphore_mem>>)
    %dma_wait3A_119 = arith.constant 0 : i32
    %dma_wait3A_120 = tpu.memref_slice %arg3[%add3A_58, %dma_wait3A_119] : memref<128x32768xf32, #tpu.memory_space<hbm>> -> memref<1x32768xf32, #tpu.memory_space<hbm>>
    %dma_wait3A_121 = tpu.memref_squeeze %dma_wait3A_120 : memref<1x32768xf32, #tpu.memory_space<hbm>> -> memref<32768xf32, #tpu.memory_space<hbm>>
    %dma_wait3A_122 = arith.constant 0 : i32
    %dma_wait3A_123 = tpu.memref_slice %arg3[%add3A_58, %dma_wait3A_122] : memref<128x32768xf32, #tpu.memory_space<hbm>> -> memref<1x32768xf32, #tpu.memory_space<hbm>>
    %dma_wait3A_124 = tpu.memref_squeeze %dma_wait3A_123 : memref<1x32768xf32, #tpu.memory_space<hbm>> -> memref<32768xf32, #tpu.memory_space<hbm>>
    tpu.wait_dma2 semaphore(%arg11 : memref<!tpu.dma_semaphore, #tpu.memory_space<semaphore_mem>>) src(%arg5 : memref<32768xf32, #tpu.memory_space<vmem>>) dst(%dma_wait3A_124 : memref<32768xf32, #tpu.memory_space<hbm>>)
    %dma_wait3A_125 = arith.constant 0 : i32
    %dma_wait3A_126 = tpu.memref_slice %arg3[%add3A_92, %dma_wait3A_125] : memref<128x32768xf32, #tpu.memory_space<hbm>> -> memref<1x32768xf32, #tpu.memory_space<hbm>>
    %dma_wait3A_127 = tpu.memref_squeeze %dma_wait3A_126 : memref<1x32768xf32, #tpu.memory_space<hbm>> -> memref<32768xf32, #tpu.memory_space<hbm>>
    %dma_wait3A_128 = arith.constant 0 : i32
    %dma_wait3A_129 = tpu.memref_slice %arg3[%add3A_92, %dma_wait3A_128] : memref<128x32768xf32, #tpu.memory_space<hbm>> -> memref<1x32768xf32, #tpu.memory_space<hbm>>
    %dma_wait3A_130 = tpu.memref_squeeze %dma_wait3A_129 : memref<1x32768xf32, #tpu.memory_space<hbm>> -> memref<32768xf32, #tpu.memory_space<hbm>>
    tpu.wait_dma2 semaphore(%arg12 : memref<!tpu.dma_semaphore, #tpu.memory_space<semaphore_mem>>) src(%arg6 : memref<32768xf32, #tpu.memory_space<vmem>>) dst(%dma_wait3A_130 : memref<32768xf32, #tpu.memory_space<hbm>>)
    %dma_wait3A_131 = arith.constant 0 : i32
    %dma_wait3A_132 = tpu.memref_slice %arg3[%add3A_112, %dma_wait3A_131] : memref<128x32768xf32, #tpu.memory_space<hbm>> -> memref<1x32768xf32, #tpu.memory_space<hbm>>
    %dma_wait3A_133 = tpu.memref_squeeze %dma_wait3A_132 : memref<1x32768xf32, #tpu.memory_space<hbm>> -> memref<32768xf32, #tpu.memory_space<hbm>>
    %dma_wait3A_134 = arith.constant 0 : i32
    %dma_wait3A_135 = tpu.memref_slice %arg3[%add3A_112, %dma_wait3A_134] : memref<128x32768xf32, #tpu.memory_space<hbm>> -> memref<1x32768xf32, #tpu.memory_space<hbm>>
    %dma_wait3A_136 = tpu.memref_squeeze %dma_wait3A_135 : memref<1x32768xf32, #tpu.memory_space<hbm>> -> memref<32768xf32, #tpu.memory_space<hbm>>
    tpu.wait_dma2 semaphore(%arg10 : memref<!tpu.dma_semaphore, #tpu.memory_space<semaphore_mem>>) src(%arg4 : memref<32768xf32, #tpu.memory_space<vmem>>) dst(%dma_wait3A_136 : memref<32768xf32, #tpu.memory_space<hbm>>)
    return
  }
}

</mosaic_0001>

<sc_bundles>
// kernel: kernel.3.cloned.1.call-start
scs
__scs_entry_jumppad:
0x0: {  	(pc) =	sbr.rel $0x88, $3  }
0x1: {  	(tag) =	ssettag $0x0;
	lr =	simm.s32 $0x1  }
0x2: {  	[smem:$0x3FA0] =	sst lr;
	_ =	strace $0xD0000000  }
0x3: {  	_ = 	snop  }
0x4: {  	_ = 	snop  }
0x5: {  	_ = 	snop  }
0x6: {  	_ = 	snop  }
0x7: {  	_ = 	snop  }
__scs_overlays_trampoline_lowered:
0x8: {  	[smem:$0x3FAF] =	sst s0  }
0x9: {  	[smem:$0x3FB0] =	sst s1  }
0xa: {  	[smem:$0x3FB1] =	sst s2  }
0xb: {  	[smem:$0x3FB2] =	sst s3  }
0xc: {  	[smem:$0x3FB3] =	sst s4  }
0xd: {  	[smem:$0x3FB4] =	sst s5  }
0xe: {  	[smem:$0x3FB5] =	sst s6  }
0xf: {  	[smem:$0x3FB6] =	sst s7  }
0x10: {  	[smem:$0x3FB7] =	sst s8  }
0x11: {  	[smem:$0x3FB8] =	sst s9;
	s0 =	simm.s32 @!p0 $0x0  }
0x12: {  	s1 =	sld [smem:$0x3F9E];
	s0 =	simm.s32 @p0 $0x1  }
0x13: {  	[smem:$0x3FB9] =	sst s0;
	s0 =	simm.s32 @!p1 $0x0  }
0x14: {  	s2 =	sld [smem:$0x3F9D];
	s0 =	simm.s32 @p1 $0x1  }
0x15: {  	[smem:$0x3FBA] =	sst s0;
	s0 =	simm.s32 @!p2 $0x0  }
0x16: {  	s3 =	sld [smem:$0x3FDB];
	s0 =	simm.s32 @p2 $0x1  }
0x17: {  	s4 =	simm.s32 $0x1BF5;
	[smem:$0x3FBC] =	sst s0  }
0x18: {  	s0 =	sld [smem:$0x3F9F];
	_ =	swait.ge [sflag:s4], $0x0  }
0x19: {  	s7 =	sld [smem:$0x3FA0]  }
0x1a: {  	s8 =	sadd.s32 $0xFFFFE003, lr  }
0x1b: {  	s9 =	sadd.s32 $0xFFFFFEF7, lr;
	s5 =	simm.s32 $0xFFFFFFFF;
	p2 =	slt.u32 s8, $0xFFFFF086  }
0x1c: {  	p1 =	slt.u32 s9, $0xF7A;
	s5 =	simm.s32 @!p2 $0x0  }
0x1d: {  	s5 =	simm.s32 @p1 $0x1;
	p0 =	seq.s32 s7, s2  }
0x1e: {  	s7 =	smul.u32 @!p0 $0xF7A, s2;
	p2 =	seq.s32 @!p0 s5, $0x0  }
0x1f: {  	s9 =	smul.u32 $0xF7A, s1;
	s8 =	simm.s32 @!p0 $0x1BF5;
	p2 =	por !p2, p0  }
0x20: {  	[sflag:s8] =	ssyncset.s32 @!p0 $0xFFFFF086;
	s6 =	sadd.s32 @!p0 s3, s7;
	s7 =	simm.s32 @!p0 $0x108  }
0x21: {  	s3 =	sadd.s32 s3, s9;
	s6 =	sadd.s32 @!p0 $0x88, s6;
	s7 =	simm.s32 @p2 $0x1082  }
0x22: {  	[simem:s7], [sflag:s8] =	dma.local @!p0 [hbm:s6], $0xF7A  }
0x23: {  	s9 =	sor.u32 $0xD0000000, s2;
	s6 =	simm.s32 $0x108;
	_ =	swait.ge @!p0 [sflag:s8], $0x0  }
0x24: {  	s3 =	sadd.s32 $0x88, s3;
	s6 =	simm.s32 @!p1 $0x1082;
	[sflag:s4] =	ssyncset.s32 $0xFFFFF086  }
0x25: {  	[simem:s6], [sflag:s4] =	dma.local [hbm:s3], $0xF7A  }
0x26: {  	[smem:$0x3FA0] =	sst s1;
	(tag) =	ssettag s2;
	_ =	strace s9  }
0x27: {  	s1 =	sld [smem:$0x3FB0]  }
0x28: {  	s2 =	sld [smem:$0x3FB1]  }
0x29: {  	s4 =	sld [smem:$0x3FB3]  }
0x2a: {  	p0 =	seq.s32 s5, $0x0;
	s5 =	sld [smem:$0x3FB4]  }
0x2b: {  	s6 =	sld [smem:$0x3FB5]  }
0x2c: {  	s7 =	sld [smem:$0x3FB6]  }
0x2d: {  	s3 =	simm.s32 $0x108;
	s8 =	sld [smem:$0x3FB7]  }
0x2e: {  	s3 =	simm.s32 @!p0 $0x1082;
	s9 =	sld [smem:$0x3FB8]  }
0x2f: {  	lr =	sadd.s32 s0, s3;
	s0 =	sld [smem:$0x3FAF]  }
0x30: {  	s3 =	sld [smem:$0x3FB2]  }
0x31: {  	[smem:$0x3FBB] =	sst s10  }
0x32: {  	s10 =	sld [smem:$0x3FB9];
	_ =	sdelay $0x3  }
0x33: {  	p0 =	seq.s32 s10, $0x1;
	s10 =	sld [smem:$0x3FBB];
	_ =	sdelay $0x3  }
0x34: {  	[smem:$0x3FBB] =	sst s10  }
0x35: {  	s10 =	sld [smem:$0x3FBA];
	_ =	sdelay $0x3  }
0x36: {  	p1 =	seq.s32 s10, $0x1;
	s10 =	sld [smem:$0x3FBB];
	_ =	sdelay $0x3  }
0x37: {  	[smem:$0x3FBB] =	sst s10  }
0x38: {  	s10 =	sld [smem:$0x3FBC]  }
0x39: {  	_ = 	snop;
	(pc) =	sbr.ind lr, $3  }
0x3a: {  	_ = 	snop  }
0x3b: {  	_ = 	snop  }
0x3c: {  	p2 =	seq.s32 s10, $0x1;
	s10 =	sld [smem:$0x3FBB]  }
0x3d: {  	_ =	shalt  }
0x3e: {  	_ =	shalt  }
0x3f: {  	_ =	shalt  }
0x40: {  	_ =	shalt  }
0x41: {  	_ =	shalt  }
0x42: {  	_ =	shalt  }
0x43: {  	_ =	shalt  }
0x44: {  	_ =	shalt  }
0x45: {  	_ =	shalt  }
0x46: {  	_ =	shalt  }
0x47: {  	_ =	shalt  }
0x48: {  	_ =	shalt  }
0x49: {  	_ =	shalt  }
0x4a: {  	_ =	shalt  }
0x4b: {  	_ =	shalt  }
0x4c: {  	_ =	shalt  }
0x4d: {  	_ =	shalt  }
0x4e: {  	_ =	shalt  }
0x4f: {  	_ =	shalt  }
0x50: {  	_ =	shalt  }
0x51: {  	_ =	shalt  }
0x52: {  	_ =	shalt  }
0x53: {  	_ =	shalt  }
0x54: {  	_ =	shalt  }
0x55: {  	_ =	shalt  }
0x56: {  	_ =	shalt  }
0x57: {  	_ =	shalt  }
0x58: {  	_ =	shalt  }
0x59: {  	_ =	shalt  }
0x5a: {  	_ =	shalt  }
0x5b: {  	_ =	shalt  }
0x5c: {  	_ =	shalt  }
0x5d: {  	_ =	shalt  }
0x5e: {  	_ =	shalt  }
0x5f: {  	_ =	shalt  }
0x60: {  	_ =	shalt  }
0x61: {  	_ =	shalt  }
0x62: {  	_ =	shalt  }
0x63: {  	_ =	shalt  }
0x64: {  	_ =	shalt  }
0x65: {  	_ =	shalt  }
0x66: {  	_ =	shalt  }
0x67: {  	_ =	shalt  }
0x68: {  	_ =	shalt  }
0x69: {  	_ =	shalt  }
0x6a: {  	_ =	shalt  }
0x6b: {  	_ =	shalt  }
0x6c: {  	_ =	shalt  }
0x6d: {  	_ =	shalt  }
0x6e: {  	_ =	shalt  }
0x6f: {  	_ =	shalt  }
0x70: {  	_ =	shalt  }
0x71: {  	_ =	shalt  }
0x72: {  	_ =	shalt  }
0x73: {  	_ =	shalt  }
0x74: {  	_ =	shalt  }
0x75: {  	_ =	shalt  }
0x76: {  	_ =	shalt  }
0x77: {  	_ =	shalt  }
0x78: {  	_ =	shalt  }
0x79: {  	_ =	shalt  }
0x7a: {  	_ =	shalt  }
0x7b: {  	_ =	shalt  }
0x7c: {  	_ =	shalt  }
0x7d: {  	_ =	shalt  }
0x7e: {  	_ =	shalt  }
0x7f: {  	_ =	shalt  }
0x80: {  	_ =	shalt  }
0x81: {  	_ =	shalt  }
0x82: {  	_ =	shalt  }
0x83: {  	_ =	shalt  }
0x84: {  	_ =	shalt  }
0x85: {  	_ =	shalt  }
0x86: {  	_ =	shalt  }
0x87: {  	_ =	shalt  }
.Lfunc_end0:
.L_simem_size_0:
called_computation_lowered:
.L_overlay_start_0:
0x88: {  	s2 =	sld [smem:$0x3FD9]  }
0x89: {  	s3 =	sld [smem:$0x3FFE];
	_ =	sdelay $0x1  }
0x8a: {  	s1 =	srdreg.scid  }
0x8b: {  	s0 =	sand.u32 $0x1, s1  }
0x8c: {  	s18 =	sshll.u32 s0, $0xA;
	s2 =	sadd.s32 s3, s2  }
0x8d: {  	s2 =	sadd.s32 s2, s18  }
0x8e: {  	[smem:$0x3FC7] =	sst s2  }
0x8f: {  	_ = 	snop  }
0x90: {  	s2 =	sld [smem:$0x3FC9]  }
0x91: {  	s19 =	sld [smem:$0x3FD0];
	(tm) =	ssettm $0x1  }
0x92: {  	s4 =	sld [smem:$0x3FFB];
	_ =	sdelay $0x3  }
0x93: {  	_ =	strace s4  }
0x94: {  	s4 =	sld [smem:$0x3FFC];
	_ =	sdelay $0x3  }
0x95: {  	_ =	strace s4  }
0x96: {  	s4 =	sld [smem:$0x3FFD];
	_ =	sdelay $0x3  }
0x97: {  	_ =	strace s4  }
0x98: {  	_ =	strace $0x8FFFFFFF  }
0x99: {  	s20 =	sld [smem:$0x3FDB];
	_ =	sdelay $0x1  }
0x9a: {  	s5 =	simm.s32 $_scs_section_size  }
0x9b: {  	s6 =	simm.s32 $_size__tile_overlayer_lowered;
	s7 =	simm.s32 $_tile_overlayer_lowered  }
0x9c: {  	s23 =	simm.s32 $0x1BFF;
	s22 =	sshll.u32 s7, $0x1;
	s4 =	sadd.s32 s5, s20  }
0x9d: {  	s8 =	simm.s32 $0x0;
	s21 =	sshll.u32 s6, $0x1;
	s6 =	sadd.s32 s22, s4  }
0x9e: {  	[timem:s8], [sflag:s23] =	dma.local [hbm:s6], s21  }
0x9f: {  	_ =	swait.ge [sflag:s23], s21  }
0xa0: {  	s5 =	ssub.s32 $0x0, s21;
	[sflag:s23] =	ssyncset.done $0x0  }
0xa1: {  	[sflag:s23] =	ssyncadd.s32 s5;
	_ =	sdelay $0x1  }
0xa2: {  	s24 =	simm.s32 $0x1B8B  }
0xa3: {  	_ =	swait.ge [sflag:s24], $0x1  }
0xa4: {  	[sflag:s24] =	ssyncset.done $0x0  }
0xa5: {  	s25 =	simm.s32 $0x1B8E;
	[sflag:s24] =	ssyncadd.s32 $0xFFFFFFFF  }
0xa6: {  	s26 =	simm.s32 $execute0_lowered;
	[smem:$0x3FD2] =	sst s25  }
0xa7: {  	s5 =	sshll.u32 s26, $0x1;
	_ =	strace $0x80000046;
	[dreg:$0x1] =	wrdreg $0xFFFFFFFF  }
0xa8: {  	s28 =	simm.s32 $_size_execute0_lowered;
	s4 =	sadd.s32 s4, s5;
	[dreg:$0x0] =	wrdreg $0x0  }
0xa9: {  	s5 =	sshll.u32 s28, $0x1;
	[dreg:$0x2] =	wrdreg s4  }
0xaa: {  	[dreg:$0x3] =	wrdreg s5  }
0xab: {  	[dreg:$0x4] =	wrdreg $0xC0  }
0xac: {  	_ =	task [dreg:s8], $0x5FFFF  }
0xad: {  	[dreg:$0x1] =	wrdreg $0xFFFFFFFF  }
0xae: {  	[dreg:$0x0] =	wrdreg $0x60  }
0xaf: {  	[dreg:$0x2] =	wrdreg s2  }
0xb0: {  	[dreg:$0x3] =	wrdreg s19  }
0xb1: {  	[dreg:$0x4] =	wrdreg $0x9  }
0xb2: {  	_ =	task.clear_ibuf [dreg:s8], $0x5FFFF;
	_ =	strace $0x90000046  }
0xb3: {  	s29 =	simm.s32 $0x9;
	_ =	strace $0x80000048  }
0xb4: {  	_ =	swait.ge [sflag:s29], $0x1  }
0xb5: {  	[sflag:s29] =	ssyncadd.s32 $0xFFFFFFFF  }
0xb6: {  	_ =	strace $0x90000048  }
0xb7: {  	_ =	sfence  }
0xb8: {  	s30 =	sld [smem:$0x0];
	_ =	sdelay $0x2  }
0xb9: {  	s31 =	sshll.u32 s1, $0xD;
	s1 =	sshrl.u32 s1, $0x2  }
0xba: {  	s3 =	sand.u32 $0x4000, s31;
	s1 =	sadd.s32 s1, s30  }
0xbb: {  	s0 =	sor.u32 s3, s0;
	s1 =	sshll.u32 s1, $0x11  }
0xbc: {  	s0 =	sor.u32 s1, s0  }
0xbd: {  	s0 =	sadd.s32 $0x8F2B, s0  }
0xbe: {  	[sflag:s0] =	ssyncadd.remote.s32 $0x1  }
0xbf: {  	_ =	sfence.sel $0xFFFF  }
0xc0: {  	[dreg:$0x0] =	wrdreg $0xFFFFFFFF;
	(pc) =	sbr.abs _section_cstart, $3  }
0xc1: {  	[dreg:$0x1] =	wrdreg $0xFFFFFFFF  }
0xc2: {  	_ =	task.clear_ibuf [dreg:s8], $0x2FFFF;
	_ =	strace $0x9FFFFFFF  }
0xc3: {  	(tm) =	ssettm $0x7FFFFFFF  }
tec
execute0_lowered:
.L_overlay_start_1:
0x0: {  	(tag) =	ssettag $0x1  }
0x1: {  	s8 =	rddreg [dreg:$0x0]  }
0x2: {  	s10 =	rddreg [dreg:$0x1]  }
0x3: {  	s0 =	rddreg [dreg:$0x2];
	s2 =	simm.s32 $0x0;
	s3 =	srdreg.scid  }
0x4: {  	s1 =	stileid.u32;
	s14 =	simm.s32 $0x10000;
	s15 =	simm.s32 $0x1  }
0x5: {  	s16 =	simm.s32 $0x80;
	s17 =	simm.s32 $0x2;
	s18 =	simm.s32 $0x4  }
0x6: {  	s19 =	simm.s32 $0x3;
	s20 =	simm.s32 $0x5;
	s21 =	simm.s32 $0x6  }
0x7: {  	s22 =	simm.s32 $0x0;
	[smem:$0x7FF] =	sst s2;
	s3 =	sand.u32 $0x1, s3  }
0x8: {  	s5 =	sshll.u32 s1, $0xF;
	s4 =	ssub.s32 $0x2, s3;
	s3 =	sshll.u32 s3, $0x6  }
0x9: {  	_ =	strace $0x80000047;
	s6 =	sshrl.u32 s4, $0x1;
	s9 =	sor.u32 s3, s5  }
0xa: {  	s11 =	ssub.s32 s4, s6;
	s7 =	sor.u32 $0x10, s9;
	s12 =	sor.u32 $0x20, s9  }
0xb: {  	s3 =	sadd.s32 s8, s9;
	s6 =	sadd.s32 s10, s9;
	s13 =	sor.u32 $0x30, s9  }
0xc: {  	s4 =	sadd.s32 s8, s7;
	s5 =	sadd.s32 s8, s12;
	s7 =	sadd.s32 s10, s7  }
0xd: {  	s8 =	sadd.s32 s8, s13;
	s9 =	sadd.s32 s10, s12;
	s10 =	sadd.s32 s10, s13  }
0xe: {  	v0 =	vimm.s32 $0xF;
	s11 =	smax.u32 s11, $0x1;
	s12 =	simm.s32 $0x400;
	s13 =	simm.s32 $0x8000  }
.LBB2_1:
0xf: {  	[tilespmem:s2], [sflag:$0x1] =	stream.strided.gather [hbm4b:s3+s16], $0x8000, s12, s16, $0x38;
	[tilespmem:$0x18000] =	vst v63  }
0x10: {  	_ = 	snop  }
0x11: {  	[tilespmem:s13], [sflag:$0x2] =	stream.strided.gather [hbm4b:s4+s16], $0x8000, s12, s16, $0x38;
	[tilespmem:$0x18000] =	vst v63  }
0x12: {  	_ = 	snop  }
0x13: {  	[tilespmem:s14], [sflag:$0x3] =	stream.strided.gather [hbm4b:s5+s16], $0x8000, s12, s16, $0x38;
	[tilespmem:$0x18000] =	vst v63  }
0x14: {  	_ =	swait.ge [sflag:s15], $0x8000  }
0x15: {  	[sflag:s15] =	ssyncset.done $0x0  }
0x16: {  	[sflag:s15] =	ssyncadd.s32 $0xFFFF8000  }
0x17: {  	v1 =	vld [tilespmem:s16+$0xFFFFFFA0]  }
0x18: {  	v2 =	vld [tilespmem:s16+$0xFFFFFF80]  }
0x19: {  	v3 =	vld [tilespmem:s16+$0xFFFFFF90];
	_ =	sdelay $0x1  }
0x1a: {  	v4 =	vld [tilespmem:s16+$0xFFFFFFC0]  }
0x1b: {  	s23 =	simm.s32 $0x180;
	v5 =	vld [tilespmem:s16+$0xFFFFFFD0];
	(xrf2) =	vadd.scan.msk.f32 $0xffff, v1  }
0x1c: {  	v1 =	vld [tilespmem:s23+$0xFFFFFFA0];
	(xrf2) =	vadd.scan.msk.f32 $0xffff, v2  }
0x1d: {  	v6 =	vld [tilespmem:s16+$0xFFFFFFB0];
	(xrf2) =	vadd.scan.msk.f32 $0xffff, v3;
	_ =	sdelay $0x1  }
0x1e: {  	(xrf2) =	vadd.scan.msk.f32 $0xffff, v4  }
0x1f: {  	(xrf2) =	vadd.scan.msk.f32 $0xffff, v5  }
0x20: {  	(xrf2) =	vadd.scan.msk.f32 $0xffff, v1  }
0x21: {  	(xrf2) =	vadd.scan.msk.f32 $0xffff, v6  }
0x22: {  	v1 =	vld [tilespmem:s16+$0xFFFFFFE0];
	_ =	sdelay $0x1  }
0x23: {  	v3, _, _ =	vpop (xrf2)  }
0x24: {  	v2 =	vld [tilespmem:s16+$0xFFFFFFF0];
	v4, _, _ =	vpop (xrf2)  }
0x25: {  	v6, _, _ =	vpop (xrf2)  }
0x26: {  	v5 =	vld [tilespmem:s16+$0x0];
	(xrf2) =	vadd.scan.msk.f32 $0xffff, v1;
	v8 =	vperm.xlane v4, v0;
	v1 =	vperm.xlane v6, v0  }
0x27: {  	v9 =	vld [tilespmem:s16+$0x10];
	v7, _, _ =	vpop (xrf2)  }
0x28: {  	v10, _, _ =	vpop (xrf2);
	v12 =	vadd.f32 v1, v8;
	v1 =	vimm.f32 $0.0e+00  }
0x29: {  	v11 =	vperm.xlane v3, v0;
	(xrf2) =	vadd.scan.msk.f32 $0xffff, v2;
	v2, _, _ =	vpop (xrf2);
	v8 =	vadd.f32 v8, v1  }
0x2a: {  	v13 =	vld [tilespmem:s16+$0x20];
	v14, _, _ =	vpop (xrf2)  }
0x2b: {  	v15 =	vld [tilespmem:s16+$0x50];
	(xrf2) =	vadd.scan.msk.f32 $0xffff, v5;
	v5 =	vperm.xlane v14, v0;
	v11 =	vadd.f32 v11, v12;
	v6 =	vadd.f32 v8, v6  }
0x2c: {  	(xrf2) =	vadd.scan.msk.f32 $0xffff, v9  }
0x2d: {  	v16 =	vperm.xlane v7, v0;
	v12 =	vadd.f32 v12, v1;
	v5 =	vadd.f32 v5, v11;
	[tilespmem:s16+$0xFFFFFF90] =	vst v6;
	v6 =	vld [tilespmem:s16+$0x60]  }
0x2e: {  	v4 =	vadd.f32 v4, v1;
	v11 =	vadd.f32 v11, v1  }
0x2f: {  	(xrf2) =	vadd.scan.msk.f32 $0xffff, v13;
	v9 =	vperm.xlane v10, v0;
	v3 =	vadd.f32 v12, v3;
	v16 =	vadd.f32 v16, v5  }
0x30: {  	(xrf2) =	vadd.scan.msk.f32 $0xffff, v15;
	[tilespmem:s16+$0xFFFFFF80] =	vst v4;
	v8, _, _ =	vpop (xrf2);
	v4 =	vadd.f32 v5, v1;
	v5 =	vadd.f32 v11, v14;
	v14 =	vld [tilespmem:s16+$0x70]  }
0x31: {  	v13 =	vperm.xlane v8, v0;
	v9 =	vadd.f32 v9, v16;
	v12 =	vadd.f32 v16, v1  }
0x32: {  	(xrf2) =	vadd.scan.msk.f32 $0xffff, v6  }
0x33: {  	v15 =	vld [tilespmem:s16+$0x30];
	v11, _, _ =	vpop (xrf2);
	[tilespmem:s16+$0xFFFFFFB0] =	vst v5;
	v13 =	vadd.f32 v13, v9;
	v5 =	vadd.f32 v12, v10  }
0x34: {  	[tilespmem:s16+$0xFFFFFFA0] =	vst v3;
	v3 =	vadd.f32 v4, v7;
	v7 =	vadd.f32 v9, v1;
	v9 =	vperm.xlane v11, v0  }
0x35: {  	v4, _, _ =	vpop (xrf2);
	(xrf2) =	vadd.scan.msk.f32 $0xffff, v14;
	v10 =	vadd.f32 v13, v1  }
0x36: {  	[tilespmem:s16+$0xFFFFFFC0] =	vst v3;
	v3 =	vadd.f32 v7, v8;
	v8 =	vperm.xlane v4, v0;
	v9 =	vadd.f32 v9, v13;
	v7 =	vld [tilespmem:s16+$0x40]  }
0x37: {  	[tilespmem:s16+$0xFFFFFFD0] =	vst v5;
	v5, _, _ =	vpop (xrf2)  }
0x38: {  	(xrf2) =	vadd.scan.msk.f32 $0xffff, v15;
	v10 =	vadd.f32 v10, v11;
	v17 =	vadd.f32 v8, v9;
	v63 =	vperm.xlane v5, v0  }
0x39: {  	[tilespmem:s16+$0xFFFFFFE0] =	vst v3;
	v11 =	vld [tilespmem:s23+$0xFFFFFF80];
	v8 =	vadd.f32 v9, v1;
	v6, _, _ =	vpop (xrf2)  }
0x3a: {  	s25 =	simm.s32 $0x10;
	s26 =	simm.s32 $0x280;
	s24 =	simm.s32 $0x80;
	v12 =	vld [tilespmem:s23+$0xFFFFFF90];
	[tilespmem:s16+$0xFFFFFFF0] =	vst v10;
	v3, _, _ =	vpop (xrf2);
	v13 =	vperm.xlane v6, v0;
	v9 =	vadd.f32 v17, v1;
	v10 =	vadd.f32 v63, v17  }
.LBB2_2:
0x3b: {  	v14 =	vld [tilespmem:s26+$0xFFFFFFA0];
	s25 =	sadd.s32 $0x10, s25;
	v4 =	vadd.f32 v8, v4;
	(xrf2) =	vadd.scan.msk.f32 $0xffff, v7  }
0x3c: {  	p0 =	slt.u32 s25, $0x7F0;
	v7 =	vadd.f32 v13, v10;
	v8 =	vadd.f32 v10, v1;
	v10, _, _ =	vpop (xrf2)  }
0x3d: {  	v9 =	vadd.f32 v9, v5;
	v13 =	vld [tilespmem:s23+$0xFFFFFFB0];
	[tilespmem:s24+$0x0] =	vst v4  }
0x3e: {  	(xrf2) =	vadd.scan.msk.f32 $0xffff, v11;
	v4 =	vadd.f32 v8, v6;
	v6 =	vadd.f32 v7, v1  }
0x3f: {  	v8 =	vld [tilespmem:s23+$0xFFFFFFC0];
	[tilespmem:s24+$0x10] =	vst v9;
	v5, _, _ =	vpop (xrf2)  }
0x40: {  	v9 =	vperm.xlane v3, v0;
	[tilespmem:s24+$0x20] =	vst v4  }
0x41: {  	v4 =	vld [tilespmem:s23+$0xFFFFFFD0];
	(xrf2) =	vadd.scan.msk.f32 $0xffff, v12  }
0x42: {  	v11 =	vperm.xlane v10, v0;
	v12, _, _ =	vpop (xrf2)  }
0x43: {  	v15 =	vadd.f32 v6, v12  }
0x44: {  	(xrf2) =	vadd.scan.msk.f32 $0xffff, v8;
	v8 =	vperm.xlane v12, v0  }
0x45: {  	[tilespmem:s24+$0x30] =	vst v15;
	v6, _, _ =	vpop (xrf2)  }
0x46: {  	v16 =	vperm.xlane v5, v0;
	v12 =	vld [tilespmem:s23+$0xFFFFFFE0];
	v15 =	vperm.xlane v6, v0;
	v7 =	vadd.f32 v8, v7  }
0x47: {  	(xrf2) =	vadd.scan.msk.f32 $0xffff, v4  }
0x48: {  	v4 =	vld [tilespmem:s23+$0xFFFFFFF0];
	v8, _, _ =	vpop (xrf2);
	v15 =	vadd.f32 v15, v7;
	v7 =	vadd.f32 v7, v1;
	_ =	sdelay $0x1  }
0x49: {  	(xrf2) =	vadd.scan.msk.f32 $0xffff, v14;
	v9 =	vadd.f32 v9, v15;
	v14 =	vadd.f32 v15, v1  }
0x4a: {  	v17 =	vperm.xlane v2, v0;
	v20 =	vadd.f32 v7, v6;
	v15 =	vld [tilespmem:s23+$0x0];
	v18, _, _ =	vpop (xrf2)  }
0x4b: {  	v19 =	vperm.xlane v18, v0;
	v7 =	vadd.f32 v11, v9;
	v9 =	vadd.f32 v9, v1  }
0x4c: {  	v3 =	vadd.f32 v14, v3;
	v11 =	vld [tilespmem:s23+$0x10];
	(xrf2) =	vadd.scan.msk.f32 $0xffff, v13;
	[tilespmem:s24+$0x40] =	vst v20  }
0x4d: {  	v6, _, _ =	vpop (xrf2);
	v13 =	vadd.f32 v16, v7;
	v7 =	vadd.f32 v7, v1  }
0x4e: {  	v9 =	vadd.f32 v9, v10;
	[tilespmem:s24+$0x50] =	vst v3  }
0x4f: {  	(xrf2) =	vadd.scan.msk.f32 $0xffff, v12;
	v3 =	vadd.f32 v7, v5;
	v1 =	vadd.f32 v13, v1  }
0x50: {  	v5, _, _ =	vpop (xrf2);
	[tilespmem:s24+$0x60] =	vst v9  }
0x51: {  	v9 =	vld [tilespmem:s23+$0x20];
	v7 =	vadd.f32 v8, v1;
	[tilespmem:s24+$0x70] =	vst v3;
	s24 =	smov.u32 s23;
	s23 =	smov.u32 s26  }
0x52: {  	(xrf2) =	vadd.scan.msk.f32 $0xffff, v4  }
0x53: {  	v4 =	vperm.xlane v8, v0;
	v8 =	vperm.xlane v6, v0;
	v3, _, _ =	vpop (xrf2);
	v10 =	vld [tilespmem:s24+$0x30];
	[tilespmem:s24+$0xFFFFFF80] =	vst v7;
	_ =	sdelay $0x1  }
0x54: {  	v12 =	vadd.f32 v19, v4;
	v4 =	vadd.f32 v4, v1;
	v7 =	vld [tilespmem:s24+$0x40];
	(xrf2) =	vadd.scan.msk.f32 $0xffff, v15  }
0x55: {  	v13, _, _ =	vpop (xrf2)  }
0x56: {  	v15 =	vadd.f32 v17, v12;
	v4 =	vadd.f32 v4, v18;
	v14 =	vperm.xlane v13, v0  }
0x57: {  	v16 =	vperm.xlane v5, v0;
	v12 =	vadd.f32 v12, v1;
	(xrf2) =	vadd.scan.msk.f32 $0xffff, v11  }
0x58: {  	v11 =	vld [tilespmem:s24+$0x50];
	v14 =	vadd.f32 v14, v15;
	[tilespmem:s24+$0xFFFFFF90] =	vst v4;
	v17, _, _ =	vpop (xrf2)  }
0x59: {  	v18 =	vadd.f32 v12, v2;
	v2 =	vmovc v3;
	v15 =	vadd.f32 v15, v1;
	v4 =	vperm.xlane v17, v0  }
0x5a: {  	v3 =	vadd.f32 v8, v14;
	v8 =	vadd.f32 v14, v1;
	(xrf2) =	vadd.scan.msk.f32 $0xffff, v9  }
0x5b: {  	v13 =	vadd.f32 v15, v13;
	v9 =	vld [tilespmem:s24+$0x60];
	[tilespmem:s24+$0xFFFFFFA0] =	vst v18;
	v12, _, _ =	vpop (xrf2)  }
0x5c: {  	v14 =	vadd.f32 v16, v3;
	v3 =	vadd.f32 v3, v1  }
0x5d: {  	v6 =	vadd.f32 v8, v6;
	[tilespmem:s24+$0xFFFFFFB0] =	vst v13;
	(xrf2) =	vadd.scan.msk.f32 $0xffff, v11  }
0x5e: {  	v8 =	vld [tilespmem:s24+$0x70];
	v13 =	vadd.f32 v4, v14;
	v11 =	vadd.f32 v14, v1;
	v4, _, _ =	vpop (xrf2)  }
0x5f: {  	v3 =	vadd.f32 v3, v5;
	[tilespmem:s24+$0xFFFFFFC0] =	vst v6  }
0x60: {  	v6 =	vadd.f32 v11, v17;
	v11 =	vadd.f32 v13, v1;
	(xrf2) =	vadd.scan.msk.f32 $0xffff, v9  }
0x61: {  	[tilespmem:s24+$0xFFFFFFD0] =	vst v3;
	v5, _, _ =	vpop (xrf2)  }
0x62: {  	v3 =	vperm.xlane v12, v0;
	v9 =	vadd.f32 v11, v12;
	[tilespmem:s24+$0xFFFFFFE0] =	vst v6  }
0x63: {  	v11 =	vld [tilespmem:s26+$0xFFFFFF80];
	(xrf2) =	vadd.scan.msk.f32 $0xffff, v8  }
.Ltmp0:
0x64: {  	v8 =	vperm.xlane v4, v0;
	v13 =	vadd.f32 v3, v13;
	[tilespmem:s24+$0xFFFFFFF0] =	vst v9;
	v6, _, _ =	vpop (xrf2);
	(pc) =	sbr.rel @p0 .LBB2_2-.Ltmp0, $4  }
0x65: {  	_ = 	snop  }
0x66: {  	v9 =	vperm.xlane v5, v0;
	v14 =	vadd.f32 v8, v13;
	v8 =	vadd.f32 v13, v1;
	(xrf2) =	vadd.scan.msk.f32 $0xffff, v10  }
0x67: {  	v12 =	vld [tilespmem:s26+$0xFFFFFF90];
	v3, _, _ =	vpop (xrf2)  }
0x68: {  	v13 =	vperm.xlane v6, v0;
	s26 =	sadd.s32 $0x100, s26;
	v10 =	vadd.f32 v9, v14;
	v9 =	vadd.f32 v14, v1  }
0x69: {  	(xrf2) =	vadd.scan.msk.f32 $0xffff, v7;
	_ =	sdelay $0x4  }
0x6a: {  	v7, _, _ =	vpop (xrf2)  }
0x6b: {  	v14, _, _ =	vpop (xrf2)  }
0x6c: {  	v15, _, _ =	vpop (xrf2);
	(xrf2) =	vadd.scan.msk.f32 $0xffff, v11  }
0x6d: {  	(xrf2) =	vadd.scan.msk.f32 $0xffff, v12  }
0x6e: {  	v13 =	vadd.f32 v13, v10;
	v11 =	vperm.xlane v15, v0  }
0x6f: {  	v16 =	vld [tilespmem:s23+$0xFFFFFFC0];
	v12, _, _ =	vpop (xrf2)  }
0x70: {  	v18 =	vld [tilespmem:s23+$0xFFFFFFD0];
	v11 =	vadd.f32 v11, v13;
	v17 =	vperm.xlane v12, v0  }
0x71: {  	v19 =	vld [tilespmem:s23+$0xFFFFFFB0]  }
0x72: {  	v20 =	vperm.xlane v3, v0;
	v17 =	vadd.f32 v17, v11;
	_ =	sdelay $0x1  }
0x73: {  	v21 =	vperm.xlane v7, v0;
	(xrf2) =	vadd.scan.msk.f32 $0xffff, v16;
	v20 =	vadd.f32 v20, v17  }
0x74: {  	(xrf2) =	vadd.scan.msk.f32 $0xffff, v18  }
0x75: {  	v44 =	vperm.xlane v14, v0;
	(xrf2) =	vadd.scan.msk.f32 $0xffff, v19;
	v45 =	vadd.f32 v21, v20;
	v47, _, _ =	vpop (xrf2)  }
0x76: {  	v46 =	vld [tilespmem:s23+$0xFFFFFFE0];
	v23, _, _ =	vpop (xrf2)  }
0x77: {  	v26 =	vperm.xlane v47, v0;
	v16 =	vadd.f32 v44, v45;
	v25 =	vperm.xlane v23, v0  }
0x78: {  	v22 =	vld [tilespmem:s23+$0xFFFFFFF0]  }
0x79: {  	v28 =	vperm.xlane v2, v0;
	v16 =	vadd.f32 v16, v1;
	v25 =	vadd.f32 v25, v26  }
0x7a: {  	v24 =	vld [tilespmem:s23+$0x0]  }
0x7b: {  	v27 =	vld [tilespmem:s23+$0x10];
	(xrf2) =	vadd.scan.msk.f32 $0xffff, v46;
	v48 =	vadd.f32 v28, v25;
	v25 =	vadd.f32 v25, v16  }
0x7c: {  	v29 =	vld [tilespmem:s23+$0x20]  }
0x7d: {  	v32 =	vld [tilespmem:s23+$0x50];
	(xrf2) =	vadd.scan.msk.f32 $0xffff, v22;
	v49, _, _ =	vpop (xrf2);
	v2 =	vadd.f32 v25, v2  }
0x7e: {  	v52 =	vld [tilespmem:s23+$0x60];
	v50, _, _ =	vpop (xrf2)  }
0x7f: {  	(xrf2) =	vadd.scan.msk.f32 $0xffff, v24;
	v51, _, _ =	vpop (xrf2);
	[tilespmem:s23+$0xFFFFFFA0] =	vst v2;
	v2 =	vld [tilespmem:s23+$0x70]  }
0x80: {  	v30 =	vld [tilespmem:s23+$0x30];
	v4 =	vadd.f32 v8, v4;
	(xrf2) =	vadd.scan.msk.f32 $0xffff, v27;
	v19 =	vperm.xlane v51, v0  }
0x81: {  	v8 =	vadd.f32 v10, v1;
	v5 =	vadd.f32 v9, v5;
	(xrf2) =	vadd.scan.msk.f32 $0xffff, v29  }
0x82: {  	v31 =	vld [tilespmem:s23+$0x40];
	v9 =	vadd.f32 v13, v1;
	v54 =	vperm.xlane v49, v0;
	(xrf2) =	vadd.scan.msk.f32 $0xffff, v32;
	v19 =	vadd.f32 v19, v48  }
0x83: {  	v6 =	vadd.f32 v8, v6;
	v11 =	vadd.f32 v11, v1;
	(xrf2) =	vadd.scan.msk.f32 $0xffff, v52  }
0x84: {  	v9 =	vadd.f32 v9, v15;
	v10 =	vadd.f32 v54, v19;
	(xrf2) =	vadd.scan.msk.f32 $0xffff, v2;
	v2 =	vperm.xlane v50, v0  }
0x85: {  	v17 =	vadd.f32 v17, v1;
	v11 =	vadd.f32 v11, v12;
	v13, _, _ =	vpop (xrf2);
	(xrf2) =	vadd.scan.msk.f32 $0xffff, v30  }
0x86: {  	v12 =	vadd.f32 v20, v1;
	v8 =	vperm.xlane v13, v0;
	v2 =	vadd.f32 v2, v10  }
0x87: {  	v3 =	vadd.f32 v17, v3;
	v1 =	vadd.f32 v45, v1;
	v15, _, _ =	vpop (xrf2);
	(xrf2) =	vadd.scan.msk.f32 $0xffff, v31  }
0x88: {  	[tilespmem:s24+$0x0] =	vst v4;
	v21 =	vadd.f32 v47, v16;
	v55 =	vperm.xlane v15, v0;
	v8 =	vadd.f32 v8, v2  }
0x89: {  	[tilespmem:s24+$0x10] =	vst v5;
	v4 =	vadd.f32 v12, v7;
	v26 =	vadd.f32 v26, v16;
	v56, _, _ =	vpop (xrf2)  }
0x8a: {  	v1 =	vadd.f32 v1, v14;
	[tilespmem:s23+$0xFFFFFF80] =	vst v21;
	v57, _, _ =	vpop (xrf2);
	v58 =	vperm.xlane v56, v0;
	v21 =	vadd.f32 v55, v8  }
0x8b: {  	[tilespmem:s24+$0x20] =	vst v6;
	v23 =	vadd.f32 v26, v23;
	v33 =	vadd.f32 v48, v16;
	v7, _, _ =	vpop (xrf2)  }
0x8c: {  	[tilespmem:s24+$0x30] =	vst v9;
	v5 =	vadd.f32 v19, v16;
	v12 =	vperm.xlane v57, v0;
	v60, _, _ =	vpop (xrf2);
	v59 =	vadd.f32 v58, v21  }
0x8d: {  	[tilespmem:s24+$0x40] =	vst v11;
	v53 =	vadd.f32 v33, v51;
	v6 =	vadd.f32 v10, v16;
	v10, _, _ =	vpop (xrf2)  }
0x8e: {  	[tilespmem:s24+$0x50] =	vst v3;
	v5 =	vadd.f32 v5, v49;
	v9 =	vperm.xlane v7, v0;
	v12 =	vadd.f32 v12, v59;
	v14, _, _ =	vpop (xrf2)  }
0x8f: {  	[tilespmem:s24+$0x60] =	vst v4;
	v6 =	vadd.f32 v6, v50;
	v2 =	vadd.f32 v2, v16;
	v11, _, _ =	vpop (xrf2)  }
0x90: {  	[tilespmem:s24+$0x70] =	vst v1;
	v3 =	vadd.f32 v8, v16;
	v8 =	vadd.f32 v9, v12;
	v9 =	vperm.xlane v11, v0  }
0x91: {  	[tilespmem:s23+$0xFFFFFF90] =	vst v23;
	v2 =	vadd.f32 v2, v13;
	v4 =	vadd.f32 v21, v16;
	v13, _, _ =	vpop (xrf2)  }
0x92: {  	[tilespmem:s23+$0xFFFFFFB0] =	vst v53;
	v1 =	vadd.f32 v3, v15;
	v3 =	vperm.xlane v13, v0;
	v9 =	vadd.f32 v9, v8  }
0x93: {  	[tilespmem:s23+$0xFFFFFFC0] =	vst v5;
	v5 =	vadd.f32 v59, v16;
	v4 =	vadd.f32 v4, v56  }
0x94: {  	[tilespmem:s23+$0xFFFFFFD0] =	vst v6;
	v6 =	vadd.f32 v12, v16;
	v12 =	vperm.xlane v60, v0;
	v3 =	vadd.f32 v3, v9  }
0x95: {  	[tilespmem:s23+$0xFFFFFFE0] =	vst v2;
	v2 =	vadd.f32 v5, v57;
	v5 =	vadd.f32 v8, v16  }
0x96: {  	[tilespmem:s23+$0xFFFFFFF0] =	vst v1;
	v1 =	vadd.f32 v6, v7;
	v6 =	vperm.xlane v10, v0;
	v7 =	vadd.f32 v12, v3  }
0x97: {  	[tilespmem:s23+$0x0] =	vst v4;
	v4 =	vadd.f32 v5, v11;
	v5 =	vadd.f32 v9, v16  }
0x98: {  	[tilespmem:s23+$0x10] =	vst v2;
	v2 =	vadd.f32 v3, v16;
	v3 =	vadd.f32 v6, v7  }
0x99: {  	[tilespmem:s23+$0x20] =	vst v1;
	v1 =	vadd.f32 v5, v13;
	v5 =	vadd.f32 v7, v16  }
0x9a: {  	[tilespmem:s23+$0x30] =	vst v4;
	v2 =	vadd.f32 v2, v60;
	v3 =	vadd.f32 v3, v16  }
0x9b: {  	[tilespmem:s23+$0x40] =	vst v1;
	v1 =	vadd.f32 v5, v10  }
0x9c: {  	[tilespmem:s23+$0x50] =	vst v2;
	v2 =	vadd.f32 v3, v14  }
0x9d: {  	[tilespmem:s23+$0x60] =	vst v1  }
0x9e: {  	[tilespmem:s23+$0x70] =	vst v2  }
0x9f: {  	[hbm4b:s6+s16] =	stream.strided.scatter [tilespmem:s2], [sflag:$0x4], $0x8000, s12, s16, $0x38;
	[tilespmem:$0x18000] =	vst v63  }
0xa0: {  	_ =	swait.ge [sflag:s17], $0x8000  }
0xa1: {  	[sflag:s17] =	ssyncset.done $0x0  }
0xa2: {  	s24 =	simm.s32 $0x8080;
	[sflag:s17] =	ssyncadd.s32 $0xFFFF8000  }
0xa3: {  	v1 =	vld [tilespmem:s24+$0xFFFFFFA0]  }
0xa4: {  	v2 =	vld [tilespmem:s24+$0xFFFFFF80]  }
0xa5: {  	v3 =	vld [tilespmem:s24+$0xFFFFFF90]  }
0xa6: {  	v4 =	vld [tilespmem:s24+$0xFFFFFFC0]  }
0xa7: {  	s23 =	simm.s32 $0x8180;
	v5 =	vld [tilespmem:s24+$0xFFFFFFD0]  }
0xa8: {  	(xrf2) =	vadd.scan.msk.f32 $0xffff, v1;
	v1 =	vld [tilespmem:s23+$0xFFFFFFA0]  }
0xa9: {  	v6 =	vld [tilespmem:s24+$0xFFFFFFB0];
	(xrf2) =	vadd.scan.msk.f32 $0xffff, v2  }
0xaa: {  	(xrf2) =	vadd.scan.msk.f32 $0xffff, v3  }
0xab: {  	(xrf2) =	vadd.scan.msk.f32 $0xffff, v4  }
0xac: {  	(xrf2) =	vadd.scan.msk.f32 $0xffff, v5  }
0xad: {  	(xrf2) =	vadd.scan.msk.f32 $0xffff, v1  }
0xae: {  	(xrf2) =	vadd.scan.msk.f32 $0xffff, v6  }
0xaf: {  	v1 =	vld [tilespmem:s24+$0xFFFFFFE0];
	_ =	sdelay $0x2  }
0xb0: {  	v2 =	vld [tilespmem:s24+$0xFFFFFFF0];
	v3, _, _ =	vpop (xrf2)  }
0xb1: {  	v4, _, _ =	vpop (xrf2)  }
0xb2: {  	v5 =	vld [tilespmem:s24+$0x0];
	(xrf2) =	vadd.scan.msk.f32 $0xffff, v1;
	v6, _, _ =	vpop (xrf2)  }
0xb3: {  	v10 =	vperm.xlane v4, v0;
	v7 =	vperm.xlane v6, v0;
	v9, _, _ =	vpop (xrf2)  }
0xb4: {  	v8 =	vld [tilespmem:s24+$0x10];
	v1 =	vimm.f32 $0.0e+00;
	v11, _, _ =	vpop (xrf2)  }
0xb5: {  	v12 =	vld [tilespmem:s24+$0x20];
	v13 =	vperm.xlane v3, v0;
	(xrf2) =	vadd.scan.msk.f32 $0xffff, v2;
	v4 =	vadd.f32 v4, v1;
	v2, _, _ =	vpop (xrf2);
	v7 =	vadd.f32 v7, v10  }
0xb6: {  	v10 =	vadd.f32 v10, v1;
	v15, _, _ =	vpop (xrf2)  }
0xb7: {  	(xrf2) =	vadd.scan.msk.f32 $0xffff, v5;
	[tilespmem:s24+$0xFFFFFF80] =	vst v4;
	v4 =	vperm.xlane v15, v0;
	v5 =	vadd.f32 v13, v7  }
0xb8: {  	v13 =	vld [tilespmem:s24+$0x50];
	v6 =	vadd.f32 v10, v6  }
0xb9: {  	(xrf2) =	vadd.scan.msk.f32 $0xffff, v8;
	v61 =	vperm.xlane v9, v0;
	v8 =	vadd.f32 v4, v5  }
0xba: {  	(xrf2) =	vadd.scan.msk.f32 $0xffff, v12;
	v12 =	vld [tilespmem:s24+$0x60];
	v7 =	vadd.f32 v7, v1  }
0xbb: {  	v10 =	vperm.xlane v11, v0;
	v16 =	vadd.f32 v61, v8;
	v8 =	vadd.f32 v8, v1  }
0xbc: {  	v5 =	vadd.f32 v5, v1;
	[tilespmem:s24+$0xFFFFFF90] =	vst v6;
	v3 =	vadd.f32 v7, v3;
	v6, _, _ =	vpop (xrf2)  }
0xbd: {  	(xrf2) =	vadd.scan.msk.f32 $0xffff, v13;
	v7 =	vperm.xlane v6, v0;
	v10 =	vadd.f32 v10, v16;
	v8 =	vadd.f32 v8, v9;
	v9 =	vld [tilespmem:s24+$0x70]  }
0xbe: {  	v5 =	vadd.f32 v5, v15  }
0xbf: {  	v13 =	vadd.f32 v16, v1;
	(xrf2) =	vadd.scan.msk.f32 $0xffff, v12;
	v7 =	vadd.f32 v7, v10  }
0xc0: {  	v14 =	vld [tilespmem:s24+$0x30];
	[tilespmem:s24+$0xFFFFFFA0] =	vst v3;
	v3, _, _ =	vpop (xrf2);
	v10 =	vadd.f32 v10, v1  }
0xc1: {  	[tilespmem:s24+$0xFFFFFFB0] =	vst v5;
	v15 =	vperm.xlane v3, v0;
	v11 =	vadd.f32 v13, v11;
	v13 =	vadd.f32 v7, v1  }
0xc2: {  	v5, _, _ =	vpop (xrf2);
	[tilespmem:s24+$0xFFFFFFC0] =	vst v8;
	v8 =	vadd.f32 v10, v6;
	(xrf2) =	vadd.scan.msk.f32 $0xffff, v9  }
0xc3: {  	v4 =	vld [tilespmem:s24+$0x40];
	v10 =	vperm.xlane v5, v0;
	v15 =	vadd.f32 v15, v7;
	v3 =	vadd.f32 v13, v3  }
0xc4: {  	v6, _, _ =	vpop (xrf2)  }
0xc5: {  	[tilespmem:s24+$0xFFFFFFD0] =	vst v11;
	v62 =	vperm.xlane v6, v0;
	v63 =	vadd.f32 v10, v15;
	(xrf2) =	vadd.scan.msk.f32 $0xffff, v14  }
0xc6: {  	v11 =	vld [tilespmem:s23+$0xFFFFFF80];
	[tilespmem:s24+$0xFFFFFFE0] =	vst v8;
	v7, _, _ =	vpop (xrf2);
	v8 =	vadd.f32 v15, v1  }
0xc7: {  	s25 =	simm.s32 $0x10;
	s26 =	simm.s32 $0x8280;
	v12 =	vld [tilespmem:s23+$0xFFFFFF90];
	v13 =	vperm.xlane v7, v0;
	[tilespmem:s24+$0xFFFFFFF0] =	vst v3;
	v10 =	vadd.f32 v62, v63;
	v9 =	vadd.f32 v63, v1;
	v3, _, _ =	vpop (xrf2)  }
.LBB2_4:
0xc8: {  	v14 =	vld [tilespmem:s26+$0xFFFFFFA0];
	s25 =	sadd.s32 $0x10, s25;
	v5 =	vadd.f32 v8, v5;
	(xrf2) =	vadd.scan.msk.f32 $0xffff, v4  }
0xc9: {  	p0 =	slt.u32 s25, $0x7F0;
	v4 =	vadd.f32 v13, v10;
	v8 =	vadd.f32 v10, v1;
	v10, _, _ =	vpop (xrf2)  }
0xca: {  	v9 =	vadd.f32 v9, v6;
	v13 =	vld [tilespmem:s23+$0xFFFFFFB0];
	[tilespmem:s24+$0x0] =	vst v5  }
0xcb: {  	(xrf2) =	vadd.scan.msk.f32 $0xffff, v11;
	v5 =	vadd.f32 v8, v7;
	v7 =	vadd.f32 v4, v1  }
0xcc: {  	v8 =	vld [tilespmem:s23+$0xFFFFFFC0];
	[tilespmem:s24+$0x10] =	vst v9;
	v6, _, _ =	vpop (xrf2)  }
0xcd: {  	v9 =	vperm.xlane v3, v0;
	[tilespmem:s24+$0x20] =	vst v5  }
0xce: {  	v5 =	vld [tilespmem:s23+$0xFFFFFFD0];
	(xrf2) =	vadd.scan.msk.f32 $0xffff, v12  }
0xcf: {  	v11 =	vperm.xlane v10, v0;
	v12, _, _ =	vpop (xrf2)  }
0xd0: {  	v15 =	vadd.f32 v7, v12  }
0xd1: {  	(xrf2) =	vadd.scan.msk.f32 $0xffff, v8;
	v8 =	vperm.xlane v12, v0  }
0xd2: {  	[tilespmem:s24+$0x30] =	vst v15;
	v7, _, _ =	vpop (xrf2)  }
0xd3: {  	v16 =	vperm.xlane v6, v0;
	v12 =	vld [tilespmem:s23+$0xFFFFFFE0];
	v15 =	vperm.xlane v7, v0;
	v4 =	vadd.f32 v8, v4  }
0xd4: {  	(xrf2) =	vadd.scan.msk.f32 $0xffff, v5  }
0xd5: {  	v5 =	vld [tilespmem:s23+$0xFFFFFFF0];
	v8, _, _ =	vpop (xrf2);
	v15 =	vadd.f32 v15, v4;
	v4 =	vadd.f32 v4, v1;
	_ =	sdelay $0x1  }
0xd6: {  	(xrf2) =	vadd.scan.msk.f32 $0xffff, v14;
	v9 =	vadd.f32 v9, v15;
	v14 =	vadd.f32 v15, v1  }
0xd7: {  	v17 =	vperm.xlane v2, v0;
	v4 =	vadd.f32 v4, v7;
	v15 =	vld [tilespmem:s23+$0x0];
	v18, _, _ =	vpop (xrf2)  }
0xd8: {  	v7 =	vperm.xlane v18, v0;
	v11 =	vadd.f32 v11, v9;
	v9 =	vadd.f32 v9, v1  }
0xd9: {  	v3 =	vadd.f32 v14, v3;
	v19 =	vld [tilespmem:s23+$0x10];
	(xrf2) =	vadd.scan.msk.f32 $0xffff, v13;
	[tilespmem:s24+$0x40] =	vst v4  }
0xda: {  	v13, _, _ =	vpop (xrf2);
	v4 =	vadd.f32 v16, v11;
	v11 =	vadd.f32 v11, v1  }
0xdb: {  	v9 =	vadd.f32 v9, v10;
	[tilespmem:s24+$0x50] =	vst v3  }
0xdc: {  	(xrf2) =	vadd.scan.msk.f32 $0xffff, v12;
	v3 =	vadd.f32 v11, v6;
	v1 =	vadd.f32 v4, v1  }
0xdd: {  	v6, _, _ =	vpop (xrf2);
	[tilespmem:s24+$0x60] =	vst v9  }
0xde: {  	v9 =	vld [tilespmem:s23+$0x20];
	v4 =	vadd.f32 v8, v1;
	[tilespmem:s24+$0x70] =	vst v3;
	s24 =	smov.u32 s23;
	s23 =	smov.u32 s26  }
0xdf: {  	(xrf2) =	vadd.scan.msk.f32 $0xffff, v5  }
0xe0: {  	v5 =	vperm.xlane v8, v0;
	v8 =	vperm.xlane v13, v0;
	v3, _, _ =	vpop (xrf2);
	v10 =	vld [tilespmem:s24+$0x30];
	[tilespmem:s24+$0xFFFFFF80] =	vst v4;
	_ =	sdelay $0x1  }
0xe1: {  	v7 =	vadd.f32 v7, v5;
	v5 =	vadd.f32 v5, v1;
	v4 =	vld [tilespmem:s24+$0x40];
	(xrf2) =	vadd.scan.msk.f32 $0xffff, v15  }
0xe2: {  	v11, _, _ =	vpop (xrf2)  }
0xe3: {  	v14 =	vadd.f32 v17, v7;
	v5 =	vadd.f32 v5, v18;
	v12 =	vperm.xlane v11, v0  }
0xe4: {  	v15 =	vperm.xlane v6, v0;
	v7 =	vadd.f32 v7, v1;
	(xrf2) =	vadd.scan.msk.f32 $0xffff, v19  }
0xe5: {  	v16 =	vld [tilespmem:s24+$0x50];
	v12 =	vadd.f32 v12, v14;
	[tilespmem:s24+$0xFFFFFF90] =	vst v5;
	v17, _, _ =	vpop (xrf2)  }
0xe6: {  	v18 =	vadd.f32 v7, v2;
	v2 =	vmovc v3;
	v14 =	vadd.f32 v14, v1;
	v5 =	vperm.xlane v17, v0  }
0xe7: {  	v3 =	vadd.f32 v8, v12;
	v8 =	vadd.f32 v12, v1;
	(xrf2) =	vadd.scan.msk.f32 $0xffff, v9  }
0xe8: {  	v11 =	vadd.f32 v14, v11;
	v9 =	vld [tilespmem:s24+$0x60];
	[tilespmem:s24+$0xFFFFFFA0] =	vst v18;
	v7, _, _ =	vpop (xrf2)  }
0xe9: {  	v12 =	vadd.f32 v15, v3;
	v3 =	vadd.f32 v3, v1  }
0xea: {  	v8 =	vadd.f32 v8, v13;
	[tilespmem:s24+$0xFFFFFFB0] =	vst v11;
	(xrf2) =	vadd.scan.msk.f32 $0xffff, v16  }
0xeb: {  	v13 =	vld [tilespmem:s24+$0x70];
	v14 =	vadd.f32 v5, v12;
	v11 =	vadd.f32 v12, v1;
	v5, _, _ =	vpop (xrf2)  }
0xec: {  	v3 =	vadd.f32 v3, v6;
	[tilespmem:s24+$0xFFFFFFC0] =	vst v8  }
0xed: {  	v8 =	vadd.f32 v11, v17;
	v11 =	vadd.f32 v14, v1;
	(xrf2) =	vadd.scan.msk.f32 $0xffff, v9  }
0xee: {  	[tilespmem:s24+$0xFFFFFFD0] =	vst v3;
	v6, _, _ =	vpop (xrf2)  }
0xef: {  	v3 =	vperm.xlane v7, v0;
	v9 =	vadd.f32 v11, v7;
	[tilespmem:s24+$0xFFFFFFE0] =	vst v8  }
0xf0: {  	v11 =	vld [tilespmem:s26+$0xFFFFFF80];
	(xrf2) =	vadd.scan.msk.f32 $0xffff, v13  }
.Ltmp1:
0xf1: {  	v8 =	vperm.xlane v5, v0;
	v13 =	vadd.f32 v3, v14;
	[tilespmem:s24+$0xFFFFFFF0] =	vst v9;
	v7, _, _ =	vpop (xrf2);
	(pc) =	sbr.rel @p0 .LBB2_4-.Ltmp1, $4  }
0xf2: {  	_ = 	snop  }
0xf3: {  	v9 =	vperm.xlane v6, v0;
	v14 =	vadd.f32 v8, v13;
	v8 =	vadd.f32 v13, v1;
	(xrf2) =	vadd.scan.msk.f32 $0xffff, v10  }
0xf4: {  	v12 =	vld [tilespmem:s26+$0xFFFFFF90];
	v3, _, _ =	vpop (xrf2)  }
0xf5: {  	v13 =	vperm.xlane v7, v0;
	s26 =	sadd.s32 $0x100, s26;
	v10 =	vadd.f32 v9, v14;
	v9 =	vadd.f32 v14, v1  }
0xf6: {  	(xrf2) =	vadd.scan.msk.f32 $0xffff, v4;
	_ =	sdelay $0x4  }
0xf7: {  	v4, _, _ =	vpop (xrf2)  }
0xf8: {  	v14, _, _ =	vpop (xrf2)  }
0xf9: {  	v15, _, _ =	vpop (xrf2);
	(xrf2) =	vadd.scan.msk.f32 $0xffff, v11  }
0xfa: {  	(xrf2) =	vadd.scan.msk.f32 $0xffff, v12  }
0xfb: {  	v13 =	vadd.f32 v13, v10;
	v11 =	vperm.xlane v15, v0  }
0xfc: {  	v16 =	vld [tilespmem:s23+$0xFFFFFFC0];
	v12, _, _ =	vpop (xrf2)  }
0xfd: {  	v18 =	vld [tilespmem:s23+$0xFFFFFFD0];
	v11 =	vadd.f32 v11, v13;
	v17 =	vperm.xlane v12, v0  }
0xfe: {  	v19 =	vld [tilespmem:s23+$0xFFFFFFB0]  }
0xff: {  	v20 =	vperm.xlane v3, v0;
	v17 =	vadd.f32 v17, v11;
	_ =	sdelay $0x1  }
0x100: {  	v21 =	vperm.xlane v4, v0;
	(xrf2) =	vadd.scan.msk.f32 $0xffff, v16;
	v20 =	vadd.f32 v20, v17  }
0x101: {  	(xrf2) =	vadd.scan.msk.f32 $0xffff, v18  }
0x102: {  	v44 =	vperm.xlane v14, v0;
	(xrf2) =	vadd.scan.msk.f32 $0xffff, v19;
	v45 =	vadd.f32 v21, v20;
	v47, _, _ =	vpop (xrf2)  }
0x103: {  	v46 =	vld [tilespmem:s23+$0xFFFFFFE0];
	v23, _, _ =	vpop (xrf2)  }
0x104: {  	v26 =	vperm.xlane v47, v0;
	v16 =	vadd.f32 v44, v45;
	v25 =	vperm.xlane v23, v0  }
0x105: {  	v22 =	vld [tilespmem:s23+$0xFFFFFFF0]  }
0x106: {  	v28 =	vperm.xlane v2, v0;
	v16 =	vadd.f32 v16, v1;
	v25 =	vadd.f32 v25, v26  }
0x107: {  	v24 =	vld [tilespmem:s23+$0x0]  }
0x108: {  	v27 =	vld [tilespmem:s23+$0x10];
	(xrf2) =	vadd.scan.msk.f32 $0xffff, v46;
	v48 =	vadd.f32 v28, v25;
	v25 =	vadd.f32 v25, v16  }
0x109: {  	v29 =	vld [tilespmem:s23+$0x20]  }
0x10a: {  	v32 =	vld [tilespmem:s23+$0x50];
	(xrf2) =	vadd.scan.msk.f32 $0xffff, v22;
	v49, _, _ =	vpop (xrf2);
	v2 =	vadd.f32 v25, v2  }
0x10b: {  	v52 =	vld [tilespmem:s23+$0x60];
	v50, _, _ =	vpop (xrf2)  }
0x10c: {  	(xrf2) =	vadd.scan.msk.f32 $0xffff, v24;
	v51, _, _ =	vpop (xrf2);
	[tilespmem:s23+$0xFFFFFFA0] =	vst v2;
	v2 =	vld [tilespmem:s23+$0x70]  }
0x10d: {  	v30 =	vld [tilespmem:s23+$0x30];
	v5 =	vadd.f32 v8, v5;
	(xrf2) =	vadd.scan.msk.f32 $0xffff, v27;
	v19 =	vperm.xlane v51, v0  }
0x10e: {  	v8 =	vadd.f32 v10, v1;
	v6 =	vadd.f32 v9, v6;
	(xrf2) =	vadd.scan.msk.f32 $0xffff, v29  }
0x10f: {  	v31 =	vld [tilespmem:s23+$0x40];
	v9 =	vadd.f32 v13, v1;
	v54 =	vperm.xlane v49, v0;
	(xrf2) =	vadd.scan.msk.f32 $0xffff, v32;
	v19 =	vadd.f32 v19, v48  }
0x110: {  	v7 =	vadd.f32 v8, v7;
	v11 =	vadd.f32 v11, v1;
	(xrf2) =	vadd.scan.msk.f32 $0xffff, v52  }
0x111: {  	v9 =	vadd.f32 v9, v15;
	v10 =	vadd.f32 v54, v19;
	(xrf2) =	vadd.scan.msk.f32 $0xffff, v2;
	v2 =	vperm.xlane v50, v0  }
0x112: {  	v17 =	vadd.f32 v17, v1;
	v11 =	vadd.f32 v11, v12;
	v13, _, _ =	vpop (xrf2);
	(xrf2) =	vadd.scan.msk.f32 $0xffff, v30  }
0x113: {  	v12 =	vadd.f32 v20, v1;
	v8 =	vperm.xlane v13, v0;
	v2 =	vadd.f32 v2, v10  }
0x114: {  	v3 =	vadd.f32 v17, v3;
	v1 =	vadd.f32 v45, v1;
	v15, _, _ =	vpop (xrf2);
	(xrf2) =	vadd.scan.msk.f32 $0xffff, v31  }
0x115: {  	[tilespmem:s24+$0x0] =	vst v5;
	v21 =	vadd.f32 v47, v16;
	v55 =	vperm.xlane v15, v0;
	v8 =	vadd.f32 v8, v2  }
0x116: {  	[tilespmem:s24+$0x10] =	vst v6;
	v4 =	vadd.f32 v12, v4;
	v26 =	vadd.f32 v26, v16;
	v56, _, _ =	vpop (xrf2)  }
0x117: {  	v1 =	vadd.f32 v1, v14;
	[tilespmem:s23+$0xFFFFFF80] =	vst v21;
	v57, _, _ =	vpop (xrf2);
	v58 =	vperm.xlane v56, v0;
	v21 =	vadd.f32 v55, v8  }
0x118: {  	[tilespmem:s24+$0x20] =	vst v7;
	v23 =	vadd.f32 v26, v23;
	v33 =	vadd.f32 v48, v16;
	v5, _, _ =	vpop (xrf2)  }
0x119: {  	[tilespmem:s24+$0x30] =	vst v9;
	v6 =	vadd.f32 v19, v16;
	v12 =	vperm.xlane v57, v0;
	v60, _, _ =	vpop (xrf2);
	v59 =	vadd.f32 v58, v21  }
0x11a: {  	[tilespmem:s24+$0x40] =	vst v11;
	v53 =	vadd.f32 v33, v51;
	v7 =	vadd.f32 v10, v16;
	v10, _, _ =	vpop (xrf2)  }
0x11b: {  	[tilespmem:s24+$0x50] =	vst v3;
	v6 =	vadd.f32 v6, v49;
	v9 =	vperm.xlane v5, v0;
	v12 =	vadd.f32 v12, v59;
	v14, _, _ =	vpop (xrf2)  }
0x11c: {  	[tilespmem:s24+$0x60] =	vst v4;
	v7 =	vadd.f32 v7, v50;
	v2 =	vadd.f32 v2, v16;
	v11, _, _ =	vpop (xrf2)  }
0x11d: {  	[tilespmem:s24+$0x70] =	vst v1;
	v3 =	vadd.f32 v8, v16;
	v8 =	vadd.f32 v9, v12;
	v9 =	vperm.xlane v11, v0  }
0x11e: {  	[tilespmem:s23+$0xFFFFFF90] =	vst v23;
	v2 =	vadd.f32 v2, v13;
	v4 =	vadd.f32 v21, v16;
	v13, _, _ =	vpop (xrf2)  }
0x11f: {  	[tilespmem:s23+$0xFFFFFFB0] =	vst v53;
	v1 =	vadd.f32 v3, v15;
	v3 =	vperm.xlane v13, v0;
	v9 =	vadd.f32 v9, v8  }
0x120: {  	[tilespmem:s23+$0xFFFFFFC0] =	vst v6;
	v6 =	vadd.f32 v59, v16;
	v4 =	vadd.f32 v4, v56  }
0x121: {  	[tilespmem:s23+$0xFFFFFFD0] =	vst v7;
	v7 =	vadd.f32 v12, v16;
	v12 =	vperm.xlane v60, v0;
	v3 =	vadd.f32 v3, v9  }
0x122: {  	[tilespmem:s23+$0xFFFFFFE0] =	vst v2;
	v2 =	vadd.f32 v6, v57;
	v6 =	vadd.f32 v8, v16  }
0x123: {  	[tilespmem:s23+$0xFFFFFFF0] =	vst v1;
	v1 =	vadd.f32 v7, v5;
	v5 =	vperm.xlane v10, v0;
	v7 =	vadd.f32 v12, v3  }
0x124: {  	[tilespmem:s23+$0x0] =	vst v4;
	v4 =	vadd.f32 v6, v11;
	v6 =	vadd.f32 v9, v16  }
0x125: {  	[tilespmem:s23+$0x10] =	vst v2;
	v2 =	vadd.f32 v3, v16;
	v3 =	vadd.f32 v5, v7  }
0x126: {  	[tilespmem:s23+$0x20] =	vst v1;
	v1 =	vadd.f32 v6, v13;
	v5 =	vadd.f32 v7, v16  }
0x127: {  	[tilespmem:s23+$0x30] =	vst v4;
	v2 =	vadd.f32 v2, v60;
	v3 =	vadd.f32 v3, v16  }
0x128: {  	[tilespmem:s23+$0x40] =	vst v1;
	v1 =	vadd.f32 v5, v10  }
0x129: {  	[tilespmem:s23+$0x50] =	vst v2;
	v2 =	vadd.f32 v3, v14  }
0x12a: {  	[tilespmem:s23+$0x60] =	vst v1  }
0x12b: {  	[tilespmem:s23+$0x70] =	vst v2  }
0x12c: {  	[hbm4b:s7+s16] =	stream.strided.scatter [tilespmem:s13], [sflag:$0x5], $0x8000, s12, s16, $0x38;
	[tilespmem:$0x18000] =	vst v63  }
0x12d: {  	_ =	swait.ge [sflag:s18], $0x8000  }
0x12e: {  	[sflag:s18] =	ssyncset.done $0x0  }
0x12f: {  	[sflag:s18] =	ssyncadd.s32 $0xFFFF8000  }
0x130: {  	[tilespmem:s2], [sflag:$0x1] =	stream.strided.gather [hbm4b:s8+s16], $0x8000, s12, s16, $0x38;
	[tilespmem:$0x18000] =	vst v63  }
0x131: {  	_ =	swait.ge [sflag:s19], $0x8000  }
0x132: {  	[sflag:s19] =	ssyncset.done $0x0  }
0x133: {  	s24 =	simm.s32 $0x10080;
	[sflag:s19] =	ssyncadd.s32 $0xFFFF8000  }
0x134: {  	v1 =	vld [tilespmem:s24+$0xFFFFFFA0]  }
0x135: {  	v2 =	vld [tilespmem:s24+$0xFFFFFF80]  }
0x136: {  	v3 =	vld [tilespmem:s24+$0xFFFFFF90]  }
0x137: {  	v4 =	vld [tilespmem:s24+$0xFFFFFFC0]  }
0x138: {  	s23 =	simm.s32 $0x10180;
	v5 =	vld [tilespmem:s24+$0xFFFFFFD0]  }
0x139: {  	(xrf2) =	vadd.scan.msk.f32 $0xffff, v1;
	v1 =	vld [tilespmem:s23+$0xFFFFFFA0]  }
0x13a: {  	v6 =	vld [tilespmem:s24+$0xFFFFFFB0];
	(xrf2) =	vadd.scan.msk.f32 $0xffff, v2  }
0x13b: {  	(xrf2) =	vadd.scan.msk.f32 $0xffff, v3  }
0x13c: {  	(xrf2) =	vadd.scan.msk.f32 $0xffff, v4  }
0x13d: {  	(xrf2) =	vadd.scan.msk.f32 $0xffff, v5  }
0x13e: {  	(xrf2) =	vadd.scan.msk.f32 $0xffff, v1  }
0x13f: {  	(xrf2) =	vadd.scan.msk.f32 $0xffff, v6  }
0x140: {  	v1 =	vld [tilespmem:s24+$0xFFFFFFE0];
	_ =	sdelay $0x2  }
0x141: {  	v2 =	vld [tilespmem:s24+$0xFFFFFFF0];
	v3, _, _ =	vpop (xrf2)  }
0x142: {  	v4, _, _ =	vpop (xrf2)  }
0x143: {  	v5 =	vld [tilespmem:s24+$0x0];
	(xrf2) =	vadd.scan.msk.f32 $0xffff, v1;
	v6, _, _ =	vpop (xrf2)  }
0x144: {  	v10 =	vperm.xlane v4, v0;
	v7 =	vperm.xlane v6, v0;
	v9, _, _ =	vpop (xrf2)  }
0x145: {  	v8 =	vld [tilespmem:s24+$0x10];
	v1 =	vimm.f32 $0.0e+00;
	v11, _, _ =	vpop (xrf2)  }
0x146: {  	v12 =	vld [tilespmem:s24+$0x20];
	v13 =	vperm.xlane v3, v0;
	(xrf2) =	vadd.scan.msk.f32 $0xffff, v2;
	v4 =	vadd.f32 v4, v1;
	v2, _, _ =	vpop (xrf2);
	v7 =	vadd.f32 v7, v10  }
0x147: {  	v10 =	vadd.f32 v10, v1;
	v15, _, _ =	vpop (xrf2)  }
0x148: {  	(xrf2) =	vadd.scan.msk.f32 $0xffff, v5;
	[tilespmem:s24+$0xFFFFFF80] =	vst v4;
	v4 =	vperm.xlane v15, v0;
	v5 =	vadd.f32 v13, v7  }
0x149: {  	v13 =	vld [tilespmem:s24+$0x50];
	v6 =	vadd.f32 v10, v6  }
0x14a: {  	(xrf2) =	vadd.scan.msk.f32 $0xffff, v8;
	v61 =	vperm.xlane v9, v0;
	v8 =	vadd.f32 v4, v5  }
0x14b: {  	(xrf2) =	vadd.scan.msk.f32 $0xffff, v12;
	v12 =	vld [tilespmem:s24+$0x60];
	v7 =	vadd.f32 v7, v1  }
0x14c: {  	v10 =	vperm.xlane v11, v0;
	v16 =	vadd.f32 v61, v8;
	v8 =	vadd.f32 v8, v1  }
0x14d: {  	v5 =	vadd.f32 v5, v1;
	[tilespmem:s24+$0xFFFFFF90] =	vst v6;
	v3 =	vadd.f32 v7, v3;
	v6, _, _ =	vpop (xrf2)  }
0x14e: {  	(xrf2) =	vadd.scan.msk.f32 $0xffff, v13;
	v7 =	vperm.xlane v6, v0;
	v10 =	vadd.f32 v10, v16;
	v8 =	vadd.f32 v8, v9;
	v9 =	vld [tilespmem:s24+$0x70]  }
0x14f: {  	v5 =	vadd.f32 v5, v15  }
0x150: {  	v13 =	vadd.f32 v16, v1;
	(xrf2) =	vadd.scan.msk.f32 $0xffff, v12;
	v7 =	vadd.f32 v7, v10  }
0x151: {  	v14 =	vld [tilespmem:s24+$0x30];
	[tilespmem:s24+$0xFFFFFFA0] =	vst v3;
	v3, _, _ =	vpop (xrf2);
	v10 =	vadd.f32 v10, v1  }
0x152: {  	[tilespmem:s24+$0xFFFFFFB0] =	vst v5;
	v15 =	vperm.xlane v3, v0;
	v11 =	vadd.f32 v13, v11;
	v13 =	vadd.f32 v7, v1  }
0x153: {  	v5, _, _ =	vpop (xrf2);
	[tilespmem:s24+$0xFFFFFFC0] =	vst v8;
	v8 =	vadd.f32 v10, v6;
	(xrf2) =	vadd.scan.msk.f32 $0xffff, v9  }
0x154: {  	v4 =	vld [tilespmem:s24+$0x40];
	v10 =	vperm.xlane v5, v0;
	v15 =	vadd.f32 v15, v7;
	v3 =	vadd.f32 v13, v3  }
0x155: {  	v6, _, _ =	vpop (xrf2)  }
0x156: {  	[tilespmem:s24+$0xFFFFFFD0] =	vst v11;
	v62 =	vperm.xlane v6, v0;
	v63 =	vadd.f32 v10, v15;
	(xrf2) =	vadd.scan.msk.f32 $0xffff, v14  }
0x157: {  	v11 =	vld [tilespmem:s23+$0xFFFFFF80];
	[tilespmem:s24+$0xFFFFFFE0] =	vst v8;
	v7, _, _ =	vpop (xrf2);
	v8 =	vadd.f32 v15, v1  }
0x158: {  	s25 =	simm.s32 $0x10;
	s26 =	simm.s32 $0x10280;
	v12 =	vld [tilespmem:s23+$0xFFFFFF90];
	v13 =	vperm.xlane v7, v0;
	[tilespmem:s24+$0xFFFFFFF0] =	vst v3;
	v10 =	vadd.f32 v62, v63;
	v9 =	vadd.f32 v63, v1;
	v3, _, _ =	vpop (xrf2)  }
.LBB2_6:
0x159: {  	v14 =	vld [tilespmem:s26+$0xFFFFFFA0];
	s25 =	sadd.s32 $0x10, s25;
	v5 =	vadd.f32 v8, v5;
	(xrf2) =	vadd.scan.msk.f32 $0xffff, v4  }
0x15a: {  	p0 =	slt.u32 s25, $0x7F0;
	v4 =	vadd.f32 v13, v10;
	v8 =	vadd.f32 v10, v1;
	v10, _, _ =	vpop (xrf2)  }
0x15b: {  	v9 =	vadd.f32 v9, v6;
	v13 =	vld [tilespmem:s23+$0xFFFFFFB0];
	[tilespmem:s24+$0x0] =	vst v5  }
0x15c: {  	(xrf2) =	vadd.scan.msk.f32 $0xffff, v11;
	v5 =	vadd.f32 v8, v7;
	v7 =	vadd.f32 v4, v1  }
0x15d: {  	v8 =	vld [tilespmem:s23+$0xFFFFFFC0];
	[tilespmem:s24+$0x10] =	vst v9;
	v6, _, _ =	vpop (xrf2)  }
0x15e: {  	v9 =	vperm.xlane v3, v0;
	[tilespmem:s24+$0x20] =	vst v5  }
0x15f: {  	v5 =	vld [tilespmem:s23+$0xFFFFFFD0];
	(xrf2) =	vadd.scan.msk.f32 $0xffff, v12  }
0x160: {  	v11 =	vperm.xlane v10, v0;
	v12, _, _ =	vpop (xrf2)  }
0x161: {  	v15 =	vadd.f32 v7, v12  }
0x162: {  	(xrf2) =	vadd.scan.msk.f32 $0xffff, v8;
	v8 =	vperm.xlane v12, v0  }
0x163: {  	[tilespmem:s24+$0x30] =	vst v15;
	v7, _, _ =	vpop (xrf2)  }
0x164: {  	v16 =	vperm.xlane v6, v0;
	v12 =	vld [tilespmem:s23+$0xFFFFFFE0];
	v15 =	vperm.xlane v7, v0;
	v4 =	vadd.f32 v8, v4  }
0x165: {  	(xrf2) =	vadd.scan.msk.f32 $0xffff, v5  }
0x166: {  	v5 =	vld [tilespmem:s23+$0xFFFFFFF0];
	v8, _, _ =	vpop (xrf2);
	v15 =	vadd.f32 v15, v4;
	v4 =	vadd.f32 v4, v1;
	_ =	sdelay $0x1  }
0x167: {  	(xrf2) =	vadd.scan.msk.f32 $0xffff, v14;
	v9 =	vadd.f32 v9, v15;
	v14 =	vadd.f32 v15, v1  }
0x168: {  	v17 =	vperm.xlane v2, v0;
	v4 =	vadd.f32 v4, v7;
	v15 =	vld [tilespmem:s23+$0x0];
	v18, _, _ =	vpop (xrf2)  }
0x169: {  	v7 =	vperm.xlane v18, v0;
	v11 =	vadd.f32 v11, v9;
	v9 =	vadd.f32 v9, v1  }
0x16a: {  	v3 =	vadd.f32 v14, v3;
	v19 =	vld [tilespmem:s23+$0x10];
	(xrf2) =	vadd.scan.msk.f32 $0xffff, v13;
	[tilespmem:s24+$0x40] =	vst v4  }
0x16b: {  	v13, _, _ =	vpop (xrf2);
	v4 =	vadd.f32 v16, v11;
	v11 =	vadd.f32 v11, v1  }
0x16c: {  	v9 =	vadd.f32 v9, v10;
	[tilespmem:s24+$0x50] =	vst v3  }
0x16d: {  	(xrf2) =	vadd.scan.msk.f32 $0xffff, v12;
	v3 =	vadd.f32 v11, v6;
	v1 =	vadd.f32 v4, v1  }
0x16e: {  	v6, _, _ =	vpop (xrf2);
	[tilespmem:s24+$0x60] =	vst v9  }
0x16f: {  	v9 =	vld [tilespmem:s23+$0x20];
	v4 =	vadd.f32 v8, v1;
	[tilespmem:s24+$0x70] =	vst v3;
	s24 =	smov.u32 s23;
	s23 =	smov.u32 s26  }
0x170: {  	(xrf2) =	vadd.scan.msk.f32 $0xffff, v5  }
0x171: {  	v5 =	vperm.xlane v8, v0;
	v8 =	vperm.xlane v13, v0;
	v3, _, _ =	vpop (xrf2);
	v10 =	vld [tilespmem:s24+$0x30];
	[tilespmem:s24+$0xFFFFFF80] =	vst v4;
	_ =	sdelay $0x1  }
0x172: {  	v7 =	vadd.f32 v7, v5;
	v5 =	vadd.f32 v5, v1;
	v4 =	vld [tilespmem:s24+$0x40];
	(xrf2) =	vadd.scan.msk.f32 $0xffff, v15  }
0x173: {  	v11, _, _ =	vpop (xrf2)  }
0x174: {  	v14 =	vadd.f32 v17, v7;
	v5 =	vadd.f32 v5, v18;
	v12 =	vperm.xlane v11, v0  }
0x175: {  	v15 =	vperm.xlane v6, v0;
	v7 =	vadd.f32 v7, v1;
	(xrf2) =	vadd.scan.msk.f32 $0xffff, v19  }
0x176: {  	v16 =	vld [tilespmem:s24+$0x50];
	v12 =	vadd.f32 v12, v14;
	[tilespmem:s24+$0xFFFFFF90] =	vst v5;
	v17, _, _ =	vpop (xrf2)  }
0x177: {  	v18 =	vadd.f32 v7, v2;
	v2 =	vmovc v3;
	v14 =	vadd.f32 v14, v1;
	v5 =	vperm.xlane v17, v0  }
0x178: {  	v3 =	vadd.f32 v8, v12;
	v8 =	vadd.f32 v12, v1;
	(xrf2) =	vadd.scan.msk.f32 $0xffff, v9  }
0x179: {  	v11 =	vadd.f32 v14, v11;
	v9 =	vld [tilespmem:s24+$0x60];
	[tilespmem:s24+$0xFFFFFFA0] =	vst v18;
	v7, _, _ =	vpop (xrf2)  }
0x17a: {  	v12 =	vadd.f32 v15, v3;
	v3 =	vadd.f32 v3, v1  }
0x17b: {  	v8 =	vadd.f32 v8, v13;
	[tilespmem:s24+$0xFFFFFFB0] =	vst v11;
	(xrf2) =	vadd.scan.msk.f32 $0xffff, v16  }
0x17c: {  	v13 =	vld [tilespmem:s24+$0x70];
	v14 =	vadd.f32 v5, v12;
	v11 =	vadd.f32 v12, v1;
	v5, _, _ =	vpop (xrf2)  }
0x17d: {  	v3 =	vadd.f32 v3, v6;
	[tilespmem:s24+$0xFFFFFFC0] =	vst v8  }
0x17e: {  	v8 =	vadd.f32 v11, v17;
	v11 =	vadd.f32 v14, v1;
	(xrf2) =	vadd.scan.msk.f32 $0xffff, v9  }
0x17f: {  	[tilespmem:s24+$0xFFFFFFD0] =	vst v3;
	v6, _, _ =	vpop (xrf2)  }
0x180: {  	v3 =	vperm.xlane v7, v0;
	v9 =	vadd.f32 v11, v7;
	[tilespmem:s24+$0xFFFFFFE0] =	vst v8  }
0x181: {  	v11 =	vld [tilespmem:s26+$0xFFFFFF80];
	(xrf2) =	vadd.scan.msk.f32 $0xffff, v13  }
.Ltmp2:
0x182: {  	v8 =	vperm.xlane v5, v0;
	v13 =	vadd.f32 v3, v14;
	[tilespmem:s24+$0xFFFFFFF0] =	vst v9;
	v7, _, _ =	vpop (xrf2);
	(pc) =	sbr.rel @p0 .LBB2_6-.Ltmp2, $4  }
0x183: {  	_ = 	snop  }
0x184: {  	v9 =	vperm.xlane v6, v0;
	v14 =	vadd.f32 v8, v13;
	v8 =	vadd.f32 v13, v1;
	(xrf2) =	vadd.scan.msk.f32 $0xffff, v10  }
0x185: {  	v12 =	vld [tilespmem:s26+$0xFFFFFF90];
	v3, _, _ =	vpop (xrf2)  }
0x186: {  	v13 =	vperm.xlane v7, v0;
	s26 =	sadd.s32 $0x100, s26;
	v10 =	vadd.f32 v9, v14;
	v9 =	vadd.f32 v14, v1  }
0x187: {  	(xrf2) =	vadd.scan.msk.f32 $0xffff, v4;
	_ =	sdelay $0x4  }
0x188: {  	v4, _, _ =	vpop (xrf2)  }
0x189: {  	v14, _, _ =	vpop (xrf2)  }
0x18a: {  	v15, _, _ =	vpop (xrf2);
	(xrf2) =	vadd.scan.msk.f32 $0xffff, v11  }
0x18b: {  	(xrf2) =	vadd.scan.msk.f32 $0xffff, v12  }
0x18c: {  	v13 =	vadd.f32 v13, v10;
	v11 =	vperm.xlane v15, v0  }
0x18d: {  	v16 =	vld [tilespmem:s23+$0xFFFFFFC0];
	v12, _, _ =	vpop (xrf2)  }
0x18e: {  	v18 =	vld [tilespmem:s23+$0xFFFFFFD0];
	v11 =	vadd.f32 v11, v13;
	v17 =	vperm.xlane v12, v0  }
0x18f: {  	v19 =	vld [tilespmem:s23+$0xFFFFFFB0]  }
0x190: {  	v20 =	vperm.xlane v3, v0;
	v17 =	vadd.f32 v17, v11;
	_ =	sdelay $0x1  }
0x191: {  	v21 =	vperm.xlane v4, v0;
	(xrf2) =	vadd.scan.msk.f32 $0xffff, v16;
	v20 =	vadd.f32 v20, v17  }
0x192: {  	(xrf2) =	vadd.scan.msk.f32 $0xffff, v18  }
0x193: {  	v44 =	vperm.xlane v14, v0;
	(xrf2) =	vadd.scan.msk.f32 $0xffff, v19;
	v45 =	vadd.f32 v21, v20;
	v47, _, _ =	vpop (xrf2)  }
0x194: {  	v46 =	vld [tilespmem:s23+$0xFFFFFFE0];
	v23, _, _ =	vpop (xrf2)  }
0x195: {  	v26 =	vperm.xlane v47, v0;
	v16 =	vadd.f32 v44, v45;
	v25 =	vperm.xlane v23, v0  }
0x196: {  	v22 =	vld [tilespmem:s23+$0xFFFFFFF0]  }
0x197: {  	v28 =	vperm.xlane v2, v0;
	v16 =	vadd.f32 v16, v1;
	v25 =	vadd.f32 v25, v26  }
0x198: {  	v24 =	vld [tilespmem:s23+$0x0]  }
0x199: {  	v27 =	vld [tilespmem:s23+$0x10];
	(xrf2) =	vadd.scan.msk.f32 $0xffff, v46;
	v48 =	vadd.f32 v28, v25;
	v25 =	vadd.f32 v25, v16  }
0x19a: {  	v29 =	vld [tilespmem:s23+$0x20]  }
0x19b: {  	v32 =	vld [tilespmem:s23+$0x50];
	(xrf2) =	vadd.scan.msk.f32 $0xffff, v22;
	v49, _, _ =	vpop (xrf2);
	v2 =	vadd.f32 v25, v2  }
0x19c: {  	v52 =	vld [tilespmem:s23+$0x60];
	v50, _, _ =	vpop (xrf2)  }
0x19d: {  	(xrf2) =	vadd.scan.msk.f32 $0xffff, v24;
	v51, _, _ =	vpop (xrf2);
	[tilespmem:s23+$0xFFFFFFA0] =	vst v2;
	v2 =	vld [tilespmem:s23+$0x70]  }
0x19e: {  	v30 =	vld [tilespmem:s23+$0x30];
	v5 =	vadd.f32 v8, v5;
	(xrf2) =	vadd.scan.msk.f32 $0xffff, v27;
	v19 =	vperm.xlane v51, v0  }
0x19f: {  	v8 =	vadd.f32 v10, v1;
	v6 =	vadd.f32 v9, v6;
	(xrf2) =	vadd.scan.msk.f32 $0xffff, v29  }
0x1a0: {  	v31 =	vld [tilespmem:s23+$0x40];
	v9 =	vadd.f32 v13, v1;
	v54 =	vperm.xlane v49, v0;
	(xrf2) =	vadd.scan.msk.f32 $0xffff, v32;
	v19 =	vadd.f32 v19, v48  }
0x1a1: {  	v7 =	vadd.f32 v8, v7;
	v11 =	vadd.f32 v11, v1;
	(xrf2) =	vadd.scan.msk.f32 $0xffff, v52  }
0x1a2: {  	v9 =	vadd.f32 v9, v15;
	v10 =	vadd.f32 v54, v19;
	(xrf2) =	vadd.scan.msk.f32 $0xffff, v2;
	v2 =	vperm.xlane v50, v0  }
0x1a3: {  	v17 =	vadd.f32 v17, v1;
	v11 =	vadd.f32 v11, v12;
	v13, _, _ =	vpop (xrf2);
	(xrf2) =	vadd.scan.msk.f32 $0xffff, v30  }
0x1a4: {  	v12 =	vadd.f32 v20, v1;
	v8 =	vperm.xlane v13, v0;
	v2 =	vadd.f32 v2, v10  }
0x1a5: {  	v3 =	vadd.f32 v17, v3;
	v1 =	vadd.f32 v45, v1;
	v15, _, _ =	vpop (xrf2);
	(xrf2) =	vadd.scan.msk.f32 $0xffff, v31  }
0x1a6: {  	[tilespmem:s24+$0x0] =	vst v5;
	v21 =	vadd.f32 v47, v16;
	v55 =	vperm.xlane v15, v0;
	v8 =	vadd.f32 v8, v2  }
0x1a7: {  	[tilespmem:s24+$0x10] =	vst v6;
	v4 =	vadd.f32 v12, v4;
	v26 =	vadd.f32 v26, v16;
	v56, _, _ =	vpop (xrf2)  }
0x1a8: {  	v1 =	vadd.f32 v1, v14;
	[tilespmem:s23+$0xFFFFFF80] =	vst v21;
	v57, _, _ =	vpop (xrf2);
	v58 =	vperm.xlane v56, v0;
	v21 =	vadd.f32 v55, v8  }
0x1a9: {  	[tilespmem:s24+$0x20] =	vst v7;
	v23 =	vadd.f32 v26, v23;
	v33 =	vadd.f32 v48, v16;
	v5, _, _ =	vpop (xrf2)  }
0x1aa: {  	[tilespmem:s24+$0x30] =	vst v9;
	v6 =	vadd.f32 v19, v16;
	v12 =	vperm.xlane v57, v0;
	v60, _, _ =	vpop (xrf2);
	v59 =	vadd.f32 v58, v21  }
0x1ab: {  	[tilespmem:s24+$0x40] =	vst v11;
	v53 =	vadd.f32 v33, v51;
	v7 =	vadd.f32 v10, v16;
	v10, _, _ =	vpop (xrf2)  }
0x1ac: {  	[tilespmem:s24+$0x50] =	vst v3;
	v6 =	vadd.f32 v6, v49;
	v9 =	vperm.xlane v5, v0;
	v12 =	vadd.f32 v12, v59;
	v14, _, _ =	vpop (xrf2)  }
0x1ad: {  	[tilespmem:s24+$0x60] =	vst v4;
	v7 =	vadd.f32 v7, v50;
	v2 =	vadd.f32 v2, v16;
	v11, _, _ =	vpop (xrf2)  }
0x1ae: {  	[tilespmem:s24+$0x70] =	vst v1;
	v3 =	vadd.f32 v8, v16;
	v8 =	vadd.f32 v9, v12;
	v9 =	vperm.xlane v11, v0  }
0x1af: {  	[tilespmem:s23+$0xFFFFFF90] =	vst v23;
	v2 =	vadd.f32 v2, v13;
	v4 =	vadd.f32 v21, v16;
	v13, _, _ =	vpop (xrf2)  }
0x1b0: {  	[tilespmem:s23+$0xFFFFFFB0] =	vst v53;
	v1 =	vadd.f32 v3, v15;
	v3 =	vperm.xlane v13, v0;
	v9 =	vadd.f32 v9, v8  }
0x1b1: {  	[tilespmem:s23+$0xFFFFFFC0] =	vst v6;
	v6 =	vadd.f32 v59, v16;
	v4 =	vadd.f32 v4, v56  }
0x1b2: {  	[tilespmem:s23+$0xFFFFFFD0] =	vst v7;
	v7 =	vadd.f32 v12, v16;
	v12 =	vperm.xlane v60, v0;
	v3 =	vadd.f32 v3, v9  }
0x1b3: {  	[tilespmem:s23+$0xFFFFFFE0] =	vst v2;
	v2 =	vadd.f32 v6, v57;
	v6 =	vadd.f32 v8, v16  }
0x1b4: {  	[tilespmem:s23+$0xFFFFFFF0] =	vst v1;
	v1 =	vadd.f32 v7, v5;
	v5 =	vperm.xlane v10, v0;
	v7 =	vadd.f32 v12, v3  }
0x1b5: {  	[tilespmem:s23+$0x0] =	vst v4;
	v4 =	vadd.f32 v6, v11;
	v6 =	vadd.f32 v9, v16  }
0x1b6: {  	[tilespmem:s23+$0x10] =	vst v2;
	v2 =	vadd.f32 v3, v16;
	v3 =	vadd.f32 v5, v7  }
0x1b7: {  	[tilespmem:s23+$0x20] =	vst v1;
	v1 =	vadd.f32 v6, v13;
	v5 =	vadd.f32 v7, v16  }
0x1b8: {  	[tilespmem:s23+$0x30] =	vst v4;
	v2 =	vadd.f32 v2, v60;
	v3 =	vadd.f32 v3, v16  }
0x1b9: {  	[tilespmem:s23+$0x40] =	vst v1;
	v1 =	vadd.f32 v5, v10  }
0x1ba: {  	[tilespmem:s23+$0x50] =	vst v2;
	v2 =	vadd.f32 v3, v14  }
0x1bb: {  	[tilespmem:s23+$0x60] =	vst v1  }
0x1bc: {  	s24 =	simm.s32 $0x80;
	[tilespmem:s23+$0x70] =	vst v2  }
0x1bd: {  	[hbm4b:s9+s24] =	stream.strided.scatter [tilespmem:s14], [sflag:$0x6], $0x8000, s12, s24, $0x38;
	[tilespmem:$0x18000] =	vst v63  }
0x1be: {  	_ =	swait.ge [sflag:s15], $0x8000  }
0x1bf: {  	[sflag:s15] =	ssyncset.done $0x0  }
0x1c0: {  	[sflag:s15] =	ssyncadd.s32 $0xFFFF8000  }
0x1c1: {  	v1 =	vld [tilespmem:s24+$0xFFFFFFA0]  }
0x1c2: {  	v2 =	vld [tilespmem:s24+$0xFFFFFF80]  }
0x1c3: {  	v3 =	vld [tilespmem:s24+$0xFFFFFF90]  }
0x1c4: {  	v4 =	vld [tilespmem:s24+$0xFFFFFFC0]  }
0x1c5: {  	s23 =	simm.s32 $0x180;
	v5 =	vld [tilespmem:s24+$0xFFFFFFD0]  }
0x1c6: {  	(xrf2) =	vadd.scan.msk.f32 $0xffff, v1;
	v1 =	vld [tilespmem:s23+$0xFFFFFFA0]  }
0x1c7: {  	v6 =	vld [tilespmem:s24+$0xFFFFFFB0];
	(xrf2) =	vadd.scan.msk.f32 $0xffff, v2  }
0x1c8: {  	(xrf2) =	vadd.scan.msk.f32 $0xffff, v3  }
0x1c9: {  	(xrf2) =	vadd.scan.msk.f32 $0xffff, v4  }
0x1ca: {  	(xrf2) =	vadd.scan.msk.f32 $0xffff, v5  }
0x1cb: {  	(xrf2) =	vadd.scan.msk.f32 $0xffff, v1  }
0x1cc: {  	(xrf2) =	vadd.scan.msk.f32 $0xffff, v6  }
0x1cd: {  	v1 =	vld [tilespmem:s24+$0xFFFFFFE0];
	_ =	sdelay $0x2  }
0x1ce: {  	v2 =	vld [tilespmem:s24+$0xFFFFFFF0];
	v3, _, _ =	vpop (xrf2)  }
0x1cf: {  	v4, _, _ =	vpop (xrf2)  }
0x1d0: {  	v5 =	vld [tilespmem:s24+$0x0];
	(xrf2) =	vadd.scan.msk.f32 $0xffff, v1;
	v6, _, _ =	vpop (xrf2)  }
0x1d1: {  	v10 =	vperm.xlane v4, v0;
	v7 =	vperm.xlane v6, v0;
	v9, _, _ =	vpop (xrf2)  }
0x1d2: {  	v8 =	vld [tilespmem:s24+$0x10];
	v1 =	vimm.f32 $0.0e+00;
	v11, _, _ =	vpop (xrf2)  }
0x1d3: {  	v12 =	vld [tilespmem:s24+$0x20];
	v13 =	vperm.xlane v3, v0;
	(xrf2) =	vadd.scan.msk.f32 $0xffff, v2;
	v4 =	vadd.f32 v4, v1;
	v2, _, _ =	vpop (xrf2);
	v7 =	vadd.f32 v7, v10  }
0x1d4: {  	v10 =	vadd.f32 v10, v1;
	v15, _, _ =	vpop (xrf2)  }
0x1d5: {  	(xrf2) =	vadd.scan.msk.f32 $0xffff, v5;
	[tilespmem:s24+$0xFFFFFF80] =	vst v4;
	v4 =	vperm.xlane v15, v0;
	v5 =	vadd.f32 v13, v7  }
0x1d6: {  	v13 =	vld [tilespmem:s24+$0x50];
	v6 =	vadd.f32 v10, v6  }
0x1d7: {  	(xrf2) =	vadd.scan.msk.f32 $0xffff, v8;
	v61 =	vperm.xlane v9, v0;
	v8 =	vadd.f32 v4, v5  }
0x1d8: {  	(xrf2) =	vadd.scan.msk.f32 $0xffff, v12;
	v12 =	vld [tilespmem:s24+$0x60];
	v7 =	vadd.f32 v7, v1  }
0x1d9: {  	v10 =	vperm.xlane v11, v0;
	v16 =	vadd.f32 v61, v8;
	v8 =	vadd.f32 v8, v1  }
0x1da: {  	v5 =	vadd.f32 v5, v1;
	[tilespmem:s24+$0xFFFFFF90] =	vst v6;
	v3 =	vadd.f32 v7, v3;
	v6, _, _ =	vpop (xrf2)  }
0x1db: {  	(xrf2) =	vadd.scan.msk.f32 $0xffff, v13;
	v7 =	vperm.xlane v6, v0;
	v10 =	vadd.f32 v10, v16;
	v8 =	vadd.f32 v8, v9;
	v9 =	vld [tilespmem:s24+$0x70]  }
0x1dc: {  	v5 =	vadd.f32 v5, v15  }
0x1dd: {  	v13 =	vadd.f32 v16, v1;
	(xrf2) =	vadd.scan.msk.f32 $0xffff, v12;
	v7 =	vadd.f32 v7, v10  }
0x1de: {  	v14 =	vld [tilespmem:s24+$0x30];
	[tilespmem:s24+$0xFFFFFFA0] =	vst v3;
	v3, _, _ =	vpop (xrf2);
	v10 =	vadd.f32 v10, v1  }
0x1df: {  	[tilespmem:s24+$0xFFFFFFB0] =	vst v5;
	v15 =	vperm.xlane v3, v0;
	v11 =	vadd.f32 v13, v11;
	v13 =	vadd.f32 v7, v1  }
0x1e0: {  	v5, _, _ =	vpop (xrf2);
	[tilespmem:s24+$0xFFFFFFC0] =	vst v8;
	v8 =	vadd.f32 v10, v6;
	(xrf2) =	vadd.scan.msk.f32 $0xffff, v9  }
0x1e1: {  	v4 =	vld [tilespmem:s24+$0x40];
	v10 =	vperm.xlane v5, v0;
	v15 =	vadd.f32 v15, v7;
	v3 =	vadd.f32 v13, v3  }
0x1e2: {  	v6, _, _ =	vpop (xrf2)  }
0x1e3: {  	[tilespmem:s24+$0xFFFFFFD0] =	vst v11;
	v62 =	vperm.xlane v6, v0;
	v63 =	vadd.f32 v10, v15;
	(xrf2) =	vadd.scan.msk.f32 $0xffff, v14  }
0x1e4: {  	v11 =	vld [tilespmem:s23+$0xFFFFFF80];
	[tilespmem:s24+$0xFFFFFFE0] =	vst v8;
	v7, _, _ =	vpop (xrf2);
	v8 =	vadd.f32 v15, v1  }
0x1e5: {  	s25 =	simm.s32 $0x10;
	s26 =	simm.s32 $0x280;
	v12 =	vld [tilespmem:s23+$0xFFFFFF90];
	v13 =	vperm.xlane v7, v0;
	[tilespmem:s24+$0xFFFFFFF0] =	vst v3;
	v10 =	vadd.f32 v62, v63;
	v9 =	vadd.f32 v63, v1;
	v3, _, _ =	vpop (xrf2)  }
.LBB2_8:
0x1e6: {  	v14 =	vld [tilespmem:s26+$0xFFFFFFA0];
	s25 =	sadd.s32 $0x10, s25;
	v5 =	vadd.f32 v8, v5;
	(xrf2) =	vadd.scan.msk.f32 $0xffff, v4  }
0x1e7: {  	p0 =	slt.u32 s25, $0x7F0;
	v4 =	vadd.f32 v13, v10;
	v8 =	vadd.f32 v10, v1;
	v10, _, _ =	vpop (xrf2)  }
0x1e8: {  	v9 =	vadd.f32 v9, v6;
	v13 =	vld [tilespmem:s23+$0xFFFFFFB0];
	[tilespmem:s24+$0x0] =	vst v5  }
0x1e9: {  	(xrf2) =	vadd.scan.msk.f32 $0xffff, v11;
	v5 =	vadd.f32 v8, v7;
	v7 =	vadd.f32 v4, v1  }
0x1ea: {  	v8 =	vld [tilespmem:s23+$0xFFFFFFC0];
	[tilespmem:s24+$0x10] =	vst v9;
	v6, _, _ =	vpop (xrf2)  }
0x1eb: {  	v9 =	vperm.xlane v3, v0;
	[tilespmem:s24+$0x20] =	vst v5  }
0x1ec: {  	v5 =	vld [tilespmem:s23+$0xFFFFFFD0];
	(xrf2) =	vadd.scan.msk.f32 $0xffff, v12  }
0x1ed: {  	v11 =	vperm.xlane v10, v0;
	v12, _, _ =	vpop (xrf2)  }
0x1ee: {  	v15 =	vadd.f32 v7, v12  }
0x1ef: {  	(xrf2) =	vadd.scan.msk.f32 $0xffff, v8;
	v8 =	vperm.xlane v12, v0  }
0x1f0: {  	[tilespmem:s24+$0x30] =	vst v15;
	v7, _, _ =	vpop (xrf2)  }
0x1f1: {  	v16 =	vperm.xlane v6, v0;
	v12 =	vld [tilespmem:s23+$0xFFFFFFE0];
	v15 =	vperm.xlane v7, v0;
	v4 =	vadd.f32 v8, v4  }
0x1f2: {  	(xrf2) =	vadd.scan.msk.f32 $0xffff, v5  }
0x1f3: {  	v5 =	vld [tilespmem:s23+$0xFFFFFFF0];
	v8, _, _ =	vpop (xrf2);
	v15 =	vadd.f32 v15, v4;
	v4 =	vadd.f32 v4, v1;
	_ =	sdelay $0x1  }
0x1f4: {  	(xrf2) =	vadd.scan.msk.f32 $0xffff, v14;
	v9 =	vadd.f32 v9, v15;
	v14 =	vadd.f32 v15, v1  }
0x1f5: {  	v17 =	vperm.xlane v2, v0;
	v4 =	vadd.f32 v4, v7;
	v15 =	vld [tilespmem:s23+$0x0];
	v18, _, _ =	vpop (xrf2)  }
0x1f6: {  	v7 =	vperm.xlane v18, v0;
	v11 =	vadd.f32 v11, v9;
	v9 =	vadd.f32 v9, v1  }
0x1f7: {  	v3 =	vadd.f32 v14, v3;
	v19 =	vld [tilespmem:s23+$0x10];
	(xrf2) =	vadd.scan.msk.f32 $0xffff, v13;
	[tilespmem:s24+$0x40] =	vst v4  }
0x1f8: {  	v13, _, _ =	vpop (xrf2);
	v4 =	vadd.f32 v16, v11;
	v11 =	vadd.f32 v11, v1  }
0x1f9: {  	v9 =	vadd.f32 v9, v10;
	[tilespmem:s24+$0x50] =	vst v3  }
0x1fa: {  	(xrf2) =	vadd.scan.msk.f32 $0xffff, v12;
	v3 =	vadd.f32 v11, v6;
	v1 =	vadd.f32 v4, v1  }
0x1fb: {  	v6, _, _ =	vpop (xrf2);
	[tilespmem:s24+$0x60] =	vst v9  }
0x1fc: {  	v9 =	vld [tilespmem:s23+$0x20];
	v4 =	vadd.f32 v8, v1;
	[tilespmem:s24+$0x70] =	vst v3;
	s24 =	smov.u32 s23;
	s23 =	smov.u32 s26  }
0x1fd: {  	(xrf2) =	vadd.scan.msk.f32 $0xffff, v5  }
0x1fe: {  	v5 =	vperm.xlane v8, v0;
	v8 =	vperm.xlane v13, v0;
	v3, _, _ =	vpop (xrf2);
	v10 =	vld [tilespmem:s24+$0x30];
	[tilespmem:s24+$0xFFFFFF80] =	vst v4;
	_ =	sdelay $0x1  }
0x1ff: {  	v7 =	vadd.f32 v7, v5;
	v5 =	vadd.f32 v5, v1;
	v4 =	vld [tilespmem:s24+$0x40];
	(xrf2) =	vadd.scan.msk.f32 $0xffff, v15  }
0x200: {  	v11, _, _ =	vpop (xrf2)  }
0x201: {  	v14 =	vadd.f32 v17, v7;
	v5 =	vadd.f32 v5, v18;
	v12 =	vperm.xlane v11, v0  }
0x202: {  	v15 =	vperm.xlane v6, v0;
	v7 =	vadd.f32 v7, v1;
	(xrf2) =	vadd.scan.msk.f32 $0xffff, v19  }
0x203: {  	v16 =	vld [tilespmem:s24+$0x50];
	v12 =	vadd.f32 v12, v14;
	[tilespmem:s24+$0xFFFFFF90] =	vst v5;
	v17, _, _ =	vpop (xrf2)  }
0x204: {  	v18 =	vadd.f32 v7, v2;
	v2 =	vmovc v3;
	v14 =	vadd.f32 v14, v1;
	v5 =	vperm.xlane v17, v0  }
0x205: {  	v3 =	vadd.f32 v8, v12;
	v8 =	vadd.f32 v12, v1;
	(xrf2) =	vadd.scan.msk.f32 $0xffff, v9  }
0x206: {  	v11 =	vadd.f32 v14, v11;
	v9 =	vld [tilespmem:s24+$0x60];
	[tilespmem:s24+$0xFFFFFFA0] =	vst v18;
	v7, _, _ =	vpop (xrf2)  }
0x207: {  	v12 =	vadd.f32 v15, v3;
	v3 =	vadd.f32 v3, v1  }
0x208: {  	v8 =	vadd.f32 v8, v13;
	[tilespmem:s24+$0xFFFFFFB0] =	vst v11;
	(xrf2) =	vadd.scan.msk.f32 $0xffff, v16  }
0x209: {  	v13 =	vld [tilespmem:s24+$0x70];
	v14 =	vadd.f32 v5, v12;
	v11 =	vadd.f32 v12, v1;
	v5, _, _ =	vpop (xrf2)  }
0x20a: {  	v3 =	vadd.f32 v3, v6;
	[tilespmem:s24+$0xFFFFFFC0] =	vst v8  }
0x20b: {  	v8 =	vadd.f32 v11, v17;
	v11 =	vadd.f32 v14, v1;
	(xrf2) =	vadd.scan.msk.f32 $0xffff, v9  }
0x20c: {  	[tilespmem:s24+$0xFFFFFFD0] =	vst v3;
	v6, _, _ =	vpop (xrf2)  }
0x20d: {  	v3 =	vperm.xlane v7, v0;
	v9 =	vadd.f32 v11, v7;
	[tilespmem:s24+$0xFFFFFFE0] =	vst v8  }
0x20e: {  	v11 =	vld [tilespmem:s26+$0xFFFFFF80];
	(xrf2) =	vadd.scan.msk.f32 $0xffff, v13  }
.Ltmp3:
0x20f: {  	v8 =	vperm.xlane v5, v0;
	v13 =	vadd.f32 v3, v14;
	[tilespmem:s24+$0xFFFFFFF0] =	vst v9;
	v7, _, _ =	vpop (xrf2);
	(pc) =	sbr.rel @p0 .LBB2_8-.Ltmp3, $4  }
0x210: {  	_ = 	snop  }
0x211: {  	v9 =	vperm.xlane v6, v0;
	v14 =	vadd.f32 v8, v13;
	v8 =	vadd.f32 v13, v1;
	(xrf2) =	vadd.scan.msk.f32 $0xffff, v10  }
0x212: {  	v12 =	vld [tilespmem:s26+$0xFFFFFF90];
	v3, _, _ =	vpop (xrf2)  }
0x213: {  	v13 =	vperm.xlane v7, v0;
	s26 =	sadd.s32 $0x100, s26;
	v10 =	vadd.f32 v9, v14;
	v9 =	vadd.f32 v14, v1  }
0x214: {  	(xrf2) =	vadd.scan.msk.f32 $0xffff, v4;
	_ =	sdelay $0x4  }
0x215: {  	v51, _, _ =	vpop (xrf2)  }
0x216: {  	v14, _, _ =	vpop (xrf2)  }
0x217: {  	v15, _, _ =	vpop (xrf2);
	(xrf2) =	vadd.scan.msk.f32 $0xffff, v11  }
0x218: {  	(xrf2) =	vadd.scan.msk.f32 $0xffff, v12  }
0x219: {  	v13 =	vadd.f32 v13, v10;
	v52 =	vperm.xlane v15, v0  }
0x21a: {  	v16 =	vld [tilespmem:s23+$0xFFFFFFC0];
	v53, _, _ =	vpop (xrf2)  }
0x21b: {  	v18 =	vld [tilespmem:s23+$0xFFFFFFD0];
	v11 =	vadd.f32 v52, v13;
	v17 =	vperm.xlane v53, v0  }
0x21c: {  	v19 =	vld [tilespmem:s23+$0xFFFFFFB0]  }
0x21d: {  	v20 =	vperm.xlane v3, v0;
	v17 =	vadd.f32 v17, v11;
	_ =	sdelay $0x1  }
0x21e: {  	v21 =	vperm.xlane v51, v0;
	(xrf2) =	vadd.scan.msk.f32 $0xffff, v16;
	v20 =	vadd.f32 v20, v17  }
0x21f: {  	(xrf2) =	vadd.scan.msk.f32 $0xffff, v18  }
0x220: {  	v54 =	vperm.xlane v14, v0;
	(xrf2) =	vadd.scan.msk.f32 $0xffff, v19;
	v55 =	vadd.f32 v21, v20;
	v57, _, _ =	vpop (xrf2)  }
0x221: {  	v56 =	vld [tilespmem:s23+$0xFFFFFFE0];
	v23, _, _ =	vpop (xrf2)  }
0x222: {  	v26 =	vperm.xlane v57, v0;
	v16 =	vadd.f32 v54, v55;
	v25 =	vperm.xlane v23, v0  }
0x223: {  	v22 =	vld [tilespmem:s23+$0xFFFFFFF0]  }
0x224: {  	v28 =	vperm.xlane v2, v0;
	v16 =	vadd.f32 v16, v1;
	v25 =	vadd.f32 v25, v26  }
0x225: {  	v24 =	vld [tilespmem:s23+$0x0]  }
0x226: {  	v27 =	vld [tilespmem:s23+$0x10];
	(xrf2) =	vadd.scan.msk.f32 $0xffff, v56;
	v58 =	vadd.f32 v28, v25;
	v25 =	vadd.f32 v25, v16  }
0x227: {  	v29 =	vld [tilespmem:s23+$0x20]  }
0x228: {  	v32 =	vld [tilespmem:s23+$0x50];
	(xrf2) =	vadd.scan.msk.f32 $0xffff, v22;
	v59, _, _ =	vpop (xrf2);
	v2 =	vadd.f32 v25, v2  }
0x229: {  	v62 =	vld [tilespmem:s23+$0x60];
	v60, _, _ =	vpop (xrf2)  }
0x22a: {  	(xrf2) =	vadd.scan.msk.f32 $0xffff, v24;
	v61, _, _ =	vpop (xrf2);
	[tilespmem:s23+$0xFFFFFFA0] =	vst v2;
	v2 =	vld [tilespmem:s23+$0x70]  }
0x22b: {  	v30 =	vld [tilespmem:s23+$0x30];
	v5 =	vadd.f32 v8, v5;
	(xrf2) =	vadd.scan.msk.f32 $0xffff, v27;
	v19 =	vperm.xlane v61, v0;
	v33 =	vadd.f32 v58, v16  }
0x22c: {  	v34 =	vadd.f32 v10, v1;
	(xrf2) =	vadd.scan.msk.f32 $0xffff, v29;
	v21 =	vadd.f32 v57, v16  }
0x22d: {  	v31 =	vld [tilespmem:s23+$0x40];
	(xrf2) =	vadd.scan.msk.f32 $0xffff, v32;
	v19 =	vadd.f32 v19, v58;
	v63 =	vadd.f32 v33, v61;
	v33 =	vperm.xlane v59, v0  }
0x22e: {  	v36 =	vadd.f32 v13, v1;
	v11 =	vadd.f32 v11, v1;
	(xrf2) =	vadd.scan.msk.f32 $0xffff, v62  }
0x22f: {  	v35 =	vperm.xlane v60, v0;
	[tilespmem:s23+$0xFFFFFF80] =	vst v21;
	v21 =	vadd.f32 v33, v19;
	(xrf2) =	vadd.scan.msk.f32 $0xffff, v2  }
0x230: {  	v7 =	vadd.f32 v34, v7;
	v40 =	vadd.f32 v17, v1;
	v37, _, _ =	vpop (xrf2);
	(xrf2) =	vadd.scan.msk.f32 $0xffff, v30  }
0x231: {  	v11 =	vadd.f32 v11, v53;
	v38 =	vperm.xlane v37, v0;
	v10 =	vadd.f32 v35, v21  }
0x232: {  	v43 =	vadd.f32 v20, v1;
	v3 =	vadd.f32 v40, v3;
	v39, _, _ =	vpop (xrf2);
	(xrf2) =	vadd.scan.msk.f32 $0xffff, v31  }
0x233: {  	v1 =	vadd.f32 v55, v1;
	v41 =	vperm.xlane v39, v0;
	v8 =	vadd.f32 v38, v10  }
0x234: {  	[tilespmem:s24+$0x0] =	vst v5;
	v4 =	vadd.f32 v43, v51;
	v26 =	vadd.f32 v26, v16;
	v42, _, _ =	vpop (xrf2)  }
0x235: {  	[tilespmem:s24+$0x20] =	vst v7;
	v1 =	vadd.f32 v1, v14;
	v44, _, _ =	vpop (xrf2);
	v45 =	vperm.xlane v42, v0;
	v17 =	vadd.f32 v41, v8  }
0x236: {  	[tilespmem:s24+$0x40] =	vst v11;
	v46, _, _ =	vpop (xrf2);
	v49 =	vadd.f32 v21, v16;
	v2 =	vadd.f32 v9, v6  }
0x237: {  	[tilespmem:s24+$0x50] =	vst v3;
	v48 =	vperm.xlane v44, v0;
	v6 =	vadd.f32 v36, v15;
	v47, _, _ =	vpop (xrf2);
	v15 =	vadd.f32 v45, v17  }
0x238: {  	[tilespmem:s24+$0x60] =	vst v4;
	v23 =	vadd.f32 v26, v23;
	v50, _, _ =	vpop (xrf2);
	v10 =	vadd.f32 v10, v16  }
0x239: {  	[tilespmem:s24+$0x70] =	vst v1;
	v51 =	vperm.xlane v46, v0;
	v7 =	vadd.f32 v49, v60;
	v12 =	vadd.f32 v48, v15;
	v52, _, _ =	vpop (xrf2)  }
0x23a: {  	[tilespmem:s24+$0x10] =	vst v2;
	v2 =	vadd.f32 v19, v16;
	v3 =	vadd.f32 v8, v16;
	v53, _, _ =	vpop (xrf2)  }
0x23b: {  	[tilespmem:s24+$0x30] =	vst v6;
	v55 =	vadd.f32 v10, v37;
	v6 =	vadd.f32 v51, v12;
	v54 =	vperm.xlane v53, v0  }
0x23c: {  	[tilespmem:s23+$0xFFFFFF90] =	vst v23;
	v2 =	vadd.f32 v2, v59;
	v56 =	vadd.f32 v17, v16;
	v57, _, _ =	vpop (xrf2)  }
0x23d: {  	[tilespmem:s23+$0xFFFFFFB0] =	vst v63;
	v1 =	vadd.f32 v3, v39;
	v3 =	vperm.xlane v57, v0;
	v8 =	vadd.f32 v54, v6  }
0x23e: {  	[tilespmem:s23+$0xFFFFFFC0] =	vst v2;
	v2 =	vadd.f32 v15, v16;
	v9 =	vadd.f32 v56, v42  }
0x23f: {  	[tilespmem:s23+$0xFFFFFFD0] =	vst v7;
	v59 =	vperm.xlane v47, v0;
	v58 =	vadd.f32 v12, v16;
	v3 =	vadd.f32 v3, v8  }
0x240: {  	[tilespmem:s23+$0xFFFFFFE0] =	vst v55;
	v2 =	vadd.f32 v2, v44;
	v60 =	vadd.f32 v6, v16  }
0x241: {  	v61 =	vperm.xlane v50, v0;
	[tilespmem:s23+$0xFFFFFFF0] =	vst v1;
	v1 =	vadd.f32 v58, v46;
	v62 =	vadd.f32 v59, v3  }
0x242: {  	[tilespmem:s23+$0x0] =	vst v9;
	v4 =	vadd.f32 v60, v53;
	v8 =	vadd.f32 v8, v16  }
0x243: {  	[tilespmem:s23+$0x10] =	vst v2;
	v2 =	vadd.f32 v3, v16;
	v3 =	vadd.f32 v61, v62  }
0x244: {  	[tilespmem:s23+$0x20] =	vst v1;
	v1 =	vadd.f32 v8, v57;
	v63 =	vadd.f32 v62, v16  }
0x245: {  	[tilespmem:s23+$0x30] =	vst v4;
	v2 =	vadd.f32 v2, v47;
	v3 =	vadd.f32 v3, v16  }
0x246: {  	[tilespmem:s23+$0x40] =	vst v1;
	v1 =	vadd.f32 v63, v50  }
0x247: {  	[tilespmem:s23+$0x50] =	vst v2;
	v2 =	vadd.f32 v3, v52  }
0x248: {  	[tilespmem:s23+$0x60] =	vst v1  }
0x249: {  	[tilespmem:s23+$0x70] =	vst v2  }
0x24a: {  	[hbm4b:s10+s16] =	stream.strided.scatter [tilespmem:s2], [sflag:$0x4], $0x8000, s12, s16, $0x38;
	[tilespmem:$0x18000] =	vst v63  }
0x24b: {  	_ =	swait.ge [sflag:s20], $0x8000  }
0x24c: {  	[sflag:s20] =	ssyncset.done $0x0  }
0x24d: {  	s22 =	sadd.s32 $0x1, s22;
	[sflag:s20] =	ssyncadd.s32 $0xFFFF8000  }
0x24e: {  	p0 =	sne.s32 s22, s11;
	_ =	swait.ge [sflag:s21], $0x8000  }
.Ltmp4:
0x24f: {  	[sflag:s21] =	ssyncset.done $0x0;
	(pc) =	sbr.rel @p0 .LBB2_1-.Ltmp4, $4  }
0x250: {  	[sflag:s21] =	ssyncadd.s32 $0xFFFF8000  }
0x251: {  	_ =	swait.ge [sflag:s18], $0x8000  }
0x252: {  	[sflag:s18] =	ssyncset.done $0x0  }
0x253: {  	[sflag:s18] =	ssyncadd.s32 $0xFFFF8000  }
0x254: {  	_ =	sfence.sel $0x180000  }
0x255: {  	[bflag:$0x0] =	sbarrier.arrive $0xFFFF  }
0x256: {  	p0 =	sne.s32 s1, $0x0;
	_ =	strace $0x90000047  }
0x257: {  	s0 =	sadd.s32 @!p0 $0x100000, s0;
	[bflag:$0x2] =	sbarrier.arrive $0xFFFF  }
0x258: {  	[sflag:s0] =	ssyncadd.tile.s32 @!p0 $0x1;
	_ =	shalt  }
.Lfunc_end2:
_tile_overlayer_lowered:
.L_overlay_start_2:
0x259: {  	(tag) =	ssettag $0x2  }
0x25a: {  	s0 =	rddreg [dreg:$0x0];
	s2 =	stileid.u32  }
0x25b: {  	s1 =	rddreg [dreg:$0x1];
	p0 =	sne.s32 s2, $0x0  }
0x25c: {  	s3 =	rddreg [dreg:$0x2];
	[bflag:$0x3] =	sbarrier.arrive $0xFFFF;
	s2 =	simm.s32 @!p0 $0x1C07  }
0x25d: {  	[timem:s3], [sflag:s2] =	dma.local @!p0 [hbm:s0], s1  }
0x25e: {  	s0 =	simm.s32 @!p0 $0x7  }
0x25f: {  	_ =	swait.ge @!p0 [sflag:s0], s1  }
0x260: {  	s1 =	ssub.s32 @!p0 $0x0, s1;
	[sflag:s0] =	ssyncset.done @!p0 $0x0  }
0x261: {  	[sflag:s0] =	ssyncadd.s32 @!p0 s1  }
0x262: {  	[bflag:$0x3] =	sbarrier.arrive $0xFFFF  }
0x263: {  	_ =	shalt  }

</sc_bundles>
